<compile_context>
chip_gen: v7x
topology: tpu7x:2x2x1
jax: 0.10.2.dev20260603
libtpu: 0.0.44.dev20260713+nightly
codegen_flags: <defaults>
</compile_context>

<pallas_src>
import functools

import jax
import jax.numpy as jnp
from jax import lax
from jax.experimental import pallas as pl
from jax.experimental.pallas import tpu as pltpu
from jax.experimental.pallas import tpu_sc as plsc

N = 10000
E = 160000
D = 256
H = 128
NC = 2
NS = 16
CH = 128
EP = E // NS
NF = EP // CH
TAIL = EP - NF * CH
ZR = 80
NRCH = N // ZR
CW = 8
CCH = 128
CEP = E // (NC * NS)
CNF = CEP // CCH
CTAIL = CEP - CNF * CCH

@functools.lru_cache(maxsize=None)
def _build_sc_kernels():
    mesh = plsc.VectorSubcoreMesh(
        core_axis_name="c", subcore_axis_name="s",
        num_cores=NC, num_subcores=NS,
    )
    seg = functools.partial(
        pl.kernel,
        out_type=jax.ShapeDtypeStruct((2 * N, H), jnp.float32),
        mesh=mesh,
        scratch_types=[
            pltpu.VMEM((EP,), jnp.int32),
            pltpu.VMEM((CH,), jnp.int32),
            pltpu.VMEM((CH,), jnp.int32),
            pltpu.VMEM((TAIL,), jnp.int32),
            pltpu.VMEM((CH, H), jnp.float32),
            pltpu.VMEM((CH, H), jnp.float32),
            pltpu.VMEM((TAIL, H), jnp.float32),
            pltpu.VMEM_SHARED((N, H), jnp.float32),
            pltpu.SemaphoreType.DMA,
            pltpu.SemaphoreType.DMA,
            pltpu.SemaphoreType.DMA,
            pltpu.SemaphoreType.DMA,
            pltpu.SemaphoreType.DMA,
            pltpu.SemaphoreType.DMA,
        ],
    )(_sc_seg_sum_body)
    cnts = functools.partial(
        pl.kernel,
        out_type=jax.ShapeDtypeStruct((NC * N, H), jnp.float32),
        mesh=mesh,
        scratch_types=[
            pltpu.VMEM((CCH,), jnp.int32),
            pltpu.VMEM((CCH,), jnp.int32),
            pltpu.VMEM((CTAIL,), jnp.int32),
            pltpu.VMEM((CCH, H), jnp.float32),
            pltpu.VMEM((ZR, H), jnp.float32),
            pltpu.VMEM_SHARED((N, H), jnp.float32),
            pltpu.SemaphoreType.DMA,
            pltpu.SemaphoreType.DMA,
            pltpu.SemaphoreType.DMA,
            pltpu.SemaphoreType.DMA,
            pltpu.SemaphoreType.DMA,
        ],
    )(_sc_counts_body)
    return seg, cnts


def _sc_seg_sum_body(hl_hbm, src_hbm, dst_hbm, out_hbm,
                     src_a, dst0, dst1, dst_t, rows0, rows1, rows_t, acc,
                     gsem, dsem0, dsem1, ssem0, ssem1, wsem):
    c = lax.axis_index("c")
    s = lax.axis_index("s")
    rows = (rows0, rows1)
    dsts = (dst0, dst1)
    dsems = (dsem0, dsem1)
    ssems = (ssem0, ssem1)

    pltpu.async_copy(src_hbm.at[pl.ds(c * E + s * EP, EP)], src_a, gsem)

    def zbody(i, _):
        r = i // (H // 16)
        k = i % (H // 16)
        rows0[r, pl.ds(k * 16, 16)] = jnp.zeros((16,), jnp.float32)
        return 0
    lax.fori_loop(0, CH * (H // 16), zbody, 0)

    rlo = (s * NRCH) // NS
    rhi = ((s + 1) * NRCH) // NS
    zsrc = rows0.at[pl.ds(0, ZR)]

    def zcopy(j, _):
        pltpu.async_copy(zsrc, acc.at[pl.ds(j * ZR, ZR)], wsem)
        return 0
    lax.fori_loop(rlo, rhi, zcopy, 0)

    def zwait(j, _):
        pltpu.make_async_copy(zsrc, acc.at[pl.ds(j * ZR, ZR)], wsem).wait()
        return 0
    lax.fori_loop(rlo, rhi, zwait, 0)
    pltpu.make_async_copy(
        src_hbm.at[pl.ds(c * E + s * EP, EP)], src_a, gsem).wait()
    plsc.subcore_barrier()

    def src_sl(j):
        return src_a.at[pl.ds(j * CH, CH)]

    def dst_sl(j):
        return dst_hbm.at[pl.ds(s * EP + j * CH, CH)]

    pltpu.async_copy(dst_sl(0), dsts[0], dsems[0])
    pltpu.async_copy(hl_hbm.at[src_sl(0)], rows[0], gsem)

    def step(j, b, first, prefetch):
        pltpu.make_async_copy(hl_hbm.at[src_sl(j)], rows[b], gsem).wait()
        pltpu.make_async_copy(dst_sl(j), dsts[b], dsems[b]).wait()
        pltpu.async_copy(rows[b], acc.at[dsts[b]], ssems[b], add=True)
        if not first:
            pltpu.make_async_copy(
                rows[1 - b], acc.at[dsts[1 - b]], ssems[1 - b]).wait()

        if prefetch:
            @pl.when(j + 1 < NF)
            def _():
                pltpu.async_copy(dst_sl(j + 1), dsts[1 - b], dsems[1 - b])
                pltpu.async_copy(hl_hbm.at[src_sl(j + 1)], rows[1 - b], gsem)

    step(0, 0, first=True, prefetch=True)

    def body(i, _):
        step(1 + 2 * i, 1, first=False, prefetch=True)
        step(2 + 2 * i, 0, first=False, prefetch=True)
        return 0
    lax.fori_loop(0, (NF - 2) // 2, body, 0)

    step(NF - 1, 1, first=False, prefetch=False)

    toff = s * EP + NF * CH
    pltpu.async_copy(dst_hbm.at[pl.ds(toff, TAIL)], dst_t, dsems[0])
    pltpu.async_copy(hl_hbm.at[src_a.at[pl.ds(NF * CH, TAIL)]], rows_t, gsem)
    pltpu.make_async_copy(
        hl_hbm.at[src_a.at[pl.ds(NF * CH, TAIL)]], rows_t, gsem).wait()
    pltpu.make_async_copy(dst_hbm.at[pl.ds(toff, TAIL)], dst_t, dsems[0]).wait()
    pltpu.sync_copy(rows_t, acc.at[dst_t], add=True)

    pltpu.make_async_copy(rows[1], acc.at[dsts[1]], ssems[1]).wait()

    plsc.subcore_barrier()

    def wcopy(j, _):
        pltpu.async_copy(acc.at[pl.ds(j * ZR, ZR)],
                         out_hbm.at[pl.ds(c * N + j * ZR, ZR)], wsem)
        return 0
    lax.fori_loop(rlo, rhi, wcopy, 0)

    def wwait(j, _):
        pltpu.make_async_copy(acc.at[pl.ds(j * ZR, ZR)],
                              out_hbm.at[pl.ds(c * N + j * ZR, ZR)],
                              wsem).wait()
        return 0
    lax.fori_loop(rlo, rhi, wwait, 0)


def _sc_counts_body(dst_hbm, out_hbm, dst0, dst1, dst_t, ones_v, zero_v,
                    cacc, dsem0, dsem1, ssem0, ssem1, wsem):
    c = lax.axis_index("c")
    s = lax.axis_index("s")
    dsts = (dst0, dst1)
    dsems = (dsem0, dsem1)
    ssems = (ssem0, ssem1)

    def zbody(i, _):
        r = i // (H // 16)
        k = i % (H // 16)
        zero_v[r, pl.ds(k * 16, 16)] = jnp.zeros((16,), jnp.float32)
        return 0
    lax.fori_loop(0, ZR * (H // 16), zbody, 0)

    def obody(i, _):
        r = i // (H // 16)
        k = i % (H // 16)
        ones_v[r, pl.ds(k * 16, 16)] = jnp.ones((16,), jnp.float32)
        return 0
    lax.fori_loop(0, CCH * (H // 16), obody, 0)

    rlo = (s * NRCH) // NS
    rhi = ((s + 1) * NRCH) // NS

    def zcopy(j, _):
        pltpu.async_copy(zero_v, cacc.at[pl.ds(j * ZR, ZR)], wsem)
        return 0
    lax.fori_loop(rlo, rhi, zcopy, 0)

    def zwait(j, _):
        pltpu.make_async_copy(zero_v, cacc.at[pl.ds(j * ZR, ZR)], wsem).wait()
        return 0
    lax.fori_loop(rlo, rhi, zwait, 0)
    plsc.subcore_barrier()

    ebase = (c * NS + s) * CEP

    def dst_sl(j):
        return dst_hbm.at[pl.ds(ebase + j * CCH, CCH)]

    pltpu.async_copy(dst_sl(0), dsts[0], dsems[0])

    def step(j, b, first, prefetch):
        pltpu.make_async_copy(dst_sl(j), dsts[b], dsems[b]).wait()
        pltpu.async_copy(ones_v, cacc.at[dsts[b]], ssems[b], add=True)
        if not first:
            pltpu.make_async_copy(
                ones_v, cacc.at[dsts[1 - b]], ssems[1 - b]).wait()

        if prefetch:
            @pl.when(j + 1 < CNF)
            def _():
                pltpu.async_copy(dst_sl(j + 1), dsts[1 - b], dsems[1 - b])

    step(0, 0, first=True, prefetch=True)

    def body(i, _):
        step(1 + 2 * i, 1, first=False, prefetch=True)
        step(2 + 2 * i, 0, first=False, prefetch=True)
        return 0
    lax.fori_loop(0, (CNF - 3) // 2, body, 0)
    step(CNF - 2, (CNF - 2) % 2, first=False, prefetch=True)
    step(CNF - 1, (CNF - 1) % 2, first=False, prefetch=False)

    toff = ebase + CNF * CCH
    pltpu.async_copy(dst_hbm.at[pl.ds(toff, CTAIL)], dst_t, dsems[0])
    pltpu.make_async_copy(dst_hbm.at[pl.ds(toff, CTAIL)], dst_t,
                          dsems[0]).wait()
    pltpu.sync_copy(ones_v.at[pl.ds(0, CTAIL)], cacc.at[dst_t], add=True)

    lastb = (CNF - 1) % 2
    pltpu.make_async_copy(ones_v, cacc.at[dsts[lastb]], ssems[lastb]).wait()

    plsc.subcore_barrier()

    def wcopy(j, _):
        pltpu.async_copy(cacc.at[pl.ds(j * ZR, ZR)],
                         out_hbm.at[pl.ds(c * N + j * ZR, ZR)], wsem)
        return 0
    lax.fori_loop(rlo, rhi, wcopy, 0)

    def wwait(j, _):
        pltpu.make_async_copy(cacc.at[pl.ds(j * ZR, ZR)],
                              out_hbm.at[pl.ds(c * N + j * ZR, ZR)],
                              wsem).wait()
        return 0
    lax.fori_loop(rlo, rhi, wwait, 0)


R = 1000
NB = N // R
KSPLIT = 4


def _tc_entry_body(x_ref, w_ref, cA_ref, cB_ref, z_ref, inv_ref):
    z_ref[...] = jnp.dot(x_ref[...], w_ref[...],
                         preferred_element_type=jnp.float32)
    cnt = cA_ref[:, :CW] + cB_ref[:, :CW]
    inv_ref[...] = 1.0 / jnp.maximum(cnt, 1.0)


def _tc_entry(x, wall, cnt_p):
    nbr = N // R
    return pl.pallas_call(
        _tc_entry_body,
        grid=(NB, KSPLIT),
        in_specs=[
            pl.BlockSpec((R, D), lambda i, k: (i, 0)),
            pl.BlockSpec((D, H), lambda i, k: (0, k)),
            pl.BlockSpec((R, H), lambda i, k: (i, 0)),
            pl.BlockSpec((R, H), lambda i, k: (nbr + i, 0)),
        ],
        out_specs=[
            pl.BlockSpec((R, H), lambda i, k: (k * nbr + i, 0)),
            pl.BlockSpec((R, CW), lambda i, k: (i, 0)),
        ],
        out_shape=[
            jax.ShapeDtypeStruct((4 * N, H), jnp.float32),
            jax.ShapeDtypeStruct((N, CW), jnp.float32),
        ],
    )(x, wall, cnt_p, cnt_p)


def _tc_mid_body(sA_ref, sB_ref, hA_ref, hB_ref, inv_ref, b_ref,
                 w_ref, z_ref):
    inv = inv_ref[:, 0:1]
    b = b_ref[...]
    h0 = sA_ref[...] * inv + hA_ref[...] + b[:, :H]
    h1 = sB_ref[...] * inv + hB_ref[...] + b[:, H:]
    h = jax.nn.relu(jnp.concatenate([h0, h1], axis=1))
    z_ref[...] = jnp.dot(h, w_ref[...], preferred_element_type=jnp.float32)


def _tc_mid(s_st, z_prev, invc, b2, wall):
    nbr = N // R
    return pl.pallas_call(
        _tc_mid_body,
        grid=(NB, KSPLIT),
        in_specs=[
            pl.BlockSpec((R, H), lambda i, k: (i, 0)),
            pl.BlockSpec((R, H), lambda i, k: (nbr + i, 0)),
            pl.BlockSpec((R, H), lambda i, k: (2 * nbr + i, 0)),
            pl.BlockSpec((R, H), lambda i, k: (3 * nbr + i, 0)),
            pl.BlockSpec((R, CW), lambda i, k: (i, 0)),
            pl.BlockSpec((1, D), lambda i, k: (0, 0)),
            pl.BlockSpec((D, H), lambda i, k: (0, k)),
        ],
        out_specs=pl.BlockSpec((R, H), lambda i, k: (k * nbr + i, 0)),
        out_shape=jax.ShapeDtypeStruct((4 * N, H), jnp.float32),
    )(s_st, s_st, z_prev, z_prev, invc, b2, wall)


def _tc_final_body(sA_ref, sB_ref, hA_ref, hB_ref, inv_ref, b_ref,
                   o_ref):
    inv = inv_ref[:, 0:1]
    b = b_ref[...]
    o_ref[:, :H] = sA_ref[...] * inv + hA_ref[...] + b[:, :H]
    o_ref[:, H:] = sB_ref[...] * inv + hB_ref[...] + b[:, H:]


def _tc_final(s_st, z_prev, invc, b2):
    nbr = N // R
    return pl.pallas_call(
        _tc_final_body,
        grid=(NB,),
        in_specs=[
            pl.BlockSpec((R, H), lambda i: (i, 0)),
            pl.BlockSpec((R, H), lambda i: (nbr + i, 0)),
            pl.BlockSpec((R, H), lambda i: (2 * nbr + i, 0)),
            pl.BlockSpec((R, H), lambda i: (3 * nbr + i, 0)),
            pl.BlockSpec((R, CW), lambda i: (i, 0)),
            pl.BlockSpec((1, D), lambda i: (0, 0)),
        ],
        out_specs=pl.BlockSpec((R, D), lambda i: (i, 0)),
        out_shape=jax.ShapeDtypeStruct((N, D), jnp.float32),
    )(s_st, s_st, z_prev, z_prev, invc, b2)


def kernel(x, edge_index, edge_attr, Wl0, bl0, Wr0, Wl1, bl1, Wr1, Wl2, bl2, Wr2):
    src = edge_index[0]
    dst = edge_index[1]
    src_st = jnp.concatenate([src, src + N])

    w0 = jnp.concatenate([Wl0.T, Wr0.T], axis=1)
    w1 = jnp.concatenate([Wl1.T, Wr1.T], axis=1)
    w2 = jnp.concatenate([Wl2.T, Wr2.T], axis=1)
    b0 = bl0.reshape(1, D)
    b1 = bl1.reshape(1, D)
    b2 = bl2.reshape(1, D)

    _sc_seg_sum, _sc_counts = _build_sc_kernels()
    cnt_p = _sc_counts(dst)

    z0, invc = _tc_entry(x, w0, cnt_p)
    s0 = _sc_seg_sum(z0, src_st, dst)
    z1 = _tc_mid(s0, z0, invc, b0, w1)
    s1 = _sc_seg_sum(z1, src_st, dst)
    z2 = _tc_mid(s1, z1, invc, b1, w2)
    s2 = _sc_seg_sum(z2, src_st, dst)
    return _tc_final(s2, z2, invc, b2)

# --- scband reference (transcript-rebuilt; emitter-appended) ---
"""Pipeline reference for scband-graph-sageattr-32427003084908 (READ-ONLY COPY).

The authoritative reference and input builder live on the scoring server;
editing this copy changes nothing except your own understanding.
"""

import jax, jax.numpy as jnp
import numpy as np

N = 10000
E = 160000
D = 256
DE = 16


def setup_inputs(seed: int = 0) -> dict:
    key = jax.random.key(seed)
    ks = jax.random.split(key, 12)
    x = jax.random.normal(ks[0], (N, D), dtype=jnp.float32)
    edge_index = jax.random.randint(ks[1], (2, E), 0, N, dtype=jnp.int32)
    edge_attr = jax.random.normal(ks[2], (E, DE), dtype=jnp.float32)

    def lin_w(k, fin, fout):
        return (jax.random.normal(k, (fout, fin), dtype=jnp.float32) / jnp.sqrt(fin)).astype(jnp.float32)

    Wl0 = lin_w(ks[3], D, D); bl0 = jnp.zeros((D,), jnp.float32); Wr0 = lin_w(ks[4], D, D)
    Wl1 = lin_w(ks[5], D, D); bl1 = jnp.zeros((D,), jnp.float32); Wr1 = lin_w(ks[6], D, D)
    Wl2 = lin_w(ks[7], D, D); bl2 = jnp.zeros((D,), jnp.float32); Wr2 = lin_w(ks[8], D, D)
    return {"x": x, "edge_index": edge_index, "edge_attr": edge_attr,
            "Wl0": Wl0, "bl0": bl0, "Wr0": Wr0,
            "Wl1": Wl1, "bl1": bl1, "Wr1": Wr1,
            "Wl2": Wl2, "bl2": bl2, "Wr2": Wr2}


def _sage_conv(x, src, dst, Wl, bl, Wr):
    # propagate with aggr='mean', default message = x_j (edge_attr passed but
    # SAGEConvAttr defines no custom message, so it is unused in aggregation)
    msg = jnp.take(x, src, axis=0)
    s = jax.ops.segment_sum(msg, dst, num_segments=N)
    cnt = jax.ops.segment_sum(jnp.ones((src.shape[0],), x.dtype), dst, num_segments=N)
    agg = s / jnp.maximum(cnt, 1.0)[:, None]
    # out = lin_l(agg) + lin_r(x)
    return agg @ Wl.T + bl + x @ Wr.T


def reference(x, edge_index, edge_attr, Wl0, bl0, Wr0, Wl1, bl1, Wr1, Wl2, bl2, Wr2):
    src = edge_index[0]
    dst = edge_index[1]
    h = _sage_conv(x, src, dst, Wl0, bl0, Wr0)
    h = jax.nn.relu(h)  # dropout p=0.0 -> identity
    h = _sage_conv(h, src, dst, Wl1, bl1, Wr1)
    h = jax.nn.relu(h)
    out = _sage_conv(h, src, dst, Wl2, bl2, Wr2)
    return out

if __name__ == "__main__":
    import jax
    _d = setup_inputs()
    print(jax.jit(kernel)(*tuple(_d.values())))

</pallas_src>

<mosaic_0001>
#map = affine_map<(d0, d1) -> (0)>
#map1 = affine_map<(d0, d1) -> (0, 0)>
module attributes {stable_mosaic.version = 14 : i64} {
  func.func @_sc_counts_body(%arg0: i32, %arg1: i32, %arg2: memref<160000xi32, #tpu.memory_space<hbm>>, %arg3: memref<20000x128xf32, #tpu.memory_space<hbm>>, %arg4: memref<128xi32, #tpu.memory_space<vmem>>, %arg5: memref<128xi32, #tpu.memory_space<vmem>>, %arg6: memref<8xi32, #tpu.memory_space<vmem>>, %arg7: memref<128x128xf32, #tpu.memory_space<vmem>>, %arg8: memref<80x128xf32, #tpu.memory_space<vmem>>, %arg9: memref<10000x128xf32, #tpu.memory_space<vmem_shared>>, %arg10: memref<!tpu.dma_semaphore, #tpu.memory_space<semaphore_mem>>, %arg11: memref<!tpu.dma_semaphore, #tpu.memory_space<semaphore_mem>>, %arg12: memref<!tpu.dma_semaphore, #tpu.memory_space<semaphore_mem>>, %arg13: memref<!tpu.dma_semaphore, #tpu.memory_space<semaphore_mem>>, %arg14: memref<!tpu.dma_semaphore, #tpu.memory_space<semaphore_mem>>) attributes {dimension_semantics = [#tpu.dimension_semantics<core_parallel>, #tpu.dimension_semantics<subcore_parallel>], iteration_bounds = array<i64: 2, 16>, scalar_prefetch = 0 : i64, scratch_operands = 11 : i64, tpu.core_type = #tpu.core_type<sc_vector_subcore>, window_params = [{transform_indices = #map}, {transform_indices = #map1}]} {
    %scan3A = arith.constant 0 : i32
    %scan3A_0 = arith.constant 0 : i32
    %scan3A_1 = arith.constant 640 : i32
    %scan3A_2 = arith.addi %scan3A_0, %scan3A_1 : i32
    %scan3A_3 = arith.constant 1 : i32
    %scan3A_4 = scf.for %scan3A_159 = %scan3A_0 to %scan3A_2 step %scan3A_3 iter_args(%scan3A_160 = %scan3A) -> (i32)  : i32 {
      %jit3A_161 = arith.constant 8 : i32
      %div3A_162 = arith.divsi %scan3A_159, %jit3A_161 : i32
      %sign3A_163 = arith.constant 0 : i32
      %sign3A_164 = arith.cmpi sgt, %scan3A_159, %sign3A_163 : i32
      %sign3A_165 = arith.extui %sign3A_164 : i1 to i32
      %sign3A_166 = arith.constant 0 : i32
      %sign3A_167 = arith.cmpi slt, %scan3A_159, %sign3A_166 : i32
      %sign3A_168 = arith.extui %sign3A_167 : i1 to i32
      %sign3A_169 = arith.subi %sign3A_165, %sign3A_168 : i32
      %sign3A_170 = arith.constant 0 : i32
      %sign3A_171 = arith.cmpi sgt, %jit3A_161, %sign3A_170 : i32
      %sign3A_172 = arith.extui %sign3A_171 : i1 to i32
      %sign3A_173 = arith.constant 0 : i32
      %sign3A_174 = arith.cmpi slt, %jit3A_161, %sign3A_173 : i32
      %sign3A_175 = arith.extui %sign3A_174 : i1 to i32
      %sign3A_176 = arith.subi %sign3A_172, %sign3A_175 : i32
      %ne3A_177 = arith.cmpi ne, %sign3A_169, %sign3A_176 : i32
      %rem3A_178 = arith.remsi %scan3A_159, %jit3A_161 : i32
      %ne3A_179 = arith.constant 0 : i32
      %ne3A_180 = arith.cmpi ne, %rem3A_178, %ne3A_179 : i32
      %and3A_181 = arith.andi %ne3A_177, %ne3A_180 : i1
      %sub3A_182 = arith.constant 1 : i32
      %sub3A_183 = arith.subi %div3A_162, %sub3A_182 : i32
      %select_n3A_184 = arith.select %and3A_181, %sub3A_183, %div3A_162 : i32
      %jit3A_185 = arith.constant 8 : i32
      %eq3A = arith.constant 0 : i32
      %eq3A_186 = arith.cmpi eq, %jit3A_185, %eq3A : i32
      %jit3A_187 = arith.constant 1 : i32
      %select_n3A_188 = arith.select %eq3A_186, %jit3A_187, %jit3A_185 : i32
      %rem3A_189 = arith.remsi %scan3A_159, %select_n3A_188 : i32
      %ne3A_190 = arith.constant 0 : i32
      %ne3A_191 = arith.cmpi ne, %rem3A_189, %ne3A_190 : i32
      %lt3A = arith.constant 0 : i32
      %lt3A_192 = arith.cmpi slt, %rem3A_189, %lt3A : i32
      %lt3A_193 = arith.constant 0 : i32
      %lt3A_194 = arith.cmpi slt, %select_n3A_188, %lt3A_193 : i32
      %ne3A_195 = arith.xori %lt3A_192, %lt3A_194 : i1
      %and3A_196 = arith.andi %ne3A_195, %ne3A_191 : i1
      %add3A_197 = arith.addi %rem3A_189, %select_n3A_188 : i32
      %select_n3A_198 = arith.select %and3A_196, %add3A_197, %rem3A_189 : i32
      %broadcast_in_dim3A = arith.constant 0.000000e+00 : f32
      %broadcast_in_dim3A_199 = vector.broadcast %broadcast_in_dim3A : f32 to vector<16xf32>
      %mul3A_200 = arith.constant 16 : i32
      %mul3A_201 = arith.muli %select_n3A_198, %mul3A_200 : i32
      %swap3A = arith.index_cast %select_n3A_184 : i32 to index
      %swap3A_202 = arith.index_cast %mul3A_201 : i32 to index
      %swap3A_203 = tpu.vector_load %arg8[%swap3A, %swap3A_202] {strides = array<i32>} : memref<80x128xf32, #tpu.memory_space<vmem>>, vector<1x16xf32>,
      %swap3A_204 = vector.shape_cast %swap3A_203 : vector<1x16xf32> to vector<16xf32>
      %swap3A_205 = vector.shape_cast %broadcast_in_dim3A_199 : vector<16xf32> to vector<1x16xf32>
      tpu.vector_store %arg8[%swap3A, %swap3A_202], %swap3A_205 {strides = array<i32>} : memref<80x128xf32, #tpu.memory_space<vmem>>, vector<1x16xf32>,
      %scan3A_206 = arith.constant 0 : i32
      scf.yield %scan3A_206 : i32
    }
    %scan3A_5 = arith.constant 640 : i32
    %scan3A_6 = arith.constant 0 : i32
    %scan3A_7 = arith.constant 0 : i32
    %scan3A_8 = arith.constant 1024 : i32
    %scan3A_9 = arith.addi %scan3A_7, %scan3A_8 : i32
    %scan3A_10 = arith.constant 1 : i32
    %scan3A_11 = scf.for %scan3A_159 = %scan3A_7 to %scan3A_9 step %scan3A_10 iter_args(%scan3A_160 = %scan3A_6) -> (i32)  : i32 {
      %jit3A_161 = arith.constant 8 : i32
      %div3A_162 = arith.divsi %scan3A_159, %jit3A_161 : i32
      %sign3A_163 = arith.constant 0 : i32
      %sign3A_164 = arith.cmpi sgt, %scan3A_159, %sign3A_163 : i32
      %sign3A_165 = arith.extui %sign3A_164 : i1 to i32
      %sign3A_166 = arith.constant 0 : i32
      %sign3A_167 = arith.cmpi slt, %scan3A_159, %sign3A_166 : i32
      %sign3A_168 = arith.extui %sign3A_167 : i1 to i32
      %sign3A_169 = arith.subi %sign3A_165, %sign3A_168 : i32
      %sign3A_170 = arith.constant 0 : i32
      %sign3A_171 = arith.cmpi sgt, %jit3A_161, %sign3A_170 : i32
      %sign3A_172 = arith.extui %sign3A_171 : i1 to i32
      %sign3A_173 = arith.constant 0 : i32
      %sign3A_174 = arith.cmpi slt, %jit3A_161, %sign3A_173 : i32
      %sign3A_175 = arith.extui %sign3A_174 : i1 to i32
      %sign3A_176 = arith.subi %sign3A_172, %sign3A_175 : i32
      %ne3A_177 = arith.cmpi ne, %sign3A_169, %sign3A_176 : i32
      %rem3A_178 = arith.remsi %scan3A_159, %jit3A_161 : i32
      %ne3A_179 = arith.constant 0 : i32
      %ne3A_180 = arith.cmpi ne, %rem3A_178, %ne3A_179 : i32
      %and3A_181 = arith.andi %ne3A_177, %ne3A_180 : i1
      %sub3A_182 = arith.constant 1 : i32
      %sub3A_183 = arith.subi %div3A_162, %sub3A_182 : i32
      %select_n3A_184 = arith.select %and3A_181, %sub3A_183, %div3A_162 : i32
      %jit3A_185 = arith.constant 8 : i32
      %eq3A = arith.constant 0 : i32
      %eq3A_186 = arith.cmpi eq, %jit3A_185, %eq3A : i32
      %jit3A_187 = arith.constant 1 : i32
      %select_n3A_188 = arith.select %eq3A_186, %jit3A_187, %jit3A_185 : i32
      %rem3A_189 = arith.remsi %scan3A_159, %select_n3A_188 : i32
      %ne3A_190 = arith.constant 0 : i32
      %ne3A_191 = arith.cmpi ne, %rem3A_189, %ne3A_190 : i32
      %lt3A = arith.constant 0 : i32
      %lt3A_192 = arith.cmpi slt, %rem3A_189, %lt3A : i32
      %lt3A_193 = arith.constant 0 : i32
      %lt3A_194 = arith.cmpi slt, %select_n3A_188, %lt3A_193 : i32
      %ne3A_195 = arith.xori %lt3A_192, %lt3A_194 : i1
      %and3A_196 = arith.andi %ne3A_195, %ne3A_191 : i1
      %add3A_197 = arith.addi %rem3A_189, %select_n3A_188 : i32
      %select_n3A_198 = arith.select %and3A_196, %add3A_197, %rem3A_189 : i32
      %broadcast_in_dim3A = arith.constant 1.000000e+00 : f32
      %broadcast_in_dim3A_199 = vector.broadcast %broadcast_in_dim3A : f32 to vector<16xf32>
      %mul3A_200 = arith.constant 16 : i32
      %mul3A_201 = arith.muli %select_n3A_198, %mul3A_200 : i32
      %swap3A = arith.index_cast %select_n3A_184 : i32 to index
      %swap3A_202 = arith.index_cast %mul3A_201 : i32 to index
      %swap3A_203 = tpu.vector_load %arg7[%swap3A, %swap3A_202] {strides = array<i32>} : memref<128x128xf32, #tpu.memory_space<vmem>>, vector<1x16xf32>,
      %swap3A_204 = vector.shape_cast %swap3A_203 : vector<1x16xf32> to vector<16xf32>
      %swap3A_205 = vector.shape_cast %broadcast_in_dim3A_199 : vector<16xf32> to vector<1x16xf32>
      tpu.vector_store %arg7[%swap3A, %swap3A_202], %swap3A_205 {strides = array<i32>} : memref<128x128xf32, #tpu.memory_space<vmem>>, vector<1x16xf32>,
      %scan3A_206 = arith.constant 0 : i32
      scf.yield %scan3A_206 : i32
    }
    %scan3A_12 = arith.constant 1024 : i32
    %mul3A = arith.constant 125 : i32
    %mul3A_13 = arith.muli %arg1, %mul3A : i32
    %jit3A = arith.constant 16 : i32
    %div3A = arith.divsi %mul3A_13, %jit3A : i32
    %sign3A = arith.constant 0 : i32
    %sign3A_14 = arith.cmpi sgt, %mul3A_13, %sign3A : i32
    %sign3A_15 = arith.extui %sign3A_14 : i1 to i32
    %sign3A_16 = arith.constant 0 : i32
    %sign3A_17 = arith.cmpi slt, %mul3A_13, %sign3A_16 : i32
    %sign3A_18 = arith.extui %sign3A_17 : i1 to i32
    %sign3A_19 = arith.subi %sign3A_15, %sign3A_18 : i32
    %sign3A_20 = arith.constant 0 : i32
    %sign3A_21 = arith.cmpi sgt, %jit3A, %sign3A_20 : i32
    %sign3A_22 = arith.extui %sign3A_21 : i1 to i32
    %sign3A_23 = arith.constant 0 : i32
    %sign3A_24 = arith.cmpi slt, %jit3A, %sign3A_23 : i32
    %sign3A_25 = arith.extui %sign3A_24 : i1 to i32
    %sign3A_26 = arith.subi %sign3A_22, %sign3A_25 : i32
    %ne3A = arith.cmpi ne, %sign3A_19, %sign3A_26 : i32
    %rem3A = arith.remsi %mul3A_13, %jit3A : i32
    %ne3A_27 = arith.constant 0 : i32
    %ne3A_28 = arith.cmpi ne, %rem3A, %ne3A_27 : i32
    %and3A = arith.andi %ne3A, %ne3A_28 : i1
    %sub3A = arith.constant 1 : i32
    %sub3A_29 = arith.subi %div3A, %sub3A : i32
    %select_n3A = arith.select %and3A, %sub3A_29, %div3A : i32
    %add3A = arith.constant 1 : i32
    %add3A_30 = arith.addi %arg1, %add3A : i32
    %mul3A_31 = arith.constant 125 : i32
    %mul3A_32 = arith.muli %add3A_30, %mul3A_31 : i32
    %jit3A_33 = arith.constant 16 : i32
    %div3A_34 = arith.divsi %mul3A_32, %jit3A_33 : i32
    %sign3A_35 = arith.constant 0 : i32
    %sign3A_36 = arith.cmpi sgt, %mul3A_32, %sign3A_35 : i32
    %sign3A_37 = arith.extui %sign3A_36 : i1 to i32
    %sign3A_38 = arith.constant 0 : i32
    %sign3A_39 = arith.cmpi slt, %mul3A_32, %sign3A_38 : i32
    %sign3A_40 = arith.extui %sign3A_39 : i1 to i32
    %sign3A_41 = arith.subi %sign3A_37, %sign3A_40 : i32
    %sign3A_42 = arith.constant 0 : i32
    %sign3A_43 = arith.cmpi sgt, %jit3A_33, %sign3A_42 : i32
    %sign3A_44 = arith.extui %sign3A_43 : i1 to i32
    %sign3A_45 = arith.constant 0 : i32
    %sign3A_46 = arith.cmpi slt, %jit3A_33, %sign3A_45 : i32
    %sign3A_47 = arith.extui %sign3A_46 : i1 to i32
    %sign3A_48 = arith.subi %sign3A_44, %sign3A_47 : i32
    %ne3A_49 = arith.cmpi ne, %sign3A_41, %sign3A_48 : i32
    %rem3A_50 = arith.remsi %mul3A_32, %jit3A_33 : i32
    %ne3A_51 = arith.constant 0 : i32
    %ne3A_52 = arith.cmpi ne, %rem3A_50, %ne3A_51 : i32
    %and3A_53 = arith.andi %ne3A_49, %ne3A_52 : i1
    %sub3A_54 = arith.constant 1 : i32
    %sub3A_55 = arith.subi %div3A_34, %sub3A_54 : i32
    %select_n3A_56 = arith.select %and3A_53, %sub3A_55, %div3A_34 : i32
    %while3A = arith.constant 0 : i32
    %while3A_57 = arith.subi %select_n3A_56, %select_n3A : i32
    %while3A_58 = arith.addi %select_n3A, %while3A_57 : i32
    %while3A_59 = arith.constant 1 : i32
    %while3A_60 = arith.divsi %while3A_57, %while3A_59 : i32
    %while3A_61 = arith.muli %while3A_60, %while3A_59 : i32
    %while3A_62 = arith.addi %select_n3A, %while3A_61 : i32
    %while3A_63 = arith.constant 1 : i32
    %while3A_64 = scf.for %while3A_159 = %select_n3A to %while3A_62 step %while3A_63 iter_args(%while3A_160 = %while3A) -> (i32)  : i32 {
      %mul3A_161 = arith.constant 80 : i32
      %mul3A_162 = arith.muli %while3A_159, %mul3A_161 : i32
      %dma_start3A_163 = arith.constant 0 : i32
      %dma_start3A_164 = tpu.memref_slice %arg9[%mul3A_162, %dma_start3A_163] : memref<10000x128xf32, #tpu.memory_space<vmem_shared>> -> memref<80x128xf32, #tpu.memory_space<vmem_shared>>
      %dma_start3A_165 = arith.constant 0 : i32
      %dma_start3A_166 = tpu.memref_slice %arg9[%mul3A_162, %dma_start3A_165] : memref<10000x128xf32, #tpu.memory_space<vmem_shared>> -> memref<80x128xf32, #tpu.memory_space<vmem_shared>>
      tpu.enqueue_dma source(%arg8 : memref<80x128xf32, #tpu.memory_space<vmem>>) target(%dma_start3A_166 : memref<80x128xf32, #tpu.memory_space<vmem_shared>>) target_semaphore(%arg14 : memref<!tpu.dma_semaphore, #tpu.memory_space<semaphore_mem>>)
      %while3A_167 = arith.constant 0 : i32
      scf.yield %while3A_167 : i32
    }
    %while3A_65 = arith.constant 1 : i32
    %while3A_66 = scf.for %while3A_159 = %while3A_62 to %while3A_58 step %while3A_65 iter_args(%while3A_160 = %while3A_64) -> (i32)  : i32 {
      %mul3A_161 = arith.constant 80 : i32
      %mul3A_162 = arith.muli %while3A_159, %mul3A_161 : i32
      %dma_start3A_163 = arith.constant 0 : i32
      %dma_start3A_164 = tpu.memref_slice %arg9[%mul3A_162, %dma_start3A_163] : memref<10000x128xf32, #tpu.memory_space<vmem_shared>> -> memref<80x128xf32, #tpu.memory_space<vmem_shared>>
      %dma_start3A_165 = arith.constant 0 : i32
      %dma_start3A_166 = tpu.memref_slice %arg9[%mul3A_162, %dma_start3A_165] : memref<10000x128xf32, #tpu.memory_space<vmem_shared>> -> memref<80x128xf32, #tpu.memory_space<vmem_shared>>
      tpu.enqueue_dma source(%arg8 : memref<80x128xf32, #tpu.memory_space<vmem>>) target(%dma_start3A_166 : memref<80x128xf32, #tpu.memory_space<vmem_shared>>) target_semaphore(%arg14 : memref<!tpu.dma_semaphore, #tpu.memory_space<semaphore_mem>>)
      %while3A_167 = arith.constant 0 : i32
      scf.yield %while3A_167 : i32
    }
    %while3A_67 = arith.constant 0 : i32
    %while3A_68 = arith.subi %select_n3A_56, %select_n3A : i32
    %while3A_69 = arith.addi %select_n3A, %while3A_68 : i32
    %while3A_70 = arith.constant 1 : i32
    %while3A_71 = arith.divsi %while3A_68, %while3A_70 : i32
    %while3A_72 = arith.muli %while3A_71, %while3A_70 : i32
    %while3A_73 = arith.addi %select_n3A, %while3A_72 : i32
    %while3A_74 = arith.constant 1 : i32
    %while3A_75 = scf.for %while3A_159 = %select_n3A to %while3A_73 step %while3A_74 iter_args(%while3A_160 = %while3A_67) -> (i32)  : i32 {
      %mul3A_161 = arith.constant 80 : i32
      %mul3A_162 = arith.muli %while3A_159, %mul3A_161 : i32
      %dma_wait3A_163 = arith.constant 0 : i32
      %dma_wait3A_164 = tpu.memref_slice %arg9[%mul3A_162, %dma_wait3A_163] : memref<10000x128xf32, #tpu.memory_space<vmem_shared>> -> memref<80x128xf32, #tpu.memory_space<vmem_shared>>
      %dma_wait3A_165 = arith.constant 0 : i32
      %dma_wait3A_166 = tpu.memref_slice %arg9[%mul3A_162, %dma_wait3A_165] : memref<10000x128xf32, #tpu.memory_space<vmem_shared>> -> memref<80x128xf32, #tpu.memory_space<vmem_shared>>
      tpu.wait_dma2 semaphore(%arg14 : memref<!tpu.dma_semaphore, #tpu.memory_space<semaphore_mem>>) src(%arg8 : memref<80x128xf32, #tpu.memory_space<vmem>>) dst(%dma_wait3A_166 : memref<80x128xf32, #tpu.memory_space<vmem_shared>>)
      %while3A_167 = arith.constant 0 : i32
      scf.yield %while3A_167 : i32
    }
    %while3A_76 = arith.constant 1 : i32
    %while3A_77 = scf.for %while3A_159 = %while3A_73 to %while3A_69 step %while3A_76 iter_args(%while3A_160 = %while3A_75) -> (i32)  : i32 {
      %mul3A_161 = arith.constant 80 : i32
      %mul3A_162 = arith.muli %while3A_159, %mul3A_161 : i32
      %dma_wait3A_163 = arith.constant 0 : i32
      %dma_wait3A_164 = tpu.memref_slice %arg9[%mul3A_162, %dma_wait3A_163] : memref<10000x128xf32, #tpu.memory_space<vmem_shared>> -> memref<80x128xf32, #tpu.memory_space<vmem_shared>>
      %dma_wait3A_165 = arith.constant 0 : i32
      %dma_wait3A_166 = tpu.memref_slice %arg9[%mul3A_162, %dma_wait3A_165] : memref<10000x128xf32, #tpu.memory_space<vmem_shared>> -> memref<80x128xf32, #tpu.memory_space<vmem_shared>>
      tpu.wait_dma2 semaphore(%arg14 : memref<!tpu.dma_semaphore, #tpu.memory_space<semaphore_mem>>) src(%arg8 : memref<80x128xf32, #tpu.memory_space<vmem>>) dst(%dma_wait3A_166 : memref<80x128xf32, #tpu.memory_space<vmem_shared>>)
      %while3A_167 = arith.constant 0 : i32
      scf.yield %while3A_167 : i32
    }
    %barrier3A = arith.constant 0 : index
    tpu.barrier barrier_id(%barrier3A)
    %mul3A_78 = arith.constant 16 : i32
    %mul3A_79 = arith.muli %arg0, %mul3A_78 : i32
    %add3A_80 = arith.addi %mul3A_79, %arg1 : i32
    %mul3A_81 = arith.constant 5000 : i32
    %mul3A_82 = arith.muli %add3A_80, %mul3A_81 : i32
    %add3A_83 = arith.constant 0 : i32
    %add3A_84 = arith.addi %mul3A_82, %add3A_83 : i32
    %dma_start3A = tpu.memref_slice %arg2[%add3A_84] : memref<160000xi32, #tpu.memory_space<hbm>> -> memref<128xi32, #tpu.memory_space<hbm>>
    %dma_start3A_85 = tpu.memref_slice %arg2[%add3A_84] : memref<160000xi32, #tpu.memory_space<hbm>> -> memref<128xi32, #tpu.memory_space<hbm>>
    tpu.enqueue_dma source(%dma_start3A_85 : memref<128xi32, #tpu.memory_space<hbm>>) target(%arg4 : memref<128xi32, #tpu.memory_space<vmem>>) target_semaphore(%arg10 : memref<!tpu.dma_semaphore, #tpu.memory_space<semaphore_mem>>)
    %add3A_86 = arith.constant 0 : i32
    %add3A_87 = arith.addi %mul3A_82, %add3A_86 : i32
    %dma_wait3A = tpu.memref_slice %arg2[%add3A_87] : memref<160000xi32, #tpu.memory_space<hbm>> -> memref<128xi32, #tpu.memory_space<hbm>>
    %dma_wait3A_88 = tpu.memref_slice %arg2[%add3A_87] : memref<160000xi32, #tpu.memory_space<hbm>> -> memref<128xi32, #tpu.memory_space<hbm>>
    tpu.wait_dma2 semaphore(%arg10 : memref<!tpu.dma_semaphore, #tpu.memory_space<semaphore_mem>>) src(%dma_wait3A_88 : memref<128xi32, #tpu.memory_space<hbm>>) dst(%arg4 : memref<128xi32, #tpu.memory_space<vmem>>)
    %dma_start3A_89 = arith.constant 0 : i32
    %dma_start3A_90 = arith.constant 0 : i32
    %dma_start3A_91 = tpu.memref_slice %arg9[%dma_start3A_89, %dma_start3A_90] : memref<10000x128xf32, #tpu.memory_space<vmem_shared>> -> memref<10000x128xf32, #tpu.memory_space<vmem_shared>>
    tpu.enqueue_indirect_dma source(%arg7 : memref<128x128xf32, #tpu.memory_space<vmem>>) target(%dma_start3A_91 : memref<10000x128xf32, #tpu.memory_space<vmem_shared>>) offsets(%arg4 : memref<128xi32, #tpu.memory_space<vmem>>) semaphore(%arg12 : memref<!tpu.dma_semaphore, #tpu.memory_space<semaphore_mem>>) {add = true}
    %add3A_92 = arith.constant 128 : i32
    %add3A_93 = arith.addi %mul3A_82, %add3A_92 : i32
    %dma_start3A_94 = tpu.memref_slice %arg2[%add3A_93] : memref<160000xi32, #tpu.memory_space<hbm>> -> memref<128xi32, #tpu.memory_space<hbm>>
    %dma_start3A_95 = tpu.memref_slice %arg2[%add3A_93] : memref<160000xi32, #tpu.memory_space<hbm>> -> memref<128xi32, #tpu.memory_space<hbm>>
    tpu.enqueue_dma source(%dma_start3A_95 : memref<128xi32, #tpu.memory_space<hbm>>) target(%arg5 : memref<128xi32, #tpu.memory_space<vmem>>) target_semaphore(%arg11 : memref<!tpu.dma_semaphore, #tpu.memory_space<semaphore_mem>>)
    %scan3A_96 = arith.constant 0 : i32
    %scan3A_97 = arith.constant 0 : i32
    %scan3A_98 = arith.constant 18 : i32
    %scan3A_99 = arith.addi %scan3A_97, %scan3A_98 : i32
    %scan3A_100 = arith.constant 1 : i32
    %scan3A_101 = scf.for %scan3A_159 = %scan3A_97 to %scan3A_99 step %scan3A_100 iter_args(%scan3A_160 = %scan3A_96) -> (i32)  : i32 {
      %mul3A_161 = arith.constant 2 : i32
      %mul3A_162 = arith.muli %mul3A_161, %scan3A_159 : i32
      %add3A_163 = arith.constant 1 : i32
      %add3A_164 = arith.addi %add3A_163, %mul3A_162 : i32
      %mul3A_165 = arith.constant 128 : i32
      %mul3A_166 = arith.muli %add3A_164, %mul3A_165 : i32
      %add3A_167 = arith.addi %mul3A_82, %mul3A_166 : i32
      %dma_wait3A_168 = tpu.memref_slice %arg2[%add3A_167] : memref<160000xi32, #tpu.memory_space<hbm>> -> memref<128xi32, #tpu.memory_space<hbm>>
      %dma_wait3A_169 = tpu.memref_slice %arg2[%add3A_167] : memref<160000xi32, #tpu.memory_space<hbm>> -> memref<128xi32, #tpu.memory_space<hbm>>
      tpu.wait_dma2 semaphore(%arg11 : memref<!tpu.dma_semaphore, #tpu.memory_space<semaphore_mem>>) src(%dma_wait3A_169 : memref<128xi32, #tpu.memory_space<hbm>>) dst(%arg5 : memref<128xi32, #tpu.memory_space<vmem>>)
      %dma_start3A_170 = arith.constant 0 : i32
      %dma_start3A_171 = arith.constant 0 : i32
      %dma_start3A_172 = tpu.memref_slice %arg9[%dma_start3A_170, %dma_start3A_171] : memref<10000x128xf32, #tpu.memory_space<vmem_shared>> -> memref<10000x128xf32, #tpu.memory_space<vmem_shared>>
      tpu.enqueue_indirect_dma source(%arg7 : memref<128x128xf32, #tpu.memory_space<vmem>>) target(%dma_start3A_172 : memref<10000x128xf32, #tpu.memory_space<vmem_shared>>) offsets(%arg5 : memref<128xi32, #tpu.memory_space<vmem>>) semaphore(%arg13 : memref<!tpu.dma_semaphore, #tpu.memory_space<semaphore_mem>>) {add = true}
      %dma_wait3A_173 = arith.constant 0 : i32
      %dma_wait3A_174 = arith.constant 0 : i32
      %dma_wait3A_175 = tpu.memref_slice %arg9[%dma_wait3A_173, %dma_wait3A_174] : memref<10000x128xf32, #tpu.memory_space<vmem_shared>> -> memref<10000x128xf32, #tpu.memory_space<vmem_shared>>
      tpu.wait_indirect_dma semaphore(%arg12 : memref<!tpu.dma_semaphore, #tpu.memory_space<semaphore_mem>>) src(%arg7 : memref<128x128xf32, #tpu.memory_space<vmem>>) dst(%dma_wait3A_175 : memref<10000x128xf32, #tpu.memory_space<vmem_shared>>)
      %add3A_176 = arith.constant 1 : i32
      %add3A_177 = arith.addi %add3A_164, %add3A_176 : i32
      %lt3A = arith.constant 39 : i32
      %lt3A_178 = arith.cmpi slt, %add3A_177, %lt3A : i32
      %convert_element_type3A = arith.extui %lt3A_178 : i1 to i32
      %cond3A = arith.constant 0 : i32
      %cond3A_179 = arith.cmpi ne, %convert_element_type3A, %cond3A : i32
      scf.if %cond3A_179 {
        %add3A_203 = arith.constant 1 : i32
        %add3A_204 = arith.addi %add3A_164, %add3A_203 : i32
        %mul3A_205 = arith.constant 128 : i32
        %mul3A_206 = arith.muli %add3A_204, %mul3A_205 : i32
        %add3A_207 = arith.addi %mul3A_82, %mul3A_206 : i32
        %dma_start3A_208 = tpu.memref_slice %arg2[%add3A_207] : memref<160000xi32, #tpu.memory_space<hbm>> -> memref<128xi32, #tpu.memory_space<hbm>>
        %dma_start3A_209 = tpu.memref_slice %arg2[%add3A_207] : memref<160000xi32, #tpu.memory_space<hbm>> -> memref<128xi32, #tpu.memory_space<hbm>>
        tpu.enqueue_dma source(%dma_start3A_209 : memref<128xi32, #tpu.memory_space<hbm>>) target(%arg4 : memref<128xi32, #tpu.memory_space<vmem>>) target_semaphore(%arg10 : memref<!tpu.dma_semaphore, #tpu.memory_space<semaphore_mem>>)
      } else {
      }
      %mul3A_180 = arith.constant 2 : i32
      %mul3A_181 = arith.muli %mul3A_180, %scan3A_159 : i32
      %add3A_182 = arith.constant 2 : i32
      %add3A_183 = arith.addi %add3A_182, %mul3A_181 : i32
      %mul3A_184 = arith.constant 128 : i32
      %mul3A_185 = arith.muli %add3A_183, %mul3A_184 : i32
      %add3A_186 = arith.addi %mul3A_82, %mul3A_185 : i32
      %dma_wait3A_187 = tpu.memref_slice %arg2[%add3A_186] : memref<160000xi32, #tpu.memory_space<hbm>> -> memref<128xi32, #tpu.memory_space<hbm>>
      %dma_wait3A_188 = tpu.memref_slice %arg2[%add3A_186] : memref<160000xi32, #tpu.memory_space<hbm>> -> memref<128xi32, #tpu.memory_space<hbm>>
      tpu.wait_dma2 semaphore(%arg10 : memref<!tpu.dma_semaphore, #tpu.memory_space<semaphore_mem>>) src(%dma_wait3A_188 : memref<128xi32, #tpu.memory_space<hbm>>) dst(%arg4 : memref<128xi32, #tpu.memory_space<vmem>>)
      %dma_start3A_189 = arith.constant 0 : i32
      %dma_start3A_190 = arith.constant 0 : i32
      %dma_start3A_191 = tpu.memref_slice %arg9[%dma_start3A_189, %dma_start3A_190] : memref<10000x128xf32, #tpu.memory_space<vmem_shared>> -> memref<10000x128xf32, #tpu.memory_space<vmem_shared>>
      tpu.enqueue_indirect_dma source(%arg7 : memref<128x128xf32, #tpu.memory_space<vmem>>) target(%dma_start3A_191 : memref<10000x128xf32, #tpu.memory_space<vmem_shared>>) offsets(%arg4 : memref<128xi32, #tpu.memory_space<vmem>>) semaphore(%arg12 : memref<!tpu.dma_semaphore, #tpu.memory_space<semaphore_mem>>) {add = true}
      %dma_wait3A_192 = arith.constant 0 : i32
      %dma_wait3A_193 = arith.constant 0 : i32
      %dma_wait3A_194 = tpu.memref_slice %arg9[%dma_wait3A_192, %dma_wait3A_193] : memref<10000x128xf32, #tpu.memory_space<vmem_shared>> -> memref<10000x128xf32, #tpu.memory_space<vmem_shared>>
      tpu.wait_indirect_dma semaphore(%arg13 : memref<!tpu.dma_semaphore, #tpu.memory_space<semaphore_mem>>) src(%arg7 : memref<128x128xf32, #tpu.memory_space<vmem>>) dst(%dma_wait3A_194 : memref<10000x128xf32, #tpu.memory_space<vmem_shared>>)
      %add3A_195 = arith.constant 1 : i32
      %add3A_196 = arith.addi %add3A_183, %add3A_195 : i32
      %lt3A_197 = arith.constant 39 : i32
      %lt3A_198 = arith.cmpi slt, %add3A_196, %lt3A_197 : i32
      %convert_element_type3A_199 = arith.extui %lt3A_198 : i1 to i32
      %cond3A_200 = arith.constant 0 : i32
      %cond3A_201 = arith.cmpi ne, %convert_element_type3A_199, %cond3A_200 : i32
      scf.if %cond3A_201 {
        %add3A_203 = arith.constant 1 : i32
        %add3A_204 = arith.addi %add3A_183, %add3A_203 : i32
        %mul3A_205 = arith.constant 128 : i32
        %mul3A_206 = arith.muli %add3A_204, %mul3A_205 : i32
        %add3A_207 = arith.addi %mul3A_82, %mul3A_206 : i32
        %dma_start3A_208 = tpu.memref_slice %arg2[%add3A_207] : memref<160000xi32, #tpu.memory_space<hbm>> -> memref<128xi32, #tpu.memory_space<hbm>>
        %dma_start3A_209 = tpu.memref_slice %arg2[%add3A_207] : memref<160000xi32, #tpu.memory_space<hbm>> -> memref<128xi32, #tpu.memory_space<hbm>>
        tpu.enqueue_dma source(%dma_start3A_209 : memref<128xi32, #tpu.memory_space<hbm>>) target(%arg5 : memref<128xi32, #tpu.memory_space<vmem>>) target_semaphore(%arg11 : memref<!tpu.dma_semaphore, #tpu.memory_space<semaphore_mem>>)
      } else {
      }
      %scan3A_202 = arith.constant 0 : i32
      scf.yield %scan3A_202 : i32
    }
    %scan3A_102 = arith.constant 18 : i32
    %add3A_103 = arith.constant 4736 : i32
    %add3A_104 = arith.addi %mul3A_82, %add3A_103 : i32
    %dma_wait3A_105 = tpu.memref_slice %arg2[%add3A_104] : memref<160000xi32, #tpu.memory_space<hbm>> -> memref<128xi32, #tpu.memory_space<hbm>>
    %dma_wait3A_106 = tpu.memref_slice %arg2[%add3A_104] : memref<160000xi32, #tpu.memory_space<hbm>> -> memref<128xi32, #tpu.memory_space<hbm>>
    tpu.wait_dma2 semaphore(%arg11 : memref<!tpu.dma_semaphore, #tpu.memory_space<semaphore_mem>>) src(%dma_wait3A_106 : memref<128xi32, #tpu.memory_space<hbm>>) dst(%arg5 : memref<128xi32, #tpu.memory_space<vmem>>)
    %dma_start3A_107 = arith.constant 0 : i32
    %dma_start3A_108 = arith.constant 0 : i32
    %dma_start3A_109 = tpu.memref_slice %arg9[%dma_start3A_107, %dma_start3A_108] : memref<10000x128xf32, #tpu.memory_space<vmem_shared>> -> memref<10000x128xf32, #tpu.memory_space<vmem_shared>>
    tpu.enqueue_indirect_dma source(%arg7 : memref<128x128xf32, #tpu.memory_space<vmem>>) target(%dma_start3A_109 : memref<10000x128xf32, #tpu.memory_space<vmem_shared>>) offsets(%arg5 : memref<128xi32, #tpu.memory_space<vmem>>) semaphore(%arg13 : memref<!tpu.dma_semaphore, #tpu.memory_space<semaphore_mem>>) {add = true}
    %dma_wait3A_110 = arith.constant 0 : i32
    %dma_wait3A_111 = arith.constant 0 : i32
    %dma_wait3A_112 = tpu.memref_slice %arg9[%dma_wait3A_110, %dma_wait3A_111] : memref<10000x128xf32, #tpu.memory_space<vmem_shared>> -> memref<10000x128xf32, #tpu.memory_space<vmem_shared>>
    tpu.wait_indirect_dma semaphore(%arg12 : memref<!tpu.dma_semaphore, #tpu.memory_space<semaphore_mem>>) src(%arg7 : memref<128x128xf32, #tpu.memory_space<vmem>>) dst(%dma_wait3A_112 : memref<10000x128xf32, #tpu.memory_space<vmem_shared>>)
    %add3A_113 = arith.constant 4864 : i32
    %add3A_114 = arith.addi %mul3A_82, %add3A_113 : i32
    %dma_start3A_115 = tpu.memref_slice %arg2[%add3A_114] : memref<160000xi32, #tpu.memory_space<hbm>> -> memref<128xi32, #tpu.memory_space<hbm>>
    %dma_start3A_116 = tpu.memref_slice %arg2[%add3A_114] : memref<160000xi32, #tpu.memory_space<hbm>> -> memref<128xi32, #tpu.memory_space<hbm>>
    tpu.enqueue_dma source(%dma_start3A_116 : memref<128xi32, #tpu.memory_space<hbm>>) target(%arg4 : memref<128xi32, #tpu.memory_space<vmem>>) target_semaphore(%arg10 : memref<!tpu.dma_semaphore, #tpu.memory_space<semaphore_mem>>)
    %add3A_117 = arith.constant 4864 : i32
    %add3A_118 = arith.addi %mul3A_82, %add3A_117 : i32
    %dma_wait3A_119 = tpu.memref_slice %arg2[%add3A_118] : memref<160000xi32, #tpu.memory_space<hbm>> -> memref<128xi32, #tpu.memory_space<hbm>>
    %dma_wait3A_120 = tpu.memref_slice %arg2[%add3A_118] : memref<160000xi32, #tpu.memory_space<hbm>> -> memref<128xi32, #tpu.memory_space<hbm>>
    tpu.wait_dma2 semaphore(%arg10 : memref<!tpu.dma_semaphore, #tpu.memory_space<semaphore_mem>>) src(%dma_wait3A_120 : memref<128xi32, #tpu.memory_space<hbm>>) dst(%arg4 : memref<128xi32, #tpu.memory_space<vmem>>)
    %dma_start3A_121 = arith.constant 0 : i32
    %dma_start3A_122 = arith.constant 0 : i32
    %dma_start3A_123 = tpu.memref_slice %arg9[%dma_start3A_121, %dma_start3A_122] : memref<10000x128xf32, #tpu.memory_space<vmem_shared>> -> memref<10000x128xf32, #tpu.memory_space<vmem_shared>>
    tpu.enqueue_indirect_dma source(%arg7 : memref<128x128xf32, #tpu.memory_space<vmem>>) target(%dma_start3A_123 : memref<10000x128xf32, #tpu.memory_space<vmem_shared>>) offsets(%arg4 : memref<128xi32, #tpu.memory_space<vmem>>) semaphore(%arg12 : memref<!tpu.dma_semaphore, #tpu.memory_space<semaphore_mem>>) {add = true}
    %dma_wait3A_124 = arith.constant 0 : i32
    %dma_wait3A_125 = arith.constant 0 : i32
    %dma_wait3A_126 = tpu.memref_slice %arg9[%dma_wait3A_124, %dma_wait3A_125] : memref<10000x128xf32, #tpu.memory_space<vmem_shared>> -> memref<10000x128xf32, #tpu.memory_space<vmem_shared>>
    tpu.wait_indirect_dma semaphore(%arg13 : memref<!tpu.dma_semaphore, #tpu.memory_space<semaphore_mem>>) src(%arg7 : memref<128x128xf32, #tpu.memory_space<vmem>>) dst(%dma_wait3A_126 : memref<10000x128xf32, #tpu.memory_space<vmem_shared>>)
    %add3A_127 = arith.constant 4992 : i32
    %add3A_128 = arith.addi %mul3A_82, %add3A_127 : i32
    %dma_start3A_129 = tpu.memref_slice %arg2[%add3A_128] : memref<160000xi32, #tpu.memory_space<hbm>> -> memref<8xi32, #tpu.memory_space<hbm>>
    %dma_start3A_130 = tpu.memref_slice %arg2[%add3A_128] : memref<160000xi32, #tpu.memory_space<hbm>> -> memref<8xi32, #tpu.memory_space<hbm>>
    tpu.enqueue_dma source(%dma_start3A_130 : memref<8xi32, #tpu.memory_space<hbm>>) target(%arg6 : memref<8xi32, #tpu.memory_space<vmem>>) target_semaphore(%arg10 : memref<!tpu.dma_semaphore, #tpu.memory_space<semaphore_mem>>)
    %dma_wait3A_131 = tpu.memref_slice %arg2[%add3A_128] : memref<160000xi32, #tpu.memory_space<hbm>> -> memref<8xi32, #tpu.memory_space<hbm>>
    %dma_wait3A_132 = tpu.memref_slice %arg2[%add3A_128] : memref<160000xi32, #tpu.memory_space<hbm>> -> memref<8xi32, #tpu.memory_space<hbm>>
    tpu.wait_dma2 semaphore(%arg10 : memref<!tpu.dma_semaphore, #tpu.memory_space<semaphore_mem>>) src(%dma_wait3A_132 : memref<8xi32, #tpu.memory_space<hbm>>) dst(%arg6 : memref<8xi32, #tpu.memory_space<vmem>>)
    "tpu.region"() ({
      %run_scoped3A = tpu.sem_alloc : memref<!tpu.dma_semaphore, #tpu.memory_space<semaphore_mem>>
      %dma_start3A_159 = arith.constant 0 : i32
      %dma_start3A_160 = arith.constant 0 : i32
      %dma_start3A_161 = tpu.memref_slice %arg7[%dma_start3A_159, %dma_start3A_160] : memref<128x128xf32, #tpu.memory_space<vmem>> -> memref<8x128xf32, #tpu.memory_space<vmem>>
      %dma_start3A_162 = arith.constant 0 : i32
      %dma_start3A_163 = arith.constant 0 : i32
      %dma_start3A_164 = tpu.memref_slice %arg9[%dma_start3A_162, %dma_start3A_163] : memref<10000x128xf32, #tpu.memory_space<vmem_shared>> -> memref<10000x128xf32, #tpu.memory_space<vmem_shared>>
      tpu.enqueue_indirect_dma source(%dma_start3A_161 : memref<8x128xf32, #tpu.memory_space<vmem>>) target(%dma_start3A_164 : memref<10000x128xf32, #tpu.memory_space<vmem_shared>>) offsets(%arg6 : memref<8xi32, #tpu.memory_space<vmem>>) semaphore(%run_scoped3A : memref<!tpu.dma_semaphore, #tpu.memory_space<semaphore_mem>>) {add = true}
      %dma_wait3A_165 = arith.constant 0 : i32
      %dma_wait3A_166 = arith.constant 0 : i32
      %dma_wait3A_167 = tpu.memref_slice %arg7[%dma_wait3A_165, %dma_wait3A_166] : memref<128x128xf32, #tpu.memory_space<vmem>> -> memref<8x128xf32, #tpu.memory_space<vmem>>
      %dma_wait3A_168 = arith.constant 0 : i32
      %dma_wait3A_169 = arith.constant 0 : i32
      %dma_wait3A_170 = tpu.memref_slice %arg9[%dma_wait3A_168, %dma_wait3A_169] : memref<10000x128xf32, #tpu.memory_space<vmem_shared>> -> memref<10000x128xf32, #tpu.memory_space<vmem_shared>>
      tpu.wait_indirect_dma semaphore(%run_scoped3A : memref<!tpu.dma_semaphore, #tpu.memory_space<semaphore_mem>>) src(%dma_wait3A_167 : memref<8x128xf32, #tpu.memory_space<vmem>>) dst(%dma_wait3A_170 : memref<10000x128xf32, #tpu.memory_space<vmem_shared>>)
      tpu.yield
    }) : () -> ()
    %dma_wait3A_133 = arith.constant 0 : i32
    %dma_wait3A_134 = arith.constant 0 : i32
    %dma_wait3A_135 = tpu.memref_slice %arg9[%dma_wait3A_133, %dma_wait3A_134] : memref<10000x128xf32, #tpu.memory_space<vmem_shared>> -> memref<10000x128xf32, #tpu.memory_space<vmem_shared>>
    tpu.wait_indirect_dma semaphore(%arg12 : memref<!tpu.dma_semaphore, #tpu.memory_space<semaphore_mem>>) src(%arg7 : memref<128x128xf32, #tpu.memory_space<vmem>>) dst(%dma_wait3A_135 : memref<10000x128xf32, #tpu.memory_space<vmem_shared>>)
    %barrier3A_136 = arith.constant 0 : index
    tpu.barrier barrier_id(%barrier3A_136)
    %while3A_137 = arith.constant 0 : i32
    %while3A_138 = arith.subi %select_n3A_56, %select_n3A : i32
    %while3A_139 = arith.addi %select_n3A, %while3A_138 : i32
    %while3A_140 = arith.constant 1 : i32
    %while3A_141 = arith.divsi %while3A_138, %while3A_140 : i32
    %while3A_142 = arith.muli %while3A_141, %while3A_140 : i32
    %while3A_143 = arith.addi %select_n3A, %while3A_142 : i32
    %while3A_144 = arith.constant 1 : i32
    %while3A_145 = scf.for %while3A_159 = %select_n3A to %while3A_143 step %while3A_144 iter_args(%while3A_160 = %while3A_137) -> (i32)  : i32 {
      %mul3A_161 = arith.constant 80 : i32
      %mul3A_162 = arith.muli %while3A_159, %mul3A_161 : i32
      %mul3A_163 = arith.constant 10000 : i32
      %mul3A_164 = arith.muli %arg0, %mul3A_163 : i32
      %mul3A_165 = arith.constant 80 : i32
      %mul3A_166 = arith.muli %while3A_159, %mul3A_165 : i32
      %add3A_167 = arith.addi %mul3A_164, %mul3A_166 : i32
      %dma_start3A_168 = arith.constant 0 : i32
      %dma_start3A_169 = tpu.memref_slice %arg3[%add3A_167, %dma_start3A_168] : memref<20000x128xf32, #tpu.memory_space<hbm>> -> memref<80x128xf32, #tpu.memory_space<hbm>>
      %dma_start3A_170 = arith.constant 0 : i32
      %dma_start3A_171 = tpu.memref_slice %arg9[%mul3A_162, %dma_start3A_170] : memref<10000x128xf32, #tpu.memory_space<vmem_shared>> -> memref<80x128xf32, #tpu.memory_space<vmem_shared>>
      tpu.enqueue_dma source(%dma_start3A_171 : memref<80x128xf32, #tpu.memory_space<vmem_shared>>) target(%dma_start3A_169 : memref<80x128xf32, #tpu.memory_space<hbm>>) target_semaphore(%arg14 : memref<!tpu.dma_semaphore, #tpu.memory_space<semaphore_mem>>)
      %while3A_172 = arith.constant 0 : i32
      scf.yield %while3A_172 : i32
    }
    %while3A_146 = arith.constant 1 : i32
    %while3A_147 = scf.for %while3A_159 = %while3A_143 to %while3A_139 step %while3A_146 iter_args(%while3A_160 = %while3A_145) -> (i32)  : i32 {
      %mul3A_161 = arith.constant 80 : i32
      %mul3A_162 = arith.muli %while3A_159, %mul3A_161 : i32
      %mul3A_163 = arith.constant 10000 : i32
      %mul3A_164 = arith.muli %arg0, %mul3A_163 : i32
      %mul3A_165 = arith.constant 80 : i32
      %mul3A_166 = arith.muli %while3A_159, %mul3A_165 : i32
      %add3A_167 = arith.addi %mul3A_164, %mul3A_166 : i32
      %dma_start3A_168 = arith.constant 0 : i32
      %dma_start3A_169 = tpu.memref_slice %arg3[%add3A_167, %dma_start3A_168] : memref<20000x128xf32, #tpu.memory_space<hbm>> -> memref<80x128xf32, #tpu.memory_space<hbm>>
      %dma_start3A_170 = arith.constant 0 : i32
      %dma_start3A_171 = tpu.memref_slice %arg9[%mul3A_162, %dma_start3A_170] : memref<10000x128xf32, #tpu.memory_space<vmem_shared>> -> memref<80x128xf32, #tpu.memory_space<vmem_shared>>
      tpu.enqueue_dma source(%dma_start3A_171 : memref<80x128xf32, #tpu.memory_space<vmem_shared>>) target(%dma_start3A_169 : memref<80x128xf32, #tpu.memory_space<hbm>>) target_semaphore(%arg14 : memref<!tpu.dma_semaphore, #tpu.memory_space<semaphore_mem>>)
      %while3A_172 = arith.constant 0 : i32
      scf.yield %while3A_172 : i32
    }
    %while3A_148 = arith.constant 0 : i32
    %while3A_149 = arith.subi %select_n3A_56, %select_n3A : i32
    %while3A_150 = arith.addi %select_n3A, %while3A_149 : i32
    %while3A_151 = arith.constant 1 : i32
    %while3A_152 = arith.divsi %while3A_149, %while3A_151 : i32
    %while3A_153 = arith.muli %while3A_152, %while3A_151 : i32
    %while3A_154 = arith.addi %select_n3A, %while3A_153 : i32
    %while3A_155 = arith.constant 1 : i32
    %while3A_156 = scf.for %while3A_159 = %select_n3A to %while3A_154 step %while3A_155 iter_args(%while3A_160 = %while3A_148) -> (i32)  : i32 {
      %mul3A_161 = arith.constant 80 : i32
      %mul3A_162 = arith.muli %while3A_159, %mul3A_161 : i32
      %mul3A_163 = arith.constant 10000 : i32
      %mul3A_164 = arith.muli %arg0, %mul3A_163 : i32
      %mul3A_165 = arith.constant 80 : i32
      %mul3A_166 = arith.muli %while3A_159, %mul3A_165 : i32
      %add3A_167 = arith.addi %mul3A_164, %mul3A_166 : i32
      %dma_wait3A_168 = arith.constant 0 : i32
      %dma_wait3A_169 = tpu.memref_slice %arg3[%add3A_167, %dma_wait3A_168] : memref<20000x128xf32, #tpu.memory_space<hbm>> -> memref<80x128xf32, #tpu.memory_space<hbm>>
      %dma_wait3A_170 = arith.constant 0 : i32
      %dma_wait3A_171 = tpu.memref_slice %arg9[%mul3A_162, %dma_wait3A_170] : memref<10000x128xf32, #tpu.memory_space<vmem_shared>> -> memref<80x128xf32, #tpu.memory_space<vmem_shared>>
      tpu.wait_dma2 semaphore(%arg14 : memref<!tpu.dma_semaphore, #tpu.memory_space<semaphore_mem>>) src(%dma_wait3A_171 : memref<80x128xf32, #tpu.memory_space<vmem_shared>>) dst(%dma_wait3A_169 : memref<80x128xf32, #tpu.memory_space<hbm>>)
      %while3A_172 = arith.constant 0 : i32
      scf.yield %while3A_172 : i32
    }
    %while3A_157 = arith.constant 1 : i32
    %while3A_158 = scf.for %while3A_159 = %while3A_154 to %while3A_150 step %while3A_157 iter_args(%while3A_160 = %while3A_156) -> (i32)  : i32 {
      %mul3A_161 = arith.constant 80 : i32
      %mul3A_162 = arith.muli %while3A_159, %mul3A_161 : i32
      %mul3A_163 = arith.constant 10000 : i32
      %mul3A_164 = arith.muli %arg0, %mul3A_163 : i32
      %mul3A_165 = arith.constant 80 : i32
      %mul3A_166 = arith.muli %while3A_159, %mul3A_165 : i32
      %add3A_167 = arith.addi %mul3A_164, %mul3A_166 : i32
      %dma_wait3A_168 = arith.constant 0 : i32
      %dma_wait3A_169 = tpu.memref_slice %arg3[%add3A_167, %dma_wait3A_168] : memref<20000x128xf32, #tpu.memory_space<hbm>> -> memref<80x128xf32, #tpu.memory_space<hbm>>
      %dma_wait3A_170 = arith.constant 0 : i32
      %dma_wait3A_171 = tpu.memref_slice %arg9[%mul3A_162, %dma_wait3A_170] : memref<10000x128xf32, #tpu.memory_space<vmem_shared>> -> memref<80x128xf32, #tpu.memory_space<vmem_shared>>
      tpu.wait_dma2 semaphore(%arg14 : memref<!tpu.dma_semaphore, #tpu.memory_space<semaphore_mem>>) src(%dma_wait3A_171 : memref<80x128xf32, #tpu.memory_space<vmem_shared>>) dst(%dma_wait3A_169 : memref<80x128xf32, #tpu.memory_space<hbm>>)
      %while3A_172 = arith.constant 0 : i32
      scf.yield %while3A_172 : i32
    }
    return
  }
}

#map = affine_map<(d0, d1) -> (0, 0)>
#map1 = affine_map<(d0, d1) -> (0)>
module attributes {stable_mosaic.version = 14 : i64} {
  func.func @_sc_seg_sum_body(%arg0: i32, %arg1: i32, %arg2: memref<40000x128xf32, #tpu.memory_space<hbm>>, %arg3: memref<320000xi32, #tpu.memory_space<hbm>>, %arg4: memref<160000xi32, #tpu.memory_space<hbm>>, %arg5: memref<20000x128xf32, #tpu.memory_space<hbm>>, %arg6: memref<10000xi32, #tpu.memory_space<vmem>>, %arg7: memref<128xi32, #tpu.memory_space<vmem>>, %arg8: memref<128xi32, #tpu.memory_space<vmem>>, %arg9: memref<16xi32, #tpu.memory_space<vmem>>, %arg10: memref<128x128xf32, #tpu.memory_space<vmem>>, %arg11: memref<128x128xf32, #tpu.memory_space<vmem>>, %arg12: memref<16x128xf32, #tpu.memory_space<vmem>>, %arg13: memref<10000x128xf32, #tpu.memory_space<vmem_shared>>, %arg14: memref<!tpu.dma_semaphore, #tpu.memory_space<semaphore_mem>>, %arg15: memref<!tpu.dma_semaphore, #tpu.memory_space<semaphore_mem>>, %arg16: memref<!tpu.dma_semaphore, #tpu.memory_space<semaphore_mem>>, %arg17: memref<!tpu.dma_semaphore, #tpu.memory_space<semaphore_mem>>, %arg18: memref<!tpu.dma_semaphore, #tpu.memory_space<semaphore_mem>>, %arg19: memref<!tpu.dma_semaphore, #tpu.memory_space<semaphore_mem>>) attributes {dimension_semantics = [#tpu.dimension_semantics<core_parallel>, #tpu.dimension_semantics<subcore_parallel>], iteration_bounds = array<i64: 2, 16>, scalar_prefetch = 0 : i64, scratch_operands = 14 : i64, tpu.core_type = #tpu.core_type<sc_vector_subcore>, window_params = [{transform_indices = #map}, {transform_indices = #map1}, {transform_indices = #map1}, {transform_indices = #map}]} {
    %mul3A = arith.constant 160000 : i32
    %mul3A_0 = arith.muli %arg0, %mul3A : i32
    %mul3A_1 = arith.constant 10000 : i32
    %mul3A_2 = arith.muli %arg1, %mul3A_1 : i32
    %add3A = arith.addi %mul3A_0, %mul3A_2 : i32
    %dma_start3A = tpu.memref_slice %arg3[%add3A] : memref<320000xi32, #tpu.memory_space<hbm>> -> memref<10000xi32, #tpu.memory_space<hbm>>
    %dma_start3A_3 = tpu.memref_slice %arg3[%add3A] : memref<320000xi32, #tpu.memory_space<hbm>> -> memref<10000xi32, #tpu.memory_space<hbm>>
    tpu.enqueue_dma source(%dma_start3A_3 : memref<10000xi32, #tpu.memory_space<hbm>>) target(%arg6 : memref<10000xi32, #tpu.memory_space<vmem>>) target_semaphore(%arg14 : memref<!tpu.dma_semaphore, #tpu.memory_space<semaphore_mem>>)
    %scan3A = arith.constant 0 : i32
    %scan3A_4 = arith.constant 0 : i32
    %scan3A_5 = arith.constant 1024 : i32
    %scan3A_6 = arith.addi %scan3A_4, %scan3A_5 : i32
    %scan3A_7 = arith.constant 1 : i32
    %scan3A_8 = scf.for %scan3A_187 = %scan3A_4 to %scan3A_6 step %scan3A_7 iter_args(%scan3A_188 = %scan3A) -> (i32)  : i32 {
      %jit3A_189 = arith.constant 8 : i32
      %div3A_190 = arith.divsi %scan3A_187, %jit3A_189 : i32
      %sign3A_191 = arith.constant 0 : i32
      %sign3A_192 = arith.cmpi sgt, %scan3A_187, %sign3A_191 : i32
      %sign3A_193 = arith.extui %sign3A_192 : i1 to i32
      %sign3A_194 = arith.constant 0 : i32
      %sign3A_195 = arith.cmpi slt, %scan3A_187, %sign3A_194 : i32
      %sign3A_196 = arith.extui %sign3A_195 : i1 to i32
      %sign3A_197 = arith.subi %sign3A_193, %sign3A_196 : i32
      %sign3A_198 = arith.constant 0 : i32
      %sign3A_199 = arith.cmpi sgt, %jit3A_189, %sign3A_198 : i32
      %sign3A_200 = arith.extui %sign3A_199 : i1 to i32
      %sign3A_201 = arith.constant 0 : i32
      %sign3A_202 = arith.cmpi slt, %jit3A_189, %sign3A_201 : i32
      %sign3A_203 = arith.extui %sign3A_202 : i1 to i32
      %sign3A_204 = arith.subi %sign3A_200, %sign3A_203 : i32
      %ne3A_205 = arith.cmpi ne, %sign3A_197, %sign3A_204 : i32
      %rem3A_206 = arith.remsi %scan3A_187, %jit3A_189 : i32
      %ne3A_207 = arith.constant 0 : i32
      %ne3A_208 = arith.cmpi ne, %rem3A_206, %ne3A_207 : i32
      %and3A_209 = arith.andi %ne3A_205, %ne3A_208 : i1
      %sub3A_210 = arith.constant 1 : i32
      %sub3A_211 = arith.subi %div3A_190, %sub3A_210 : i32
      %select_n3A_212 = arith.select %and3A_209, %sub3A_211, %div3A_190 : i32
      %jit3A_213 = arith.constant 8 : i32
      %eq3A = arith.constant 0 : i32
      %eq3A_214 = arith.cmpi eq, %jit3A_213, %eq3A : i32
      %jit3A_215 = arith.constant 1 : i32
      %select_n3A_216 = arith.select %eq3A_214, %jit3A_215, %jit3A_213 : i32
      %rem3A_217 = arith.remsi %scan3A_187, %select_n3A_216 : i32
      %ne3A_218 = arith.constant 0 : i32
      %ne3A_219 = arith.cmpi ne, %rem3A_217, %ne3A_218 : i32
      %lt3A = arith.constant 0 : i32
      %lt3A_220 = arith.cmpi slt, %rem3A_217, %lt3A : i32
      %lt3A_221 = arith.constant 0 : i32
      %lt3A_222 = arith.cmpi slt, %select_n3A_216, %lt3A_221 : i32
      %ne3A_223 = arith.xori %lt3A_220, %lt3A_222 : i1
      %and3A_224 = arith.andi %ne3A_223, %ne3A_219 : i1
      %add3A_225 = arith.addi %rem3A_217, %select_n3A_216 : i32
      %select_n3A_226 = arith.select %and3A_224, %add3A_225, %rem3A_217 : i32
      %broadcast_in_dim3A = arith.constant 0.000000e+00 : f32
      %broadcast_in_dim3A_227 = vector.broadcast %broadcast_in_dim3A : f32 to vector<16xf32>
      %mul3A_228 = arith.constant 16 : i32
      %mul3A_229 = arith.muli %select_n3A_226, %mul3A_228 : i32
      %swap3A = arith.index_cast %select_n3A_212 : i32 to index
      %swap3A_230 = arith.index_cast %mul3A_229 : i32 to index
      %swap3A_231 = tpu.vector_load %arg10[%swap3A, %swap3A_230] {strides = array<i32>} : memref<128x128xf32, #tpu.memory_space<vmem>>, vector<1x16xf32>,
      %swap3A_232 = vector.shape_cast %swap3A_231 : vector<1x16xf32> to vector<16xf32>
      %swap3A_233 = vector.shape_cast %broadcast_in_dim3A_227 : vector<16xf32> to vector<1x16xf32>
      tpu.vector_store %arg10[%swap3A, %swap3A_230], %swap3A_233 {strides = array<i32>} : memref<128x128xf32, #tpu.memory_space<vmem>>, vector<1x16xf32>,
      %scan3A_234 = arith.constant 0 : i32
      scf.yield %scan3A_234 : i32
    }
    %scan3A_9 = arith.constant 1024 : i32
    %mul3A_10 = arith.constant 125 : i32
    %mul3A_11 = arith.muli %arg1, %mul3A_10 : i32
    %jit3A = arith.constant 16 : i32
    %div3A = arith.divsi %mul3A_11, %jit3A : i32
    %sign3A = arith.constant 0 : i32
    %sign3A_12 = arith.cmpi sgt, %mul3A_11, %sign3A : i32
    %sign3A_13 = arith.extui %sign3A_12 : i1 to i32
    %sign3A_14 = arith.constant 0 : i32
    %sign3A_15 = arith.cmpi slt, %mul3A_11, %sign3A_14 : i32
    %sign3A_16 = arith.extui %sign3A_15 : i1 to i32
    %sign3A_17 = arith.subi %sign3A_13, %sign3A_16 : i32
    %sign3A_18 = arith.constant 0 : i32
    %sign3A_19 = arith.cmpi sgt, %jit3A, %sign3A_18 : i32
    %sign3A_20 = arith.extui %sign3A_19 : i1 to i32
    %sign3A_21 = arith.constant 0 : i32
    %sign3A_22 = arith.cmpi slt, %jit3A, %sign3A_21 : i32
    %sign3A_23 = arith.extui %sign3A_22 : i1 to i32
    %sign3A_24 = arith.subi %sign3A_20, %sign3A_23 : i32
    %ne3A = arith.cmpi ne, %sign3A_17, %sign3A_24 : i32
    %rem3A = arith.remsi %mul3A_11, %jit3A : i32
    %ne3A_25 = arith.constant 0 : i32
    %ne3A_26 = arith.cmpi ne, %rem3A, %ne3A_25 : i32
    %and3A = arith.andi %ne3A, %ne3A_26 : i1
    %sub3A = arith.constant 1 : i32
    %sub3A_27 = arith.subi %div3A, %sub3A : i32
    %select_n3A = arith.select %and3A, %sub3A_27, %div3A : i32
    %add3A_28 = arith.constant 1 : i32
    %add3A_29 = arith.addi %arg1, %add3A_28 : i32
    %mul3A_30 = arith.constant 125 : i32
    %mul3A_31 = arith.muli %add3A_29, %mul3A_30 : i32
    %jit3A_32 = arith.constant 16 : i32
    %div3A_33 = arith.divsi %mul3A_31, %jit3A_32 : i32
    %sign3A_34 = arith.constant 0 : i32
    %sign3A_35 = arith.cmpi sgt, %mul3A_31, %sign3A_34 : i32
    %sign3A_36 = arith.extui %sign3A_35 : i1 to i32
    %sign3A_37 = arith.constant 0 : i32
    %sign3A_38 = arith.cmpi slt, %mul3A_31, %sign3A_37 : i32
    %sign3A_39 = arith.extui %sign3A_38 : i1 to i32
    %sign3A_40 = arith.subi %sign3A_36, %sign3A_39 : i32
    %sign3A_41 = arith.constant 0 : i32
    %sign3A_42 = arith.cmpi sgt, %jit3A_32, %sign3A_41 : i32
    %sign3A_43 = arith.extui %sign3A_42 : i1 to i32
    %sign3A_44 = arith.constant 0 : i32
    %sign3A_45 = arith.cmpi slt, %jit3A_32, %sign3A_44 : i32
    %sign3A_46 = arith.extui %sign3A_45 : i1 to i32
    %sign3A_47 = arith.subi %sign3A_43, %sign3A_46 : i32
    %ne3A_48 = arith.cmpi ne, %sign3A_40, %sign3A_47 : i32
    %rem3A_49 = arith.remsi %mul3A_31, %jit3A_32 : i32
    %ne3A_50 = arith.constant 0 : i32
    %ne3A_51 = arith.cmpi ne, %rem3A_49, %ne3A_50 : i32
    %and3A_52 = arith.andi %ne3A_48, %ne3A_51 : i1
    %sub3A_53 = arith.constant 1 : i32
    %sub3A_54 = arith.subi %div3A_33, %sub3A_53 : i32
    %select_n3A_55 = arith.select %and3A_52, %sub3A_54, %div3A_33 : i32
    %while3A = arith.constant 0 : i32
    %while3A_56 = arith.subi %select_n3A_55, %select_n3A : i32
    %while3A_57 = arith.addi %select_n3A, %while3A_56 : i32
    %while3A_58 = arith.constant 1 : i32
    %while3A_59 = arith.divsi %while3A_56, %while3A_58 : i32
    %while3A_60 = arith.muli %while3A_59, %while3A_58 : i32
    %while3A_61 = arith.addi %select_n3A, %while3A_60 : i32
    %while3A_62 = arith.constant 1 : i32
    %while3A_63 = scf.for %while3A_187 = %select_n3A to %while3A_61 step %while3A_62 iter_args(%while3A_188 = %while3A) -> (i32)  : i32 {
      %mul3A_189 = arith.constant 80 : i32
      %mul3A_190 = arith.muli %while3A_187, %mul3A_189 : i32
      %dma_start3A_191 = arith.constant 0 : i32
      %dma_start3A_192 = arith.constant 0 : i32
      %dma_start3A_193 = tpu.memref_slice %arg10[%dma_start3A_191, %dma_start3A_192] : memref<128x128xf32, #tpu.memory_space<vmem>> -> memref<80x128xf32, #tpu.memory_space<vmem>>
      %dma_start3A_194 = arith.constant 0 : i32
      %dma_start3A_195 = tpu.memref_slice %arg13[%mul3A_190, %dma_start3A_194] : memref<10000x128xf32, #tpu.memory_space<vmem_shared>> -> memref<80x128xf32, #tpu.memory_space<vmem_shared>>
      %dma_start3A_196 = arith.constant 0 : i32
      %dma_start3A_197 = tpu.memref_slice %arg13[%mul3A_190, %dma_start3A_196] : memref<10000x128xf32, #tpu.memory_space<vmem_shared>> -> memref<80x128xf32, #tpu.memory_space<vmem_shared>>
      %dma_start3A_198 = arith.constant 0 : i32
      %dma_start3A_199 = arith.constant 0 : i32
      %dma_start3A_200 = tpu.memref_slice %arg10[%dma_start3A_198, %dma_start3A_199] : memref<128x128xf32, #tpu.memory_space<vmem>> -> memref<80x128xf32, #tpu.memory_space<vmem>>
      tpu.enqueue_dma source(%dma_start3A_200 : memref<80x128xf32, #tpu.memory_space<vmem>>) target(%dma_start3A_197 : memref<80x128xf32, #tpu.memory_space<vmem_shared>>) target_semaphore(%arg19 : memref<!tpu.dma_semaphore, #tpu.memory_space<semaphore_mem>>)
      %while3A_201 = arith.constant 0 : i32
      scf.yield %while3A_201 : i32
    }
    %while3A_64 = arith.constant 1 : i32
    %while3A_65 = scf.for %while3A_187 = %while3A_61 to %while3A_57 step %while3A_64 iter_args(%while3A_188 = %while3A_63) -> (i32)  : i32 {
      %mul3A_189 = arith.constant 80 : i32
      %mul3A_190 = arith.muli %while3A_187, %mul3A_189 : i32
      %dma_start3A_191 = arith.constant 0 : i32
      %dma_start3A_192 = arith.constant 0 : i32
      %dma_start3A_193 = tpu.memref_slice %arg10[%dma_start3A_191, %dma_start3A_192] : memref<128x128xf32, #tpu.memory_space<vmem>> -> memref<80x128xf32, #tpu.memory_space<vmem>>
      %dma_start3A_194 = arith.constant 0 : i32
      %dma_start3A_195 = tpu.memref_slice %arg13[%mul3A_190, %dma_start3A_194] : memref<10000x128xf32, #tpu.memory_space<vmem_shared>> -> memref<80x128xf32, #tpu.memory_space<vmem_shared>>
      %dma_start3A_196 = arith.constant 0 : i32
      %dma_start3A_197 = tpu.memref_slice %arg13[%mul3A_190, %dma_start3A_196] : memref<10000x128xf32, #tpu.memory_space<vmem_shared>> -> memref<80x128xf32, #tpu.memory_space<vmem_shared>>
      %dma_start3A_198 = arith.constant 0 : i32
      %dma_start3A_199 = arith.constant 0 : i32
      %dma_start3A_200 = tpu.memref_slice %arg10[%dma_start3A_198, %dma_start3A_199] : memref<128x128xf32, #tpu.memory_space<vmem>> -> memref<80x128xf32, #tpu.memory_space<vmem>>
      tpu.enqueue_dma source(%dma_start3A_200 : memref<80x128xf32, #tpu.memory_space<vmem>>) target(%dma_start3A_197 : memref<80x128xf32, #tpu.memory_space<vmem_shared>>) target_semaphore(%arg19 : memref<!tpu.dma_semaphore, #tpu.memory_space<semaphore_mem>>)
      %while3A_201 = arith.constant 0 : i32
      scf.yield %while3A_201 : i32
    }
    %while3A_66 = arith.constant 0 : i32
    %while3A_67 = arith.subi %select_n3A_55, %select_n3A : i32
    %while3A_68 = arith.addi %select_n3A, %while3A_67 : i32
    %while3A_69 = arith.constant 1 : i32
    %while3A_70 = arith.divsi %while3A_67, %while3A_69 : i32
    %while3A_71 = arith.muli %while3A_70, %while3A_69 : i32
    %while3A_72 = arith.addi %select_n3A, %while3A_71 : i32
    %while3A_73 = arith.constant 1 : i32
    %while3A_74 = scf.for %while3A_187 = %select_n3A to %while3A_72 step %while3A_73 iter_args(%while3A_188 = %while3A_66) -> (i32)  : i32 {
      %mul3A_189 = arith.constant 80 : i32
      %mul3A_190 = arith.muli %while3A_187, %mul3A_189 : i32
      %dma_wait3A_191 = arith.constant 0 : i32
      %dma_wait3A_192 = arith.constant 0 : i32
      %dma_wait3A_193 = tpu.memref_slice %arg10[%dma_wait3A_191, %dma_wait3A_192] : memref<128x128xf32, #tpu.memory_space<vmem>> -> memref<80x128xf32, #tpu.memory_space<vmem>>
      %dma_wait3A_194 = arith.constant 0 : i32
      %dma_wait3A_195 = tpu.memref_slice %arg13[%mul3A_190, %dma_wait3A_194] : memref<10000x128xf32, #tpu.memory_space<vmem_shared>> -> memref<80x128xf32, #tpu.memory_space<vmem_shared>>
      %dma_wait3A_196 = arith.constant 0 : i32
      %dma_wait3A_197 = tpu.memref_slice %arg13[%mul3A_190, %dma_wait3A_196] : memref<10000x128xf32, #tpu.memory_space<vmem_shared>> -> memref<80x128xf32, #tpu.memory_space<vmem_shared>>
      %dma_wait3A_198 = arith.constant 0 : i32
      %dma_wait3A_199 = arith.constant 0 : i32
      %dma_wait3A_200 = tpu.memref_slice %arg10[%dma_wait3A_198, %dma_wait3A_199] : memref<128x128xf32, #tpu.memory_space<vmem>> -> memref<80x128xf32, #tpu.memory_space<vmem>>
      tpu.wait_dma2 semaphore(%arg19 : memref<!tpu.dma_semaphore, #tpu.memory_space<semaphore_mem>>) src(%dma_wait3A_200 : memref<80x128xf32, #tpu.memory_space<vmem>>) dst(%dma_wait3A_197 : memref<80x128xf32, #tpu.memory_space<vmem_shared>>)
      %while3A_201 = arith.constant 0 : i32
      scf.yield %while3A_201 : i32
    }
    %while3A_75 = arith.constant 1 : i32
    %while3A_76 = scf.for %while3A_187 = %while3A_72 to %while3A_68 step %while3A_75 iter_args(%while3A_188 = %while3A_74) -> (i32)  : i32 {
      %mul3A_189 = arith.constant 80 : i32
      %mul3A_190 = arith.muli %while3A_187, %mul3A_189 : i32
      %dma_wait3A_191 = arith.constant 0 : i32
      %dma_wait3A_192 = arith.constant 0 : i32
      %dma_wait3A_193 = tpu.memref_slice %arg10[%dma_wait3A_191, %dma_wait3A_192] : memref<128x128xf32, #tpu.memory_space<vmem>> -> memref<80x128xf32, #tpu.memory_space<vmem>>
      %dma_wait3A_194 = arith.constant 0 : i32
      %dma_wait3A_195 = tpu.memref_slice %arg13[%mul3A_190, %dma_wait3A_194] : memref<10000x128xf32, #tpu.memory_space<vmem_shared>> -> memref<80x128xf32, #tpu.memory_space<vmem_shared>>
      %dma_wait3A_196 = arith.constant 0 : i32
      %dma_wait3A_197 = tpu.memref_slice %arg13[%mul3A_190, %dma_wait3A_196] : memref<10000x128xf32, #tpu.memory_space<vmem_shared>> -> memref<80x128xf32, #tpu.memory_space<vmem_shared>>
      %dma_wait3A_198 = arith.constant 0 : i32
      %dma_wait3A_199 = arith.constant 0 : i32
      %dma_wait3A_200 = tpu.memref_slice %arg10[%dma_wait3A_198, %dma_wait3A_199] : memref<128x128xf32, #tpu.memory_space<vmem>> -> memref<80x128xf32, #tpu.memory_space<vmem>>
      tpu.wait_dma2 semaphore(%arg19 : memref<!tpu.dma_semaphore, #tpu.memory_space<semaphore_mem>>) src(%dma_wait3A_200 : memref<80x128xf32, #tpu.memory_space<vmem>>) dst(%dma_wait3A_197 : memref<80x128xf32, #tpu.memory_space<vmem_shared>>)
      %while3A_201 = arith.constant 0 : i32
      scf.yield %while3A_201 : i32
    }
    %mul3A_77 = arith.constant 160000 : i32
    %mul3A_78 = arith.muli %arg0, %mul3A_77 : i32
    %mul3A_79 = arith.constant 10000 : i32
    %mul3A_80 = arith.muli %arg1, %mul3A_79 : i32
    %add3A_81 = arith.addi %mul3A_78, %mul3A_80 : i32
    %dma_wait3A = tpu.memref_slice %arg3[%add3A_81] : memref<320000xi32, #tpu.memory_space<hbm>> -> memref<10000xi32, #tpu.memory_space<hbm>>
    %dma_wait3A_82 = tpu.memref_slice %arg3[%add3A_81] : memref<320000xi32, #tpu.memory_space<hbm>> -> memref<10000xi32, #tpu.memory_space<hbm>>
    tpu.wait_dma2 semaphore(%arg14 : memref<!tpu.dma_semaphore, #tpu.memory_space<semaphore_mem>>) src(%dma_wait3A_82 : memref<10000xi32, #tpu.memory_space<hbm>>) dst(%arg6 : memref<10000xi32, #tpu.memory_space<vmem>>)
    %barrier3A = arith.constant 0 : index
    tpu.barrier barrier_id(%barrier3A)
    %mul3A_83 = arith.constant 10000 : i32
    %mul3A_84 = arith.muli %arg1, %mul3A_83 : i32
    %add3A_85 = arith.constant 0 : i32
    %add3A_86 = arith.addi %mul3A_84, %add3A_85 : i32
    %dma_start3A_87 = tpu.memref_slice %arg4[%add3A_86] : memref<160000xi32, #tpu.memory_space<hbm>> -> memref<128xi32, #tpu.memory_space<hbm>>
    %dma_start3A_88 = tpu.memref_slice %arg4[%add3A_86] : memref<160000xi32, #tpu.memory_space<hbm>> -> memref<128xi32, #tpu.memory_space<hbm>>
    tpu.enqueue_dma source(%dma_start3A_88 : memref<128xi32, #tpu.memory_space<hbm>>) target(%arg7 : memref<128xi32, #tpu.memory_space<vmem>>) target_semaphore(%arg15 : memref<!tpu.dma_semaphore, #tpu.memory_space<semaphore_mem>>)
    %dma_start3A_89 = arith.constant 0 : i32
    %dma_start3A_90 = tpu.memref_slice %arg6[%dma_start3A_89] : memref<10000xi32, #tpu.memory_space<vmem>> -> memref<128xi32, #tpu.memory_space<vmem>>
    %dma_start3A_91 = arith.constant 0 : i32
    %dma_start3A_92 = arith.constant 0 : i32
    %dma_start3A_93 = tpu.memref_slice %arg2[%dma_start3A_91, %dma_start3A_92] : memref<40000x128xf32, #tpu.memory_space<hbm>> -> memref<40000x128xf32, #tpu.memory_space<hbm>>
    tpu.enqueue_indirect_dma source(%dma_start3A_93 : memref<40000x128xf32, #tpu.memory_space<hbm>>) target(%arg10 : memref<128x128xf32, #tpu.memory_space<vmem>>) offsets(%dma_start3A_90 : memref<128xi32, #tpu.memory_space<vmem>>) semaphore(%arg14 : memref<!tpu.dma_semaphore, #tpu.memory_space<semaphore_mem>>)
    %dma_wait3A_94 = arith.constant 0 : i32
    %dma_wait3A_95 = tpu.memref_slice %arg6[%dma_wait3A_94] : memref<10000xi32, #tpu.memory_space<vmem>> -> memref<128xi32, #tpu.memory_space<vmem>>
    %dma_wait3A_96 = arith.constant 0 : i32
    %dma_wait3A_97 = arith.constant 0 : i32
    %dma_wait3A_98 = tpu.memref_slice %arg2[%dma_wait3A_96, %dma_wait3A_97] : memref<40000x128xf32, #tpu.memory_space<hbm>> -> memref<40000x128xf32, #tpu.memory_space<hbm>>
    tpu.wait_indirect_dma semaphore(%arg14 : memref<!tpu.dma_semaphore, #tpu.memory_space<semaphore_mem>>) src(%dma_wait3A_98 : memref<40000x128xf32, #tpu.memory_space<hbm>>) dst(%arg10 : memref<128x128xf32, #tpu.memory_space<vmem>>)
    %mul3A_99 = arith.constant 10000 : i32
    %mul3A_100 = arith.muli %arg1, %mul3A_99 : i32
    %add3A_101 = arith.constant 0 : i32
    %add3A_102 = arith.addi %mul3A_100, %add3A_101 : i32
    %dma_wait3A_103 = tpu.memref_slice %arg4[%add3A_102] : memref<160000xi32, #tpu.memory_space<hbm>> -> memref<128xi32, #tpu.memory_space<hbm>>
    %dma_wait3A_104 = tpu.memref_slice %arg4[%add3A_102] : memref<160000xi32, #tpu.memory_space<hbm>> -> memref<128xi32, #tpu.memory_space<hbm>>
    tpu.wait_dma2 semaphore(%arg15 : memref<!tpu.dma_semaphore, #tpu.memory_space<semaphore_mem>>) src(%dma_wait3A_104 : memref<128xi32, #tpu.memory_space<hbm>>) dst(%arg7 : memref<128xi32, #tpu.memory_space<vmem>>)
    %dma_start3A_105 = arith.constant 0 : i32
    %dma_start3A_106 = arith.constant 0 : i32
    %dma_start3A_107 = tpu.memref_slice %arg13[%dma_start3A_105, %dma_start3A_106] : memref<10000x128xf32, #tpu.memory_space<vmem_shared>> -> memref<10000x128xf32, #tpu.memory_space<vmem_shared>>
    tpu.enqueue_indirect_dma source(%arg10 : memref<128x128xf32, #tpu.memory_space<vmem>>) target(%dma_start3A_107 : memref<10000x128xf32, #tpu.memory_space<vmem_shared>>) offsets(%arg7 : memref<128xi32, #tpu.memory_space<vmem>>) semaphore(%arg17 : memref<!tpu.dma_semaphore, #tpu.memory_space<semaphore_mem>>) {add = true}
    %mul3A_108 = arith.constant 10000 : i32
    %mul3A_109 = arith.muli %arg1, %mul3A_108 : i32
    %add3A_110 = arith.constant 128 : i32
    %add3A_111 = arith.addi %mul3A_109, %add3A_110 : i32
    %dma_start3A_112 = tpu.memref_slice %arg4[%add3A_111] : memref<160000xi32, #tpu.memory_space<hbm>> -> memref<128xi32, #tpu.memory_space<hbm>>
    %dma_start3A_113 = tpu.memref_slice %arg4[%add3A_111] : memref<160000xi32, #tpu.memory_space<hbm>> -> memref<128xi32, #tpu.memory_space<hbm>>
    tpu.enqueue_dma source(%dma_start3A_113 : memref<128xi32, #tpu.memory_space<hbm>>) target(%arg8 : memref<128xi32, #tpu.memory_space<vmem>>) target_semaphore(%arg16 : memref<!tpu.dma_semaphore, #tpu.memory_space<semaphore_mem>>)
    %dma_start3A_114 = arith.constant 128 : i32
    %dma_start3A_115 = tpu.memref_slice %arg6[%dma_start3A_114] : memref<10000xi32, #tpu.memory_space<vmem>> -> memref<128xi32, #tpu.memory_space<vmem>>
    %dma_start3A_116 = arith.constant 0 : i32
    %dma_start3A_117 = arith.constant 0 : i32
    %dma_start3A_118 = tpu.memref_slice %arg2[%dma_start3A_116, %dma_start3A_117] : memref<40000x128xf32, #tpu.memory_space<hbm>> -> memref<40000x128xf32, #tpu.memory_space<hbm>>
    tpu.enqueue_indirect_dma source(%dma_start3A_118 : memref<40000x128xf32, #tpu.memory_space<hbm>>) target(%arg11 : memref<128x128xf32, #tpu.memory_space<vmem>>) offsets(%dma_start3A_115 : memref<128xi32, #tpu.memory_space<vmem>>) semaphore(%arg14 : memref<!tpu.dma_semaphore, #tpu.memory_space<semaphore_mem>>)
    %scan3A_119 = arith.constant 0 : i32
    %scan3A_120 = arith.constant 0 : i32
    %scan3A_121 = arith.constant 38 : i32
    %scan3A_122 = arith.addi %scan3A_120, %scan3A_121 : i32
    %scan3A_123 = arith.constant 1 : i32
    %scan3A_124 = scf.for %scan3A_187 = %scan3A_120 to %scan3A_122 step %scan3A_123 iter_args(%scan3A_188 = %scan3A_119) -> (i32)  : i32 {
      %mul3A_189 = arith.constant 2 : i32
      %mul3A_190 = arith.muli %mul3A_189, %scan3A_187 : i32
      %add3A_191 = arith.constant 1 : i32
      %add3A_192 = arith.addi %add3A_191, %mul3A_190 : i32
      %mul3A_193 = arith.constant 128 : i32
      %mul3A_194 = arith.muli %add3A_192, %mul3A_193 : i32
      %dma_wait3A_195 = tpu.memref_slice %arg6[%mul3A_194] : memref<10000xi32, #tpu.memory_space<vmem>> -> memref<128xi32, #tpu.memory_space<vmem>>
      %dma_wait3A_196 = arith.constant 0 : i32
      %dma_wait3A_197 = arith.constant 0 : i32
      %dma_wait3A_198 = tpu.memref_slice %arg2[%dma_wait3A_196, %dma_wait3A_197] : memref<40000x128xf32, #tpu.memory_space<hbm>> -> memref<40000x128xf32, #tpu.memory_space<hbm>>
      tpu.wait_indirect_dma semaphore(%arg14 : memref<!tpu.dma_semaphore, #tpu.memory_space<semaphore_mem>>) src(%dma_wait3A_198 : memref<40000x128xf32, #tpu.memory_space<hbm>>) dst(%arg11 : memref<128x128xf32, #tpu.memory_space<vmem>>)
      %mul3A_199 = arith.constant 10000 : i32
      %mul3A_200 = arith.muli %arg1, %mul3A_199 : i32
      %mul3A_201 = arith.constant 128 : i32
      %mul3A_202 = arith.muli %add3A_192, %mul3A_201 : i32
      %add3A_203 = arith.addi %mul3A_200, %mul3A_202 : i32
      %dma_wait3A_204 = tpu.memref_slice %arg4[%add3A_203] : memref<160000xi32, #tpu.memory_space<hbm>> -> memref<128xi32, #tpu.memory_space<hbm>>
      %dma_wait3A_205 = tpu.memref_slice %arg4[%add3A_203] : memref<160000xi32, #tpu.memory_space<hbm>> -> memref<128xi32, #tpu.memory_space<hbm>>
      tpu.wait_dma2 semaphore(%arg16 : memref<!tpu.dma_semaphore, #tpu.memory_space<semaphore_mem>>) src(%dma_wait3A_205 : memref<128xi32, #tpu.memory_space<hbm>>) dst(%arg8 : memref<128xi32, #tpu.memory_space<vmem>>)
      %dma_start3A_206 = arith.constant 0 : i32
      %dma_start3A_207 = arith.constant 0 : i32
      %dma_start3A_208 = tpu.memref_slice %arg13[%dma_start3A_206, %dma_start3A_207] : memref<10000x128xf32, #tpu.memory_space<vmem_shared>> -> memref<10000x128xf32, #tpu.memory_space<vmem_shared>>
      tpu.enqueue_indirect_dma source(%arg11 : memref<128x128xf32, #tpu.memory_space<vmem>>) target(%dma_start3A_208 : memref<10000x128xf32, #tpu.memory_space<vmem_shared>>) offsets(%arg8 : memref<128xi32, #tpu.memory_space<vmem>>) semaphore(%arg18 : memref<!tpu.dma_semaphore, #tpu.memory_space<semaphore_mem>>) {add = true}
      %dma_wait3A_209 = arith.constant 0 : i32
      %dma_wait3A_210 = arith.constant 0 : i32
      %dma_wait3A_211 = tpu.memref_slice %arg13[%dma_wait3A_209, %dma_wait3A_210] : memref<10000x128xf32, #tpu.memory_space<vmem_shared>> -> memref<10000x128xf32, #tpu.memory_space<vmem_shared>>
      tpu.wait_indirect_dma semaphore(%arg17 : memref<!tpu.dma_semaphore, #tpu.memory_space<semaphore_mem>>) src(%arg10 : memref<128x128xf32, #tpu.memory_space<vmem>>) dst(%dma_wait3A_211 : memref<10000x128xf32, #tpu.memory_space<vmem_shared>>)
      %add3A_212 = arith.constant 1 : i32
      %add3A_213 = arith.addi %add3A_192, %add3A_212 : i32
      %lt3A = arith.constant 78 : i32
      %lt3A_214 = arith.cmpi slt, %add3A_213, %lt3A : i32
      %convert_element_type3A = arith.extui %lt3A_214 : i1 to i32
      %cond3A = arith.constant 0 : i32
      %cond3A_215 = arith.cmpi ne, %convert_element_type3A, %cond3A : i32
      scf.if %cond3A_215 {
        %add3A_247 = arith.constant 1 : i32
        %add3A_248 = arith.addi %add3A_192, %add3A_247 : i32
        %mul3A_249 = arith.constant 10000 : i32
        %mul3A_250 = arith.muli %arg1, %mul3A_249 : i32
        %mul3A_251 = arith.constant 128 : i32
        %mul3A_252 = arith.muli %add3A_248, %mul3A_251 : i32
        %add3A_253 = arith.addi %mul3A_250, %mul3A_252 : i32
        %dma_start3A_254 = tpu.memref_slice %arg4[%add3A_253] : memref<160000xi32, #tpu.memory_space<hbm>> -> memref<128xi32, #tpu.memory_space<hbm>>
        %dma_start3A_255 = tpu.memref_slice %arg4[%add3A_253] : memref<160000xi32, #tpu.memory_space<hbm>> -> memref<128xi32, #tpu.memory_space<hbm>>
        tpu.enqueue_dma source(%dma_start3A_255 : memref<128xi32, #tpu.memory_space<hbm>>) target(%arg7 : memref<128xi32, #tpu.memory_space<vmem>>) target_semaphore(%arg15 : memref<!tpu.dma_semaphore, #tpu.memory_space<semaphore_mem>>)
        %add3A_256 = arith.constant 1 : i32
        %add3A_257 = arith.addi %add3A_192, %add3A_256 : i32
        %mul3A_258 = arith.constant 128 : i32
        %mul3A_259 = arith.muli %add3A_257, %mul3A_258 : i32
        %dma_start3A_260 = tpu.memref_slice %arg6[%mul3A_259] : memref<10000xi32, #tpu.memory_space<vmem>> -> memref<128xi32, #tpu.memory_space<vmem>>
        %dma_start3A_261 = arith.constant 0 : i32
        %dma_start3A_262 = arith.constant 0 : i32
        %dma_start3A_263 = tpu.memref_slice %arg2[%dma_start3A_261, %dma_start3A_262] : memref<40000x128xf32, #tpu.memory_space<hbm>> -> memref<40000x128xf32, #tpu.memory_space<hbm>>
        tpu.enqueue_indirect_dma source(%dma_start3A_263 : memref<40000x128xf32, #tpu.memory_space<hbm>>) target(%arg10 : memref<128x128xf32, #tpu.memory_space<vmem>>) offsets(%dma_start3A_260 : memref<128xi32, #tpu.memory_space<vmem>>) semaphore(%arg14 : memref<!tpu.dma_semaphore, #tpu.memory_space<semaphore_mem>>)
      } else {
      }
      %mul3A_216 = arith.constant 2 : i32
      %mul3A_217 = arith.muli %mul3A_216, %scan3A_187 : i32
      %add3A_218 = arith.constant 2 : i32
      %add3A_219 = arith.addi %add3A_218, %mul3A_217 : i32
      %mul3A_220 = arith.constant 128 : i32
      %mul3A_221 = arith.muli %add3A_219, %mul3A_220 : i32
      %dma_wait3A_222 = tpu.memref_slice %arg6[%mul3A_221] : memref<10000xi32, #tpu.memory_space<vmem>> -> memref<128xi32, #tpu.memory_space<vmem>>
      %dma_wait3A_223 = arith.constant 0 : i32
      %dma_wait3A_224 = arith.constant 0 : i32
      %dma_wait3A_225 = tpu.memref_slice %arg2[%dma_wait3A_223, %dma_wait3A_224] : memref<40000x128xf32, #tpu.memory_space<hbm>> -> memref<40000x128xf32, #tpu.memory_space<hbm>>
      tpu.wait_indirect_dma semaphore(%arg14 : memref<!tpu.dma_semaphore, #tpu.memory_space<semaphore_mem>>) src(%dma_wait3A_225 : memref<40000x128xf32, #tpu.memory_space<hbm>>) dst(%arg10 : memref<128x128xf32, #tpu.memory_space<vmem>>)
      %mul3A_226 = arith.constant 10000 : i32
      %mul3A_227 = arith.muli %arg1, %mul3A_226 : i32
      %mul3A_228 = arith.constant 128 : i32
      %mul3A_229 = arith.muli %add3A_219, %mul3A_228 : i32
      %add3A_230 = arith.addi %mul3A_227, %mul3A_229 : i32
      %dma_wait3A_231 = tpu.memref_slice %arg4[%add3A_230] : memref<160000xi32, #tpu.memory_space<hbm>> -> memref<128xi32, #tpu.memory_space<hbm>>
      %dma_wait3A_232 = tpu.memref_slice %arg4[%add3A_230] : memref<160000xi32, #tpu.memory_space<hbm>> -> memref<128xi32, #tpu.memory_space<hbm>>
      tpu.wait_dma2 semaphore(%arg15 : memref<!tpu.dma_semaphore, #tpu.memory_space<semaphore_mem>>) src(%dma_wait3A_232 : memref<128xi32, #tpu.memory_space<hbm>>) dst(%arg7 : memref<128xi32, #tpu.memory_space<vmem>>)
      %dma_start3A_233 = arith.constant 0 : i32
      %dma_start3A_234 = arith.constant 0 : i32
      %dma_start3A_235 = tpu.memref_slice %arg13[%dma_start3A_233, %dma_start3A_234] : memref<10000x128xf32, #tpu.memory_space<vmem_shared>> -> memref<10000x128xf32, #tpu.memory_space<vmem_shared>>
      tpu.enqueue_indirect_dma source(%arg10 : memref<128x128xf32, #tpu.memory_space<vmem>>) target(%dma_start3A_235 : memref<10000x128xf32, #tpu.memory_space<vmem_shared>>) offsets(%arg7 : memref<128xi32, #tpu.memory_space<vmem>>) semaphore(%arg17 : memref<!tpu.dma_semaphore, #tpu.memory_space<semaphore_mem>>) {add = true}
      %dma_wait3A_236 = arith.constant 0 : i32
      %dma_wait3A_237 = arith.constant 0 : i32
      %dma_wait3A_238 = tpu.memref_slice %arg13[%dma_wait3A_236, %dma_wait3A_237] : memref<10000x128xf32, #tpu.memory_space<vmem_shared>> -> memref<10000x128xf32, #tpu.memory_space<vmem_shared>>
      tpu.wait_indirect_dma semaphore(%arg18 : memref<!tpu.dma_semaphore, #tpu.memory_space<semaphore_mem>>) src(%arg11 : memref<128x128xf32, #tpu.memory_space<vmem>>) dst(%dma_wait3A_238 : memref<10000x128xf32, #tpu.memory_space<vmem_shared>>)
      %add3A_239 = arith.constant 1 : i32
      %add3A_240 = arith.addi %add3A_219, %add3A_239 : i32
      %lt3A_241 = arith.constant 78 : i32
      %lt3A_242 = arith.cmpi slt, %add3A_240, %lt3A_241 : i32
      %convert_element_type3A_243 = arith.extui %lt3A_242 : i1 to i32
      %cond3A_244 = arith.constant 0 : i32
      %cond3A_245 = arith.cmpi ne, %convert_element_type3A_243, %cond3A_244 : i32
      scf.if %cond3A_245 {
        %add3A_247 = arith.constant 1 : i32
        %add3A_248 = arith.addi %add3A_219, %add3A_247 : i32
        %mul3A_249 = arith.constant 10000 : i32
        %mul3A_250 = arith.muli %arg1, %mul3A_249 : i32
        %mul3A_251 = arith.constant 128 : i32
        %mul3A_252 = arith.muli %add3A_248, %mul3A_251 : i32
        %add3A_253 = arith.addi %mul3A_250, %mul3A_252 : i32
        %dma_start3A_254 = tpu.memref_slice %arg4[%add3A_253] : memref<160000xi32, #tpu.memory_space<hbm>> -> memref<128xi32, #tpu.memory_space<hbm>>
        %dma_start3A_255 = tpu.memref_slice %arg4[%add3A_253] : memref<160000xi32, #tpu.memory_space<hbm>> -> memref<128xi32, #tpu.memory_space<hbm>>
        tpu.enqueue_dma source(%dma_start3A_255 : memref<128xi32, #tpu.memory_space<hbm>>) target(%arg8 : memref<128xi32, #tpu.memory_space<vmem>>) target_semaphore(%arg16 : memref<!tpu.dma_semaphore, #tpu.memory_space<semaphore_mem>>)
        %add3A_256 = arith.constant 1 : i32
        %add3A_257 = arith.addi %add3A_219, %add3A_256 : i32
        %mul3A_258 = arith.constant 128 : i32
        %mul3A_259 = arith.muli %add3A_257, %mul3A_258 : i32
        %dma_start3A_260 = tpu.memref_slice %arg6[%mul3A_259] : memref<10000xi32, #tpu.memory_space<vmem>> -> memref<128xi32, #tpu.memory_space<vmem>>
        %dma_start3A_261 = arith.constant 0 : i32
        %dma_start3A_262 = arith.constant 0 : i32
        %dma_start3A_263 = tpu.memref_slice %arg2[%dma_start3A_261, %dma_start3A_262] : memref<40000x128xf32, #tpu.memory_space<hbm>> -> memref<40000x128xf32, #tpu.memory_space<hbm>>
        tpu.enqueue_indirect_dma source(%dma_start3A_263 : memref<40000x128xf32, #tpu.memory_space<hbm>>) target(%arg11 : memref<128x128xf32, #tpu.memory_space<vmem>>) offsets(%dma_start3A_260 : memref<128xi32, #tpu.memory_space<vmem>>) semaphore(%arg14 : memref<!tpu.dma_semaphore, #tpu.memory_space<semaphore_mem>>)
      } else {
      }
      %scan3A_246 = arith.constant 0 : i32
      scf.yield %scan3A_246 : i32
    }
    %scan3A_125 = arith.constant 38 : i32
    %dma_wait3A_126 = arith.constant 9856 : i32
    %dma_wait3A_127 = tpu.memref_slice %arg6[%dma_wait3A_126] : memref<10000xi32, #tpu.memory_space<vmem>> -> memref<128xi32, #tpu.memory_space<vmem>>
    %dma_wait3A_128 = arith.constant 0 : i32
    %dma_wait3A_129 = arith.constant 0 : i32
    %dma_wait3A_130 = tpu.memref_slice %arg2[%dma_wait3A_128, %dma_wait3A_129] : memref<40000x128xf32, #tpu.memory_space<hbm>> -> memref<40000x128xf32, #tpu.memory_space<hbm>>
    tpu.wait_indirect_dma semaphore(%arg14 : memref<!tpu.dma_semaphore, #tpu.memory_space<semaphore_mem>>) src(%dma_wait3A_130 : memref<40000x128xf32, #tpu.memory_space<hbm>>) dst(%arg11 : memref<128x128xf32, #tpu.memory_space<vmem>>)
    %mul3A_131 = arith.constant 10000 : i32
    %mul3A_132 = arith.muli %arg1, %mul3A_131 : i32
    %add3A_133 = arith.constant 9856 : i32
    %add3A_134 = arith.addi %mul3A_132, %add3A_133 : i32
    %dma_wait3A_135 = tpu.memref_slice %arg4[%add3A_134] : memref<160000xi32, #tpu.memory_space<hbm>> -> memref<128xi32, #tpu.memory_space<hbm>>
    %dma_wait3A_136 = tpu.memref_slice %arg4[%add3A_134] : memref<160000xi32, #tpu.memory_space<hbm>> -> memref<128xi32, #tpu.memory_space<hbm>>
    tpu.wait_dma2 semaphore(%arg16 : memref<!tpu.dma_semaphore, #tpu.memory_space<semaphore_mem>>) src(%dma_wait3A_136 : memref<128xi32, #tpu.memory_space<hbm>>) dst(%arg8 : memref<128xi32, #tpu.memory_space<vmem>>)
    %dma_start3A_137 = arith.constant 0 : i32
    %dma_start3A_138 = arith.constant 0 : i32
    %dma_start3A_139 = tpu.memref_slice %arg13[%dma_start3A_137, %dma_start3A_138] : memref<10000x128xf32, #tpu.memory_space<vmem_shared>> -> memref<10000x128xf32, #tpu.memory_space<vmem_shared>>
    tpu.enqueue_indirect_dma source(%arg11 : memref<128x128xf32, #tpu.memory_space<vmem>>) target(%dma_start3A_139 : memref<10000x128xf32, #tpu.memory_space<vmem_shared>>) offsets(%arg8 : memref<128xi32, #tpu.memory_space<vmem>>) semaphore(%arg18 : memref<!tpu.dma_semaphore, #tpu.memory_space<semaphore_mem>>) {add = true}
    %dma_wait3A_140 = arith.constant 0 : i32
    %dma_wait3A_141 = arith.constant 0 : i32
    %dma_wait3A_142 = tpu.memref_slice %arg13[%dma_wait3A_140, %dma_wait3A_141] : memref<10000x128xf32, #tpu.memory_space<vmem_shared>> -> memref<10000x128xf32, #tpu.memory_space<vmem_shared>>
    tpu.wait_indirect_dma semaphore(%arg17 : memref<!tpu.dma_semaphore, #tpu.memory_space<semaphore_mem>>) src(%arg10 : memref<128x128xf32, #tpu.memory_space<vmem>>) dst(%dma_wait3A_142 : memref<10000x128xf32, #tpu.memory_space<vmem_shared>>)
    %mul3A_143 = arith.constant 10000 : i32
    %mul3A_144 = arith.muli %arg1, %mul3A_143 : i32
    %add3A_145 = arith.constant 9984 : i32
    %add3A_146 = arith.addi %mul3A_144, %add3A_145 : i32
    %dma_start3A_147 = tpu.memref_slice %arg4[%add3A_146] : memref<160000xi32, #tpu.memory_space<hbm>> -> memref<16xi32, #tpu.memory_space<hbm>>
    %dma_start3A_148 = tpu.memref_slice %arg4[%add3A_146] : memref<160000xi32, #tpu.memory_space<hbm>> -> memref<16xi32, #tpu.memory_space<hbm>>
    tpu.enqueue_dma source(%dma_start3A_148 : memref<16xi32, #tpu.memory_space<hbm>>) target(%arg9 : memref<16xi32, #tpu.memory_space<vmem>>) target_semaphore(%arg15 : memref<!tpu.dma_semaphore, #tpu.memory_space<semaphore_mem>>)
    %dma_start3A_149 = arith.constant 9984 : i32
    %dma_start3A_150 = tpu.memref_slice %arg6[%dma_start3A_149] : memref<10000xi32, #tpu.memory_space<vmem>> -> memref<16xi32, #tpu.memory_space<vmem>>
    %dma_start3A_151 = arith.constant 0 : i32
    %dma_start3A_152 = arith.constant 0 : i32
    %dma_start3A_153 = tpu.memref_slice %arg2[%dma_start3A_151, %dma_start3A_152] : memref<40000x128xf32, #tpu.memory_space<hbm>> -> memref<40000x128xf32, #tpu.memory_space<hbm>>
    tpu.enqueue_indirect_dma source(%dma_start3A_153 : memref<40000x128xf32, #tpu.memory_space<hbm>>) target(%arg12 : memref<16x128xf32, #tpu.memory_space<vmem>>) offsets(%dma_start3A_150 : memref<16xi32, #tpu.memory_space<vmem>>) semaphore(%arg14 : memref<!tpu.dma_semaphore, #tpu.memory_space<semaphore_mem>>)
    %dma_wait3A_154 = arith.constant 9984 : i32
    %dma_wait3A_155 = tpu.memref_slice %arg6[%dma_wait3A_154] : memref<10000xi32, #tpu.memory_space<vmem>> -> memref<16xi32, #tpu.memory_space<vmem>>
    %dma_wait3A_156 = arith.constant 0 : i32
    %dma_wait3A_157 = arith.constant 0 : i32
    %dma_wait3A_158 = tpu.memref_slice %arg2[%dma_wait3A_156, %dma_wait3A_157] : memref<40000x128xf32, #tpu.memory_space<hbm>> -> memref<40000x128xf32, #tpu.memory_space<hbm>>
    tpu.wait_indirect_dma semaphore(%arg14 : memref<!tpu.dma_semaphore, #tpu.memory_space<semaphore_mem>>) src(%dma_wait3A_158 : memref<40000x128xf32, #tpu.memory_space<hbm>>) dst(%arg12 : memref<16x128xf32, #tpu.memory_space<vmem>>)
    %dma_wait3A_159 = tpu.memref_slice %arg4[%add3A_146] : memref<160000xi32, #tpu.memory_space<hbm>> -> memref<16xi32, #tpu.memory_space<hbm>>
    %dma_wait3A_160 = tpu.memref_slice %arg4[%add3A_146] : memref<160000xi32, #tpu.memory_space<hbm>> -> memref<16xi32, #tpu.memory_space<hbm>>
    tpu.wait_dma2 semaphore(%arg15 : memref<!tpu.dma_semaphore, #tpu.memory_space<semaphore_mem>>) src(%dma_wait3A_160 : memref<16xi32, #tpu.memory_space<hbm>>) dst(%arg9 : memref<16xi32, #tpu.memory_space<vmem>>)
    "tpu.region"() ({
      %run_scoped3A = tpu.sem_alloc : memref<!tpu.dma_semaphore, #tpu.memory_space<semaphore_mem>>
      %dma_start3A_187 = arith.constant 0 : i32
      %dma_start3A_188 = arith.constant 0 : i32
      %dma_start3A_189 = tpu.memref_slice %arg13[%dma_start3A_187, %dma_start3A_188] : memref<10000x128xf32, #tpu.memory_space<vmem_shared>> -> memref<10000x128xf32, #tpu.memory_space<vmem_shared>>
      tpu.enqueue_indirect_dma source(%arg12 : memref<16x128xf32, #tpu.memory_space<vmem>>) target(%dma_start3A_189 : memref<10000x128xf32, #tpu.memory_space<vmem_shared>>) offsets(%arg9 : memref<16xi32, #tpu.memory_space<vmem>>) semaphore(%run_scoped3A : memref<!tpu.dma_semaphore, #tpu.memory_space<semaphore_mem>>) {add = true}
      %dma_wait3A_190 = arith.constant 0 : i32
      %dma_wait3A_191 = arith.constant 0 : i32
      %dma_wait3A_192 = tpu.memref_slice %arg13[%dma_wait3A_190, %dma_wait3A_191] : memref<10000x128xf32, #tpu.memory_space<vmem_shared>> -> memref<10000x128xf32, #tpu.memory_space<vmem_shared>>
      tpu.wait_indirect_dma semaphore(%run_scoped3A : memref<!tpu.dma_semaphore, #tpu.memory_space<semaphore_mem>>) src(%arg12 : memref<16x128xf32, #tpu.memory_space<vmem>>) dst(%dma_wait3A_192 : memref<10000x128xf32, #tpu.memory_space<vmem_shared>>)
      tpu.yield
    }) : () -> ()
    %dma_wait3A_161 = arith.constant 0 : i32
    %dma_wait3A_162 = arith.constant 0 : i32
    %dma_wait3A_163 = tpu.memref_slice %arg13[%dma_wait3A_161, %dma_wait3A_162] : memref<10000x128xf32, #tpu.memory_space<vmem_shared>> -> memref<10000x128xf32, #tpu.memory_space<vmem_shared>>
    tpu.wait_indirect_dma semaphore(%arg18 : memref<!tpu.dma_semaphore, #tpu.memory_space<semaphore_mem>>) src(%arg11 : memref<128x128xf32, #tpu.memory_space<vmem>>) dst(%dma_wait3A_163 : memref<10000x128xf32, #tpu.memory_space<vmem_shared>>)
    %barrier3A_164 = arith.constant 0 : index
    tpu.barrier barrier_id(%barrier3A_164)
    %while3A_165 = arith.constant 0 : i32
    %while3A_166 = arith.subi %select_n3A_55, %select_n3A : i32
    %while3A_167 = arith.addi %select_n3A, %while3A_166 : i32
    %while3A_168 = arith.constant 1 : i32
    %while3A_169 = arith.divsi %while3A_166, %while3A_168 : i32
    %while3A_170 = arith.muli %while3A_169, %while3A_168 : i32
    %while3A_171 = arith.addi %select_n3A, %while3A_170 : i32
    %while3A_172 = arith.constant 1 : i32
    %while3A_173 = scf.for %while3A_187 = %select_n3A to %while3A_171 step %while3A_172 iter_args(%while3A_188 = %while3A_165) -> (i32)  : i32 {
      %mul3A_189 = arith.constant 80 : i32
      %mul3A_190 = arith.muli %while3A_187, %mul3A_189 : i32
      %mul3A_191 = arith.constant 10000 : i32
      %mul3A_192 = arith.muli %arg0, %mul3A_191 : i32
      %mul3A_193 = arith.constant 80 : i32
      %mul3A_194 = arith.muli %while3A_187, %mul3A_193 : i32
      %add3A_195 = arith.addi %mul3A_192, %mul3A_194 : i32
      %dma_start3A_196 = arith.constant 0 : i32
      %dma_start3A_197 = tpu.memref_slice %arg5[%add3A_195, %dma_start3A_196] : memref<20000x128xf32, #tpu.memory_space<hbm>> -> memref<80x128xf32, #tpu.memory_space<hbm>>
      %dma_start3A_198 = arith.constant 0 : i32
      %dma_start3A_199 = tpu.memref_slice %arg13[%mul3A_190, %dma_start3A_198] : memref<10000x128xf32, #tpu.memory_space<vmem_shared>> -> memref<80x128xf32, #tpu.memory_space<vmem_shared>>
      tpu.enqueue_dma source(%dma_start3A_199 : memref<80x128xf32, #tpu.memory_space<vmem_shared>>) target(%dma_start3A_197 : memref<80x128xf32, #tpu.memory_space<hbm>>) target_semaphore(%arg19 : memref<!tpu.dma_semaphore, #tpu.memory_space<semaphore_mem>>)
      %while3A_200 = arith.constant 0 : i32
      scf.yield %while3A_200 : i32
    }
    %while3A_174 = arith.constant 1 : i32
    %while3A_175 = scf.for %while3A_187 = %while3A_171 to %while3A_167 step %while3A_174 iter_args(%while3A_188 = %while3A_173) -> (i32)  : i32 {
      %mul3A_189 = arith.constant 80 : i32
      %mul3A_190 = arith.muli %while3A_187, %mul3A_189 : i32
      %mul3A_191 = arith.constant 10000 : i32
      %mul3A_192 = arith.muli %arg0, %mul3A_191 : i32
      %mul3A_193 = arith.constant 80 : i32
      %mul3A_194 = arith.muli %while3A_187, %mul3A_193 : i32
      %add3A_195 = arith.addi %mul3A_192, %mul3A_194 : i32
      %dma_start3A_196 = arith.constant 0 : i32
      %dma_start3A_197 = tpu.memref_slice %arg5[%add3A_195, %dma_start3A_196] : memref<20000x128xf32, #tpu.memory_space<hbm>> -> memref<80x128xf32, #tpu.memory_space<hbm>>
      %dma_start3A_198 = arith.constant 0 : i32
      %dma_start3A_199 = tpu.memref_slice %arg13[%mul3A_190, %dma_start3A_198] : memref<10000x128xf32, #tpu.memory_space<vmem_shared>> -> memref<80x128xf32, #tpu.memory_space<vmem_shared>>
      tpu.enqueue_dma source(%dma_start3A_199 : memref<80x128xf32, #tpu.memory_space<vmem_shared>>) target(%dma_start3A_197 : memref<80x128xf32, #tpu.memory_space<hbm>>) target_semaphore(%arg19 : memref<!tpu.dma_semaphore, #tpu.memory_space<semaphore_mem>>)
      %while3A_200 = arith.constant 0 : i32
      scf.yield %while3A_200 : i32
    }
    %while3A_176 = arith.constant 0 : i32
    %while3A_177 = arith.subi %select_n3A_55, %select_n3A : i32
    %while3A_178 = arith.addi %select_n3A, %while3A_177 : i32
    %while3A_179 = arith.constant 1 : i32
    %while3A_180 = arith.divsi %while3A_177, %while3A_179 : i32
    %while3A_181 = arith.muli %while3A_180, %while3A_179 : i32
    %while3A_182 = arith.addi %select_n3A, %while3A_181 : i32
    %while3A_183 = arith.constant 1 : i32
    %while3A_184 = scf.for %while3A_187 = %select_n3A to %while3A_182 step %while3A_183 iter_args(%while3A_188 = %while3A_176) -> (i32)  : i32 {
      %mul3A_189 = arith.constant 80 : i32
      %mul3A_190 = arith.muli %while3A_187, %mul3A_189 : i32
      %mul3A_191 = arith.constant 10000 : i32
      %mul3A_192 = arith.muli %arg0, %mul3A_191 : i32
      %mul3A_193 = arith.constant 80 : i32
      %mul3A_194 = arith.muli %while3A_187, %mul3A_193 : i32
      %add3A_195 = arith.addi %mul3A_192, %mul3A_194 : i32
      %dma_wait3A_196 = arith.constant 0 : i32
      %dma_wait3A_197 = tpu.memref_slice %arg5[%add3A_195, %dma_wait3A_196] : memref<20000x128xf32, #tpu.memory_space<hbm>> -> memref<80x128xf32, #tpu.memory_space<hbm>>
      %dma_wait3A_198 = arith.constant 0 : i32
      %dma_wait3A_199 = tpu.memref_slice %arg13[%mul3A_190, %dma_wait3A_198] : memref<10000x128xf32, #tpu.memory_space<vmem_shared>> -> memref<80x128xf32, #tpu.memory_space<vmem_shared>>
      tpu.wait_dma2 semaphore(%arg19 : memref<!tpu.dma_semaphore, #tpu.memory_space<semaphore_mem>>) src(%dma_wait3A_199 : memref<80x128xf32, #tpu.memory_space<vmem_shared>>) dst(%dma_wait3A_197 : memref<80x128xf32, #tpu.memory_space<hbm>>)
      %while3A_200 = arith.constant 0 : i32
      scf.yield %while3A_200 : i32
    }
    %while3A_185 = arith.constant 1 : i32
    %while3A_186 = scf.for %while3A_187 = %while3A_182 to %while3A_178 step %while3A_185 iter_args(%while3A_188 = %while3A_184) -> (i32)  : i32 {
      %mul3A_189 = arith.constant 80 : i32
      %mul3A_190 = arith.muli %while3A_187, %mul3A_189 : i32
      %mul3A_191 = arith.constant 10000 : i32
      %mul3A_192 = arith.muli %arg0, %mul3A_191 : i32
      %mul3A_193 = arith.constant 80 : i32
      %mul3A_194 = arith.muli %while3A_187, %mul3A_193 : i32
      %add3A_195 = arith.addi %mul3A_192, %mul3A_194 : i32
      %dma_wait3A_196 = arith.constant 0 : i32
      %dma_wait3A_197 = tpu.memref_slice %arg5[%add3A_195, %dma_wait3A_196] : memref<20000x128xf32, #tpu.memory_space<hbm>> -> memref<80x128xf32, #tpu.memory_space<hbm>>
      %dma_wait3A_198 = arith.constant 0 : i32
      %dma_wait3A_199 = tpu.memref_slice %arg13[%mul3A_190, %dma_wait3A_198] : memref<10000x128xf32, #tpu.memory_space<vmem_shared>> -> memref<80x128xf32, #tpu.memory_space<vmem_shared>>
      tpu.wait_dma2 semaphore(%arg19 : memref<!tpu.dma_semaphore, #tpu.memory_space<semaphore_mem>>) src(%dma_wait3A_199 : memref<80x128xf32, #tpu.memory_space<vmem_shared>>) dst(%dma_wait3A_197 : memref<80x128xf32, #tpu.memory_space<hbm>>)
      %while3A_200 = arith.constant 0 : i32
      scf.yield %while3A_200 : i32
    }
    return
  }
}

#map = affine_map<(d0, d1) -> (0, 0)>
#map1 = affine_map<(d0, d1) -> (0)>
module attributes {stable_mosaic.version = 14 : i64} {
  func.func @_sc_seg_sum_body(%arg0: i32, %arg1: i32, %arg2: memref<40000x128xf32, #tpu.memory_space<hbm>>, %arg3: memref<320000xi32, #tpu.memory_space<hbm>>, %arg4: memref<160000xi32, #tpu.memory_space<hbm>>, %arg5: memref<20000x128xf32, #tpu.memory_space<hbm>>, %arg6: memref<10000xi32, #tpu.memory_space<vmem>>, %arg7: memref<128xi32, #tpu.memory_space<vmem>>, %arg8: memref<128xi32, #tpu.memory_space<vmem>>, %arg9: memref<16xi32, #tpu.memory_space<vmem>>, %arg10: memref<128x128xf32, #tpu.memory_space<vmem>>, %arg11: memref<128x128xf32, #tpu.memory_space<vmem>>, %arg12: memref<16x128xf32, #tpu.memory_space<vmem>>, %arg13: memref<10000x128xf32, #tpu.memory_space<vmem_shared>>, %arg14: memref<!tpu.dma_semaphore, #tpu.memory_space<semaphore_mem>>, %arg15: memref<!tpu.dma_semaphore, #tpu.memory_space<semaphore_mem>>, %arg16: memref<!tpu.dma_semaphore, #tpu.memory_space<semaphore_mem>>, %arg17: memref<!tpu.dma_semaphore, #tpu.memory_space<semaphore_mem>>, %arg18: memref<!tpu.dma_semaphore, #tpu.memory_space<semaphore_mem>>, %arg19: memref<!tpu.dma_semaphore, #tpu.memory_space<semaphore_mem>>) attributes {dimension_semantics = [#tpu.dimension_semantics<core_parallel>, #tpu.dimension_semantics<subcore_parallel>], iteration_bounds = array<i64: 2, 16>, scalar_prefetch = 0 : i64, scratch_operands = 14 : i64, tpu.core_type = #tpu.core_type<sc_vector_subcore>, window_params = [{transform_indices = #map}, {transform_indices = #map1}, {transform_indices = #map1}, {transform_indices = #map}]} {
    %mul3A = arith.constant 160000 : i32
    %mul3A_0 = arith.muli %arg0, %mul3A : i32
    %mul3A_1 = arith.constant 10000 : i32
    %mul3A_2 = arith.muli %arg1, %mul3A_1 : i32
    %add3A = arith.addi %mul3A_0, %mul3A_2 : i32
    %dma_start3A = tpu.memref_slice %arg3[%add3A] : memref<320000xi32, #tpu.memory_space<hbm>> -> memref<10000xi32, #tpu.memory_space<hbm>>
    %dma_start3A_3 = tpu.memref_slice %arg3[%add3A] : memref<320000xi32, #tpu.memory_space<hbm>> -> memref<10000xi32, #tpu.memory_space<hbm>>
    tpu.enqueue_dma source(%dma_start3A_3 : memref<10000xi32, #tpu.memory_space<hbm>>) target(%arg6 : memref<10000xi32, #tpu.memory_space<vmem>>) target_semaphore(%arg14 : memref<!tpu.dma_semaphore, #tpu.memory_space<semaphore_mem>>)
    %scan3A = arith.constant 0 : i32
    %scan3A_4 = arith.constant 0 : i32
    %scan3A_5 = arith.constant 1024 : i32
    %scan3A_6 = arith.addi %scan3A_4, %scan3A_5 : i32
    %scan3A_7 = arith.constant 1 : i32
    %scan3A_8 = scf.for %scan3A_187 = %scan3A_4 to %scan3A_6 step %scan3A_7 iter_args(%scan3A_188 = %scan3A) -> (i32)  : i32 {
      %jit3A_189 = arith.constant 8 : i32
      %div3A_190 = arith.divsi %scan3A_187, %jit3A_189 : i32
      %sign3A_191 = arith.constant 0 : i32
      %sign3A_192 = arith.cmpi sgt, %scan3A_187, %sign3A_191 : i32
      %sign3A_193 = arith.extui %sign3A_192 : i1 to i32
      %sign3A_194 = arith.constant 0 : i32
      %sign3A_195 = arith.cmpi slt, %scan3A_187, %sign3A_194 : i32
      %sign3A_196 = arith.extui %sign3A_195 : i1 to i32
      %sign3A_197 = arith.subi %sign3A_193, %sign3A_196 : i32
      %sign3A_198 = arith.constant 0 : i32
      %sign3A_199 = arith.cmpi sgt, %jit3A_189, %sign3A_198 : i32
      %sign3A_200 = arith.extui %sign3A_199 : i1 to i32
      %sign3A_201 = arith.constant 0 : i32
      %sign3A_202 = arith.cmpi slt, %jit3A_189, %sign3A_201 : i32
      %sign3A_203 = arith.extui %sign3A_202 : i1 to i32
      %sign3A_204 = arith.subi %sign3A_200, %sign3A_203 : i32
      %ne3A_205 = arith.cmpi ne, %sign3A_197, %sign3A_204 : i32
      %rem3A_206 = arith.remsi %scan3A_187, %jit3A_189 : i32
      %ne3A_207 = arith.constant 0 : i32
      %ne3A_208 = arith.cmpi ne, %rem3A_206, %ne3A_207 : i32
      %and3A_209 = arith.andi %ne3A_205, %ne3A_208 : i1
      %sub3A_210 = arith.constant 1 : i32
      %sub3A_211 = arith.subi %div3A_190, %sub3A_210 : i32
      %select_n3A_212 = arith.select %and3A_209, %sub3A_211, %div3A_190 : i32
      %jit3A_213 = arith.constant 8 : i32
      %eq3A = arith.constant 0 : i32
      %eq3A_214 = arith.cmpi eq, %jit3A_213, %eq3A : i32
      %jit3A_215 = arith.constant 1 : i32
      %select_n3A_216 = arith.select %eq3A_214, %jit3A_215, %jit3A_213 : i32
      %rem3A_217 = arith.remsi %scan3A_187, %select_n3A_216 : i32
      %ne3A_218 = arith.constant 0 : i32
      %ne3A_219 = arith.cmpi ne, %rem3A_217, %ne3A_218 : i32
      %lt3A = arith.constant 0 : i32
      %lt3A_220 = arith.cmpi slt, %rem3A_217, %lt3A : i32
      %lt3A_221 = arith.constant 0 : i32
      %lt3A_222 = arith.cmpi slt, %select_n3A_216, %lt3A_221 : i32
      %ne3A_223 = arith.xori %lt3A_220, %lt3A_222 : i1
      %and3A_224 = arith.andi %ne3A_223, %ne3A_219 : i1
      %add3A_225 = arith.addi %rem3A_217, %select_n3A_216 : i32
      %select_n3A_226 = arith.select %and3A_224, %add3A_225, %rem3A_217 : i32
      %broadcast_in_dim3A = arith.constant 0.000000e+00 : f32
      %broadcast_in_dim3A_227 = vector.broadcast %broadcast_in_dim3A : f32 to vector<16xf32>
      %mul3A_228 = arith.constant 16 : i32
      %mul3A_229 = arith.muli %select_n3A_226, %mul3A_228 : i32
      %swap3A = arith.index_cast %select_n3A_212 : i32 to index
      %swap3A_230 = arith.index_cast %mul3A_229 : i32 to index
      %swap3A_231 = tpu.vector_load %arg10[%swap3A, %swap3A_230] {strides = array<i32>} : memref<128x128xf32, #tpu.memory_space<vmem>>, vector<1x16xf32>,
      %swap3A_232 = vector.shape_cast %swap3A_231 : vector<1x16xf32> to vector<16xf32>
      %swap3A_233 = vector.shape_cast %broadcast_in_dim3A_227 : vector<16xf32> to vector<1x16xf32>
      tpu.vector_store %arg10[%swap3A, %swap3A_230], %swap3A_233 {strides = array<i32>} : memref<128x128xf32, #tpu.memory_space<vmem>>, vector<1x16xf32>,
      %scan3A_234 = arith.constant 0 : i32
      scf.yield %scan3A_234 : i32
    }
    %scan3A_9 = arith.constant 1024 : i32
    %mul3A_10 = arith.constant 125 : i32
    %mul3A_11 = arith.muli %arg1, %mul3A_10 : i32
    %jit3A = arith.constant 16 : i32
    %div3A = arith.divsi %mul3A_11, %jit3A : i32
    %sign3A = arith.constant 0 : i32
    %sign3A_12 = arith.cmpi sgt, %mul3A_11, %sign3A : i32
    %sign3A_13 = arith.extui %sign3A_12 : i1 to i32
    %sign3A_14 = arith.constant 0 : i32
    %sign3A_15 = arith.cmpi slt, %mul3A_11, %sign3A_14 : i32
    %sign3A_16 = arith.extui %sign3A_15 : i1 to i32
    %sign3A_17 = arith.subi %sign3A_13, %sign3A_16 : i32
    %sign3A_18 = arith.constant 0 : i32
    %sign3A_19 = arith.cmpi sgt, %jit3A, %sign3A_18 : i32
    %sign3A_20 = arith.extui %sign3A_19 : i1 to i32
    %sign3A_21 = arith.constant 0 : i32
    %sign3A_22 = arith.cmpi slt, %jit3A, %sign3A_21 : i32
    %sign3A_23 = arith.extui %sign3A_22 : i1 to i32
    %sign3A_24 = arith.subi %sign3A_20, %sign3A_23 : i32
    %ne3A = arith.cmpi ne, %sign3A_17, %sign3A_24 : i32
    %rem3A = arith.remsi %mul3A_11, %jit3A : i32
    %ne3A_25 = arith.constant 0 : i32
    %ne3A_26 = arith.cmpi ne, %rem3A, %ne3A_25 : i32
    %and3A = arith.andi %ne3A, %ne3A_26 : i1
    %sub3A = arith.constant 1 : i32
    %sub3A_27 = arith.subi %div3A, %sub3A : i32
    %select_n3A = arith.select %and3A, %sub3A_27, %div3A : i32
    %add3A_28 = arith.constant 1 : i32
    %add3A_29 = arith.addi %arg1, %add3A_28 : i32
    %mul3A_30 = arith.constant 125 : i32
    %mul3A_31 = arith.muli %add3A_29, %mul3A_30 : i32
    %jit3A_32 = arith.constant 16 : i32
    %div3A_33 = arith.divsi %mul3A_31, %jit3A_32 : i32
    %sign3A_34 = arith.constant 0 : i32
    %sign3A_35 = arith.cmpi sgt, %mul3A_31, %sign3A_34 : i32
    %sign3A_36 = arith.extui %sign3A_35 : i1 to i32
    %sign3A_37 = arith.constant 0 : i32
    %sign3A_38 = arith.cmpi slt, %mul3A_31, %sign3A_37 : i32
    %sign3A_39 = arith.extui %sign3A_38 : i1 to i32
    %sign3A_40 = arith.subi %sign3A_36, %sign3A_39 : i32
    %sign3A_41 = arith.constant 0 : i32
    %sign3A_42 = arith.cmpi sgt, %jit3A_32, %sign3A_41 : i32
    %sign3A_43 = arith.extui %sign3A_42 : i1 to i32
    %sign3A_44 = arith.constant 0 : i32
    %sign3A_45 = arith.cmpi slt, %jit3A_32, %sign3A_44 : i32
    %sign3A_46 = arith.extui %sign3A_45 : i1 to i32
    %sign3A_47 = arith.subi %sign3A_43, %sign3A_46 : i32
    %ne3A_48 = arith.cmpi ne, %sign3A_40, %sign3A_47 : i32
    %rem3A_49 = arith.remsi %mul3A_31, %jit3A_32 : i32
    %ne3A_50 = arith.constant 0 : i32
    %ne3A_51 = arith.cmpi ne, %rem3A_49, %ne3A_50 : i32
    %and3A_52 = arith.andi %ne3A_48, %ne3A_51 : i1
    %sub3A_53 = arith.constant 1 : i32
    %sub3A_54 = arith.subi %div3A_33, %sub3A_53 : i32
    %select_n3A_55 = arith.select %and3A_52, %sub3A_54, %div3A_33 : i32
    %while3A = arith.constant 0 : i32
    %while3A_56 = arith.subi %select_n3A_55, %select_n3A : i32
    %while3A_57 = arith.addi %select_n3A, %while3A_56 : i32
    %while3A_58 = arith.constant 1 : i32
    %while3A_59 = arith.divsi %while3A_56, %while3A_58 : i32
    %while3A_60 = arith.muli %while3A_59, %while3A_58 : i32
    %while3A_61 = arith.addi %select_n3A, %while3A_60 : i32
    %while3A_62 = arith.constant 1 : i32
    %while3A_63 = scf.for %while3A_187 = %select_n3A to %while3A_61 step %while3A_62 iter_args(%while3A_188 = %while3A) -> (i32)  : i32 {
      %mul3A_189 = arith.constant 80 : i32
      %mul3A_190 = arith.muli %while3A_187, %mul3A_189 : i32
      %dma_start3A_191 = arith.constant 0 : i32
      %dma_start3A_192 = arith.constant 0 : i32
      %dma_start3A_193 = tpu.memref_slice %arg10[%dma_start3A_191, %dma_start3A_192] : memref<128x128xf32, #tpu.memory_space<vmem>> -> memref<80x128xf32, #tpu.memory_space<vmem>>
      %dma_start3A_194 = arith.constant 0 : i32
      %dma_start3A_195 = tpu.memref_slice %arg13[%mul3A_190, %dma_start3A_194] : memref<10000x128xf32, #tpu.memory_space<vmem_shared>> -> memref<80x128xf32, #tpu.memory_space<vmem_shared>>
      %dma_start3A_196 = arith.constant 0 : i32
      %dma_start3A_197 = tpu.memref_slice %arg13[%mul3A_190, %dma_start3A_196] : memref<10000x128xf32, #tpu.memory_space<vmem_shared>> -> memref<80x128xf32, #tpu.memory_space<vmem_shared>>
      %dma_start3A_198 = arith.constant 0 : i32
      %dma_start3A_199 = arith.constant 0 : i32
      %dma_start3A_200 = tpu.memref_slice %arg10[%dma_start3A_198, %dma_start3A_199] : memref<128x128xf32, #tpu.memory_space<vmem>> -> memref<80x128xf32, #tpu.memory_space<vmem>>
      tpu.enqueue_dma source(%dma_start3A_200 : memref<80x128xf32, #tpu.memory_space<vmem>>) target(%dma_start3A_197 : memref<80x128xf32, #tpu.memory_space<vmem_shared>>) target_semaphore(%arg19 : memref<!tpu.dma_semaphore, #tpu.memory_space<semaphore_mem>>)
      %while3A_201 = arith.constant 0 : i32
      scf.yield %while3A_201 : i32
    }
    %while3A_64 = arith.constant 1 : i32
    %while3A_65 = scf.for %while3A_187 = %while3A_61 to %while3A_57 step %while3A_64 iter_args(%while3A_188 = %while3A_63) -> (i32)  : i32 {
      %mul3A_189 = arith.constant 80 : i32
      %mul3A_190 = arith.muli %while3A_187, %mul3A_189 : i32
      %dma_start3A_191 = arith.constant 0 : i32
      %dma_start3A_192 = arith.constant 0 : i32
      %dma_start3A_193 = tpu.memref_slice %arg10[%dma_start3A_191, %dma_start3A_192] : memref<128x128xf32, #tpu.memory_space<vmem>> -> memref<80x128xf32, #tpu.memory_space<vmem>>
      %dma_start3A_194 = arith.constant 0 : i32
      %dma_start3A_195 = tpu.memref_slice %arg13[%mul3A_190, %dma_start3A_194] : memref<10000x128xf32, #tpu.memory_space<vmem_shared>> -> memref<80x128xf32, #tpu.memory_space<vmem_shared>>
      %dma_start3A_196 = arith.constant 0 : i32
      %dma_start3A_197 = tpu.memref_slice %arg13[%mul3A_190, %dma_start3A_196] : memref<10000x128xf32, #tpu.memory_space<vmem_shared>> -> memref<80x128xf32, #tpu.memory_space<vmem_shared>>
      %dma_start3A_198 = arith.constant 0 : i32
      %dma_start3A_199 = arith.constant 0 : i32
      %dma_start3A_200 = tpu.memref_slice %arg10[%dma_start3A_198, %dma_start3A_199] : memref<128x128xf32, #tpu.memory_space<vmem>> -> memref<80x128xf32, #tpu.memory_space<vmem>>
      tpu.enqueue_dma source(%dma_start3A_200 : memref<80x128xf32, #tpu.memory_space<vmem>>) target(%dma_start3A_197 : memref<80x128xf32, #tpu.memory_space<vmem_shared>>) target_semaphore(%arg19 : memref<!tpu.dma_semaphore, #tpu.memory_space<semaphore_mem>>)
      %while3A_201 = arith.constant 0 : i32
      scf.yield %while3A_201 : i32
    }
    %while3A_66 = arith.constant 0 : i32
    %while3A_67 = arith.subi %select_n3A_55, %select_n3A : i32
    %while3A_68 = arith.addi %select_n3A, %while3A_67 : i32
    %while3A_69 = arith.constant 1 : i32
    %while3A_70 = arith.divsi %while3A_67, %while3A_69 : i32
    %while3A_71 = arith.muli %while3A_70, %while3A_69 : i32
    %while3A_72 = arith.addi %select_n3A, %while3A_71 : i32
    %while3A_73 = arith.constant 1 : i32
    %while3A_74 = scf.for %while3A_187 = %select_n3A to %while3A_72 step %while3A_73 iter_args(%while3A_188 = %while3A_66) -> (i32)  : i32 {
      %mul3A_189 = arith.constant 80 : i32
      %mul3A_190 = arith.muli %while3A_187, %mul3A_189 : i32
      %dma_wait3A_191 = arith.constant 0 : i32
      %dma_wait3A_192 = arith.constant 0 : i32
      %dma_wait3A_193 = tpu.memref_slice %arg10[%dma_wait3A_191, %dma_wait3A_192] : memref<128x128xf32, #tpu.memory_space<vmem>> -> memref<80x128xf32, #tpu.memory_space<vmem>>
      %dma_wait3A_194 = arith.constant 0 : i32
      %dma_wait3A_195 = tpu.memref_slice %arg13[%mul3A_190, %dma_wait3A_194] : memref<10000x128xf32, #tpu.memory_space<vmem_shared>> -> memref<80x128xf32, #tpu.memory_space<vmem_shared>>
      %dma_wait3A_196 = arith.constant 0 : i32
      %dma_wait3A_197 = tpu.memref_slice %arg13[%mul3A_190, %dma_wait3A_196] : memref<10000x128xf32, #tpu.memory_space<vmem_shared>> -> memref<80x128xf32, #tpu.memory_space<vmem_shared>>
      %dma_wait3A_198 = arith.constant 0 : i32
      %dma_wait3A_199 = arith.constant 0 : i32
      %dma_wait3A_200 = tpu.memref_slice %arg10[%dma_wait3A_198, %dma_wait3A_199] : memref<128x128xf32, #tpu.memory_space<vmem>> -> memref<80x128xf32, #tpu.memory_space<vmem>>
      tpu.wait_dma2 semaphore(%arg19 : memref<!tpu.dma_semaphore, #tpu.memory_space<semaphore_mem>>) src(%dma_wait3A_200 : memref<80x128xf32, #tpu.memory_space<vmem>>) dst(%dma_wait3A_197 : memref<80x128xf32, #tpu.memory_space<vmem_shared>>)
      %while3A_201 = arith.constant 0 : i32
      scf.yield %while3A_201 : i32
    }
    %while3A_75 = arith.constant 1 : i32
    %while3A_76 = scf.for %while3A_187 = %while3A_72 to %while3A_68 step %while3A_75 iter_args(%while3A_188 = %while3A_74) -> (i32)  : i32 {
      %mul3A_189 = arith.constant 80 : i32
      %mul3A_190 = arith.muli %while3A_187, %mul3A_189 : i32
      %dma_wait3A_191 = arith.constant 0 : i32
      %dma_wait3A_192 = arith.constant 0 : i32
      %dma_wait3A_193 = tpu.memref_slice %arg10[%dma_wait3A_191, %dma_wait3A_192] : memref<128x128xf32, #tpu.memory_space<vmem>> -> memref<80x128xf32, #tpu.memory_space<vmem>>
      %dma_wait3A_194 = arith.constant 0 : i32
      %dma_wait3A_195 = tpu.memref_slice %arg13[%mul3A_190, %dma_wait3A_194] : memref<10000x128xf32, #tpu.memory_space<vmem_shared>> -> memref<80x128xf32, #tpu.memory_space<vmem_shared>>
      %dma_wait3A_196 = arith.constant 0 : i32
      %dma_wait3A_197 = tpu.memref_slice %arg13[%mul3A_190, %dma_wait3A_196] : memref<10000x128xf32, #tpu.memory_space<vmem_shared>> -> memref<80x128xf32, #tpu.memory_space<vmem_shared>>
      %dma_wait3A_198 = arith.constant 0 : i32
      %dma_wait3A_199 = arith.constant 0 : i32
      %dma_wait3A_200 = tpu.memref_slice %arg10[%dma_wait3A_198, %dma_wait3A_199] : memref<128x128xf32, #tpu.memory_space<vmem>> -> memref<80x128xf32, #tpu.memory_space<vmem>>
      tpu.wait_dma2 semaphore(%arg19 : memref<!tpu.dma_semaphore, #tpu.memory_space<semaphore_mem>>) src(%dma_wait3A_200 : memref<80x128xf32, #tpu.memory_space<vmem>>) dst(%dma_wait3A_197 : memref<80x128xf32, #tpu.memory_space<vmem_shared>>)
      %while3A_201 = arith.constant 0 : i32
      scf.yield %while3A_201 : i32
    }
    %mul3A_77 = arith.constant 160000 : i32
    %mul3A_78 = arith.muli %arg0, %mul3A_77 : i32
    %mul3A_79 = arith.constant 10000 : i32
    %mul3A_80 = arith.muli %arg1, %mul3A_79 : i32
    %add3A_81 = arith.addi %mul3A_78, %mul3A_80 : i32
    %dma_wait3A = tpu.memref_slice %arg3[%add3A_81] : memref<320000xi32, #tpu.memory_space<hbm>> -> memref<10000xi32, #tpu.memory_space<hbm>>
    %dma_wait3A_82 = tpu.memref_slice %arg3[%add3A_81] : memref<320000xi32, #tpu.memory_space<hbm>> -> memref<10000xi32, #tpu.memory_space<hbm>>
    tpu.wait_dma2 semaphore(%arg14 : memref<!tpu.dma_semaphore, #tpu.memory_space<semaphore_mem>>) src(%dma_wait3A_82 : memref<10000xi32, #tpu.memory_space<hbm>>) dst(%arg6 : memref<10000xi32, #tpu.memory_space<vmem>>)
    %barrier3A = arith.constant 0 : index
    tpu.barrier barrier_id(%barrier3A)
    %mul3A_83 = arith.constant 10000 : i32
    %mul3A_84 = arith.muli %arg1, %mul3A_83 : i32
    %add3A_85 = arith.constant 0 : i32
    %add3A_86 = arith.addi %mul3A_84, %add3A_85 : i32
    %dma_start3A_87 = tpu.memref_slice %arg4[%add3A_86] : memref<160000xi32, #tpu.memory_space<hbm>> -> memref<128xi32, #tpu.memory_space<hbm>>
    %dma_start3A_88 = tpu.memref_slice %arg4[%add3A_86] : memref<160000xi32, #tpu.memory_space<hbm>> -> memref<128xi32, #tpu.memory_space<hbm>>
    tpu.enqueue_dma source(%dma_start3A_88 : memref<128xi32, #tpu.memory_space<hbm>>) target(%arg7 : memref<128xi32, #tpu.memory_space<vmem>>) target_semaphore(%arg15 : memref<!tpu.dma_semaphore, #tpu.memory_space<semaphore_mem>>)
    %dma_start3A_89 = arith.constant 0 : i32
    %dma_start3A_90 = tpu.memref_slice %arg6[%dma_start3A_89] : memref<10000xi32, #tpu.memory_space<vmem>> -> memref<128xi32, #tpu.memory_space<vmem>>
    %dma_start3A_91 = arith.constant 0 : i32
    %dma_start3A_92 = arith.constant 0 : i32
    %dma_start3A_93 = tpu.memref_slice %arg2[%dma_start3A_91, %dma_start3A_92] : memref<40000x128xf32, #tpu.memory_space<hbm>> -> memref<40000x128xf32, #tpu.memory_space<hbm>>
    tpu.enqueue_indirect_dma source(%dma_start3A_93 : memref<40000x128xf32, #tpu.memory_space<hbm>>) target(%arg10 : memref<128x128xf32, #tpu.memory_space<vmem>>) offsets(%dma_start3A_90 : memref<128xi32, #tpu.memory_space<vmem>>) semaphore(%arg14 : memref<!tpu.dma_semaphore, #tpu.memory_space<semaphore_mem>>)
    %dma_wait3A_94 = arith.constant 0 : i32
    %dma_wait3A_95 = tpu.memref_slice %arg6[%dma_wait3A_94] : memref<10000xi32, #tpu.memory_space<vmem>> -> memref<128xi32, #tpu.memory_space<vmem>>
    %dma_wait3A_96 = arith.constant 0 : i32
    %dma_wait3A_97 = arith.constant 0 : i32
    %dma_wait3A_98 = tpu.memref_slice %arg2[%dma_wait3A_96, %dma_wait3A_97] : memref<40000x128xf32, #tpu.memory_space<hbm>> -> memref<40000x128xf32, #tpu.memory_space<hbm>>
    tpu.wait_indirect_dma semaphore(%arg14 : memref<!tpu.dma_semaphore, #tpu.memory_space<semaphore_mem>>) src(%dma_wait3A_98 : memref<40000x128xf32, #tpu.memory_space<hbm>>) dst(%arg10 : memref<128x128xf32, #tpu.memory_space<vmem>>)
    %mul3A_99 = arith.constant 10000 : i32
    %mul3A_100 = arith.muli %arg1, %mul3A_99 : i32
    %add3A_101 = arith.constant 0 : i32
    %add3A_102 = arith.addi %mul3A_100, %add3A_101 : i32
    %dma_wait3A_103 = tpu.memref_slice %arg4[%add3A_102] : memref<160000xi32, #tpu.memory_space<hbm>> -> memref<128xi32, #tpu.memory_space<hbm>>
    %dma_wait3A_104 = tpu.memref_slice %arg4[%add3A_102] : memref<160000xi32, #tpu.memory_space<hbm>> -> memref<128xi32, #tpu.memory_space<hbm>>
    tpu.wait_dma2 semaphore(%arg15 : memref<!tpu.dma_semaphore, #tpu.memory_space<semaphore_mem>>) src(%dma_wait3A_104 : memref<128xi32, #tpu.memory_space<hbm>>) dst(%arg7 : memref<128xi32, #tpu.memory_space<vmem>>)
    %dma_start3A_105 = arith.constant 0 : i32
    %dma_start3A_106 = arith.constant 0 : i32
    %dma_start3A_107 = tpu.memref_slice %arg13[%dma_start3A_105, %dma_start3A_106] : memref<10000x128xf32, #tpu.memory_space<vmem_shared>> -> memref<10000x128xf32, #tpu.memory_space<vmem_shared>>
    tpu.enqueue_indirect_dma source(%arg10 : memref<128x128xf32, #tpu.memory_space<vmem>>) target(%dma_start3A_107 : memref<10000x128xf32, #tpu.memory_space<vmem_shared>>) offsets(%arg7 : memref<128xi32, #tpu.memory_space<vmem>>) semaphore(%arg17 : memref<!tpu.dma_semaphore, #tpu.memory_space<semaphore_mem>>) {add = true}
    %mul3A_108 = arith.constant 10000 : i32
    %mul3A_109 = arith.muli %arg1, %mul3A_108 : i32
    %add3A_110 = arith.constant 128 : i32
    %add3A_111 = arith.addi %mul3A_109, %add3A_110 : i32
    %dma_start3A_112 = tpu.memref_slice %arg4[%add3A_111] : memref<160000xi32, #tpu.memory_space<hbm>> -> memref<128xi32, #tpu.memory_space<hbm>>
    %dma_start3A_113 = tpu.memref_slice %arg4[%add3A_111] : memref<160000xi32, #tpu.memory_space<hbm>> -> memref<128xi32, #tpu.memory_space<hbm>>
    tpu.enqueue_dma source(%dma_start3A_113 : memref<128xi32, #tpu.memory_space<hbm>>) target(%arg8 : memref<128xi32, #tpu.memory_space<vmem>>) target_semaphore(%arg16 : memref<!tpu.dma_semaphore, #tpu.memory_space<semaphore_mem>>)
    %dma_start3A_114 = arith.constant 128 : i32
    %dma_start3A_115 = tpu.memref_slice %arg6[%dma_start3A_114] : memref<10000xi32, #tpu.memory_space<vmem>> -> memref<128xi32, #tpu.memory_space<vmem>>
    %dma_start3A_116 = arith.constant 0 : i32
    %dma_start3A_117 = arith.constant 0 : i32
    %dma_start3A_118 = tpu.memref_slice %arg2[%dma_start3A_116, %dma_start3A_117] : memref<40000x128xf32, #tpu.memory_space<hbm>> -> memref<40000x128xf32, #tpu.memory_space<hbm>>
    tpu.enqueue_indirect_dma source(%dma_start3A_118 : memref<40000x128xf32, #tpu.memory_space<hbm>>) target(%arg11 : memref<128x128xf32, #tpu.memory_space<vmem>>) offsets(%dma_start3A_115 : memref<128xi32, #tpu.memory_space<vmem>>) semaphore(%arg14 : memref<!tpu.dma_semaphore, #tpu.memory_space<semaphore_mem>>)
    %scan3A_119 = arith.constant 0 : i32
    %scan3A_120 = arith.constant 0 : i32
    %scan3A_121 = arith.constant 38 : i32
    %scan3A_122 = arith.addi %scan3A_120, %scan3A_121 : i32
    %scan3A_123 = arith.constant 1 : i32
    %scan3A_124 = scf.for %scan3A_187 = %scan3A_120 to %scan3A_122 step %scan3A_123 iter_args(%scan3A_188 = %scan3A_119) -> (i32)  : i32 {
      %mul3A_189 = arith.constant 2 : i32
      %mul3A_190 = arith.muli %mul3A_189, %scan3A_187 : i32
      %add3A_191 = arith.constant 1 : i32
      %add3A_192 = arith.addi %add3A_191, %mul3A_190 : i32
      %mul3A_193 = arith.constant 128 : i32
      %mul3A_194 = arith.muli %add3A_192, %mul3A_193 : i32
      %dma_wait3A_195 = tpu.memref_slice %arg6[%mul3A_194] : memref<10000xi32, #tpu.memory_space<vmem>> -> memref<128xi32, #tpu.memory_space<vmem>>
      %dma_wait3A_196 = arith.constant 0 : i32
      %dma_wait3A_197 = arith.constant 0 : i32
      %dma_wait3A_198 = tpu.memref_slice %arg2[%dma_wait3A_196, %dma_wait3A_197] : memref<40000x128xf32, #tpu.memory_space<hbm>> -> memref<40000x128xf32, #tpu.memory_space<hbm>>
      tpu.wait_indirect_dma semaphore(%arg14 : memref<!tpu.dma_semaphore, #tpu.memory_space<semaphore_mem>>) src(%dma_wait3A_198 : memref<40000x128xf32, #tpu.memory_space<hbm>>) dst(%arg11 : memref<128x128xf32, #tpu.memory_space<vmem>>)
      %mul3A_199 = arith.constant 10000 : i32
      %mul3A_200 = arith.muli %arg1, %mul3A_199 : i32
      %mul3A_201 = arith.constant 128 : i32
      %mul3A_202 = arith.muli %add3A_192, %mul3A_201 : i32
      %add3A_203 = arith.addi %mul3A_200, %mul3A_202 : i32
      %dma_wait3A_204 = tpu.memref_slice %arg4[%add3A_203] : memref<160000xi32, #tpu.memory_space<hbm>> -> memref<128xi32, #tpu.memory_space<hbm>>
      %dma_wait3A_205 = tpu.memref_slice %arg4[%add3A_203] : memref<160000xi32, #tpu.memory_space<hbm>> -> memref<128xi32, #tpu.memory_space<hbm>>
      tpu.wait_dma2 semaphore(%arg16 : memref<!tpu.dma_semaphore, #tpu.memory_space<semaphore_mem>>) src(%dma_wait3A_205 : memref<128xi32, #tpu.memory_space<hbm>>) dst(%arg8 : memref<128xi32, #tpu.memory_space<vmem>>)
      %dma_start3A_206 = arith.constant 0 : i32
      %dma_start3A_207 = arith.constant 0 : i32
      %dma_start3A_208 = tpu.memref_slice %arg13[%dma_start3A_206, %dma_start3A_207] : memref<10000x128xf32, #tpu.memory_space<vmem_shared>> -> memref<10000x128xf32, #tpu.memory_space<vmem_shared>>
      tpu.enqueue_indirect_dma source(%arg11 : memref<128x128xf32, #tpu.memory_space<vmem>>) target(%dma_start3A_208 : memref<10000x128xf32, #tpu.memory_space<vmem_shared>>) offsets(%arg8 : memref<128xi32, #tpu.memory_space<vmem>>) semaphore(%arg18 : memref<!tpu.dma_semaphore, #tpu.memory_space<semaphore_mem>>) {add = true}
      %dma_wait3A_209 = arith.constant 0 : i32
      %dma_wait3A_210 = arith.constant 0 : i32
      %dma_wait3A_211 = tpu.memref_slice %arg13[%dma_wait3A_209, %dma_wait3A_210] : memref<10000x128xf32, #tpu.memory_space<vmem_shared>> -> memref<10000x128xf32, #tpu.memory_space<vmem_shared>>
      tpu.wait_indirect_dma semaphore(%arg17 : memref<!tpu.dma_semaphore, #tpu.memory_space<semaphore_mem>>) src(%arg10 : memref<128x128xf32, #tpu.memory_space<vmem>>) dst(%dma_wait3A_211 : memref<10000x128xf32, #tpu.memory_space<vmem_shared>>)
      %add3A_212 = arith.constant 1 : i32
      %add3A_213 = arith.addi %add3A_192, %add3A_212 : i32
      %lt3A = arith.constant 78 : i32
      %lt3A_214 = arith.cmpi slt, %add3A_213, %lt3A : i32
      %convert_element_type3A = arith.extui %lt3A_214 : i1 to i32
      %cond3A = arith.constant 0 : i32
      %cond3A_215 = arith.cmpi ne, %convert_element_type3A, %cond3A : i32
      scf.if %cond3A_215 {
        %add3A_247 = arith.constant 1 : i32
        %add3A_248 = arith.addi %add3A_192, %add3A_247 : i32
        %mul3A_249 = arith.constant 10000 : i32
        %mul3A_250 = arith.muli %arg1, %mul3A_249 : i32
        %mul3A_251 = arith.constant 128 : i32
        %mul3A_252 = arith.muli %add3A_248, %mul3A_251 : i32
        %add3A_253 = arith.addi %mul3A_250, %mul3A_252 : i32
        %dma_start3A_254 = tpu.memref_slice %arg4[%add3A_253] : memref<160000xi32, #tpu.memory_space<hbm>> -> memref<128xi32, #tpu.memory_space<hbm>>
        %dma_start3A_255 = tpu.memref_slice %arg4[%add3A_253] : memref<160000xi32, #tpu.memory_space<hbm>> -> memref<128xi32, #tpu.memory_space<hbm>>
        tpu.enqueue_dma source(%dma_start3A_255 : memref<128xi32, #tpu.memory_space<hbm>>) target(%arg7 : memref<128xi32, #tpu.memory_space<vmem>>) target_semaphore(%arg15 : memref<!tpu.dma_semaphore, #tpu.memory_space<semaphore_mem>>)
        %add3A_256 = arith.constant 1 : i32
        %add3A_257 = arith.addi %add3A_192, %add3A_256 : i32
        %mul3A_258 = arith.constant 128 : i32
        %mul3A_259 = arith.muli %add3A_257, %mul3A_258 : i32
        %dma_start3A_260 = tpu.memref_slice %arg6[%mul3A_259] : memref<10000xi32, #tpu.memory_space<vmem>> -> memref<128xi32, #tpu.memory_space<vmem>>
        %dma_start3A_261 = arith.constant 0 : i32
        %dma_start3A_262 = arith.constant 0 : i32
        %dma_start3A_263 = tpu.memref_slice %arg2[%dma_start3A_261, %dma_start3A_262] : memref<40000x128xf32, #tpu.memory_space<hbm>> -> memref<40000x128xf32, #tpu.memory_space<hbm>>
        tpu.enqueue_indirect_dma source(%dma_start3A_263 : memref<40000x128xf32, #tpu.memory_space<hbm>>) target(%arg10 : memref<128x128xf32, #tpu.memory_space<vmem>>) offsets(%dma_start3A_260 : memref<128xi32, #tpu.memory_space<vmem>>) semaphore(%arg14 : memref<!tpu.dma_semaphore, #tpu.memory_space<semaphore_mem>>)
      } else {
      }
      %mul3A_216 = arith.constant 2 : i32
      %mul3A_217 = arith.muli %mul3A_216, %scan3A_187 : i32
      %add3A_218 = arith.constant 2 : i32
      %add3A_219 = arith.addi %add3A_218, %mul3A_217 : i32
      %mul3A_220 = arith.constant 128 : i32
      %mul3A_221 = arith.muli %add3A_219, %mul3A_220 : i32
      %dma_wait3A_222 = tpu.memref_slice %arg6[%mul3A_221] : memref<10000xi32, #tpu.memory_space<vmem>> -> memref<128xi32, #tpu.memory_space<vmem>>
      %dma_wait3A_223 = arith.constant 0 : i32
      %dma_wait3A_224 = arith.constant 0 : i32
      %dma_wait3A_225 = tpu.memref_slice %arg2[%dma_wait3A_223, %dma_wait3A_224] : memref<40000x128xf32, #tpu.memory_space<hbm>> -> memref<40000x128xf32, #tpu.memory_space<hbm>>
      tpu.wait_indirect_dma semaphore(%arg14 : memref<!tpu.dma_semaphore, #tpu.memory_space<semaphore_mem>>) src(%dma_wait3A_225 : memref<40000x128xf32, #tpu.memory_space<hbm>>) dst(%arg10 : memref<128x128xf32, #tpu.memory_space<vmem>>)
      %mul3A_226 = arith.constant 10000 : i32
      %mul3A_227 = arith.muli %arg1, %mul3A_226 : i32
      %mul3A_228 = arith.constant 128 : i32
      %mul3A_229 = arith.muli %add3A_219, %mul3A_228 : i32
      %add3A_230 = arith.addi %mul3A_227, %mul3A_229 : i32
      %dma_wait3A_231 = tpu.memref_slice %arg4[%add3A_230] : memref<160000xi32, #tpu.memory_space<hbm>> -> memref<128xi32, #tpu.memory_space<hbm>>
      %dma_wait3A_232 = tpu.memref_slice %arg4[%add3A_230] : memref<160000xi32, #tpu.memory_space<hbm>> -> memref<128xi32, #tpu.memory_space<hbm>>
      tpu.wait_dma2 semaphore(%arg15 : memref<!tpu.dma_semaphore, #tpu.memory_space<semaphore_mem>>) src(%dma_wait3A_232 : memref<128xi32, #tpu.memory_space<hbm>>) dst(%arg7 : memref<128xi32, #tpu.memory_space<vmem>>)
      %dma_start3A_233 = arith.constant 0 : i32
      %dma_start3A_234 = arith.constant 0 : i32
      %dma_start3A_235 = tpu.memref_slice %arg13[%dma_start3A_233, %dma_start3A_234] : memref<10000x128xf32, #tpu.memory_space<vmem_shared>> -> memref<10000x128xf32, #tpu.memory_space<vmem_shared>>
      tpu.enqueue_indirect_dma source(%arg10 : memref<128x128xf32, #tpu.memory_space<vmem>>) target(%dma_start3A_235 : memref<10000x128xf32, #tpu.memory_space<vmem_shared>>) offsets(%arg7 : memref<128xi32, #tpu.memory_space<vmem>>) semaphore(%arg17 : memref<!tpu.dma_semaphore, #tpu.memory_space<semaphore_mem>>) {add = true}
      %dma_wait3A_236 = arith.constant 0 : i32
      %dma_wait3A_237 = arith.constant 0 : i32
      %dma_wait3A_238 = tpu.memref_slice %arg13[%dma_wait3A_236, %dma_wait3A_237] : memref<10000x128xf32, #tpu.memory_space<vmem_shared>> -> memref<10000x128xf32, #tpu.memory_space<vmem_shared>>
      tpu.wait_indirect_dma semaphore(%arg18 : memref<!tpu.dma_semaphore, #tpu.memory_space<semaphore_mem>>) src(%arg11 : memref<128x128xf32, #tpu.memory_space<vmem>>) dst(%dma_wait3A_238 : memref<10000x128xf32, #tpu.memory_space<vmem_shared>>)
      %add3A_239 = arith.constant 1 : i32
      %add3A_240 = arith.addi %add3A_219, %add3A_239 : i32
      %lt3A_241 = arith.constant 78 : i32
      %lt3A_242 = arith.cmpi slt, %add3A_240, %lt3A_241 : i32
      %convert_element_type3A_243 = arith.extui %lt3A_242 : i1 to i32
      %cond3A_244 = arith.constant 0 : i32
      %cond3A_245 = arith.cmpi ne, %convert_element_type3A_243, %cond3A_244 : i32
      scf.if %cond3A_245 {
        %add3A_247 = arith.constant 1 : i32
        %add3A_248 = arith.addi %add3A_219, %add3A_247 : i32
        %mul3A_249 = arith.constant 10000 : i32
        %mul3A_250 = arith.muli %arg1, %mul3A_249 : i32
        %mul3A_251 = arith.constant 128 : i32
        %mul3A_252 = arith.muli %add3A_248, %mul3A_251 : i32
        %add3A_253 = arith.addi %mul3A_250, %mul3A_252 : i32
        %dma_start3A_254 = tpu.memref_slice %arg4[%add3A_253] : memref<160000xi32, #tpu.memory_space<hbm>> -> memref<128xi32, #tpu.memory_space<hbm>>
        %dma_start3A_255 = tpu.memref_slice %arg4[%add3A_253] : memref<160000xi32, #tpu.memory_space<hbm>> -> memref<128xi32, #tpu.memory_space<hbm>>
        tpu.enqueue_dma source(%dma_start3A_255 : memref<128xi32, #tpu.memory_space<hbm>>) target(%arg8 : memref<128xi32, #tpu.memory_space<vmem>>) target_semaphore(%arg16 : memref<!tpu.dma_semaphore, #tpu.memory_space<semaphore_mem>>)
        %add3A_256 = arith.constant 1 : i32
        %add3A_257 = arith.addi %add3A_219, %add3A_256 : i32
        %mul3A_258 = arith.constant 128 : i32
        %mul3A_259 = arith.muli %add3A_257, %mul3A_258 : i32
        %dma_start3A_260 = tpu.memref_slice %arg6[%mul3A_259] : memref<10000xi32, #tpu.memory_space<vmem>> -> memref<128xi32, #tpu.memory_space<vmem>>
        %dma_start3A_261 = arith.constant 0 : i32
        %dma_start3A_262 = arith.constant 0 : i32
        %dma_start3A_263 = tpu.memref_slice %arg2[%dma_start3A_261, %dma_start3A_262] : memref<40000x128xf32, #tpu.memory_space<hbm>> -> memref<40000x128xf32, #tpu.memory_space<hbm>>
        tpu.enqueue_indirect_dma source(%dma_start3A_263 : memref<40000x128xf32, #tpu.memory_space<hbm>>) target(%arg11 : memref<128x128xf32, #tpu.memory_space<vmem>>) offsets(%dma_start3A_260 : memref<128xi32, #tpu.memory_space<vmem>>) semaphore(%arg14 : memref<!tpu.dma_semaphore, #tpu.memory_space<semaphore_mem>>)
      } else {
      }
      %scan3A_246 = arith.constant 0 : i32
      scf.yield %scan3A_246 : i32
    }
    %scan3A_125 = arith.constant 38 : i32
    %dma_wait3A_126 = arith.constant 9856 : i32
    %dma_wait3A_127 = tpu.memref_slice %arg6[%dma_wait3A_126] : memref<10000xi32, #tpu.memory_space<vmem>> -> memref<128xi32, #tpu.memory_space<vmem>>
    %dma_wait3A_128 = arith.constant 0 : i32
    %dma_wait3A_129 = arith.constant 0 : i32
    %dma_wait3A_130 = tpu.memref_slice %arg2[%dma_wait3A_128, %dma_wait3A_129] : memref<40000x128xf32, #tpu.memory_space<hbm>> -> memref<40000x128xf32, #tpu.memory_space<hbm>>
    tpu.wait_indirect_dma semaphore(%arg14 : memref<!tpu.dma_semaphore, #tpu.memory_space<semaphore_mem>>) src(%dma_wait3A_130 : memref<40000x128xf32, #tpu.memory_space<hbm>>) dst(%arg11 : memref<128x128xf32, #tpu.memory_space<vmem>>)
    %mul3A_131 = arith.constant 10000 : i32
    %mul3A_132 = arith.muli %arg1, %mul3A_131 : i32
    %add3A_133 = arith.constant 9856 : i32
    %add3A_134 = arith.addi %mul3A_132, %add3A_133 : i32
    %dma_wait3A_135 = tpu.memref_slice %arg4[%add3A_134] : memref<160000xi32, #tpu.memory_space<hbm>> -> memref<128xi32, #tpu.memory_space<hbm>>
    %dma_wait3A_136 = tpu.memref_slice %arg4[%add3A_134] : memref<160000xi32, #tpu.memory_space<hbm>> -> memref<128xi32, #tpu.memory_space<hbm>>
    tpu.wait_dma2 semaphore(%arg16 : memref<!tpu.dma_semaphore, #tpu.memory_space<semaphore_mem>>) src(%dma_wait3A_136 : memref<128xi32, #tpu.memory_space<hbm>>) dst(%arg8 : memref<128xi32, #tpu.memory_space<vmem>>)
    %dma_start3A_137 = arith.constant 0 : i32
    %dma_start3A_138 = arith.constant 0 : i32
    %dma_start3A_139 = tpu.memref_slice %arg13[%dma_start3A_137, %dma_start3A_138] : memref<10000x128xf32, #tpu.memory_space<vmem_shared>> -> memref<10000x128xf32, #tpu.memory_space<vmem_shared>>
    tpu.enqueue_indirect_dma source(%arg11 : memref<128x128xf32, #tpu.memory_space<vmem>>) target(%dma_start3A_139 : memref<10000x128xf32, #tpu.memory_space<vmem_shared>>) offsets(%arg8 : memref<128xi32, #tpu.memory_space<vmem>>) semaphore(%arg18 : memref<!tpu.dma_semaphore, #tpu.memory_space<semaphore_mem>>) {add = true}
    %dma_wait3A_140 = arith.constant 0 : i32
    %dma_wait3A_141 = arith.constant 0 : i32
    %dma_wait3A_142 = tpu.memref_slice %arg13[%dma_wait3A_140, %dma_wait3A_141] : memref<10000x128xf32, #tpu.memory_space<vmem_shared>> -> memref<10000x128xf32, #tpu.memory_space<vmem_shared>>
    tpu.wait_indirect_dma semaphore(%arg17 : memref<!tpu.dma_semaphore, #tpu.memory_space<semaphore_mem>>) src(%arg10 : memref<128x128xf32, #tpu.memory_space<vmem>>) dst(%dma_wait3A_142 : memref<10000x128xf32, #tpu.memory_space<vmem_shared>>)
    %mul3A_143 = arith.constant 10000 : i32
    %mul3A_144 = arith.muli %arg1, %mul3A_143 : i32
    %add3A_145 = arith.constant 9984 : i32
    %add3A_146 = arith.addi %mul3A_144, %add3A_145 : i32
    %dma_start3A_147 = tpu.memref_slice %arg4[%add3A_146] : memref<160000xi32, #tpu.memory_space<hbm>> -> memref<16xi32, #tpu.memory_space<hbm>>
    %dma_start3A_148 = tpu.memref_slice %arg4[%add3A_146] : memref<160000xi32, #tpu.memory_space<hbm>> -> memref<16xi32, #tpu.memory_space<hbm>>
    tpu.enqueue_dma source(%dma_start3A_148 : memref<16xi32, #tpu.memory_space<hbm>>) target(%arg9 : memref<16xi32, #tpu.memory_space<vmem>>) target_semaphore(%arg15 : memref<!tpu.dma_semaphore, #tpu.memory_space<semaphore_mem>>)
    %dma_start3A_149 = arith.constant 9984 : i32
    %dma_start3A_150 = tpu.memref_slice %arg6[%dma_start3A_149] : memref<10000xi32, #tpu.memory_space<vmem>> -> memref<16xi32, #tpu.memory_space<vmem>>
    %dma_start3A_151 = arith.constant 0 : i32
    %dma_start3A_152 = arith.constant 0 : i32
    %dma_start3A_153 = tpu.memref_slice %arg2[%dma_start3A_151, %dma_start3A_152] : memref<40000x128xf32, #tpu.memory_space<hbm>> -> memref<40000x128xf32, #tpu.memory_space<hbm>>
    tpu.enqueue_indirect_dma source(%dma_start3A_153 : memref<40000x128xf32, #tpu.memory_space<hbm>>) target(%arg12 : memref<16x128xf32, #tpu.memory_space<vmem>>) offsets(%dma_start3A_150 : memref<16xi32, #tpu.memory_space<vmem>>) semaphore(%arg14 : memref<!tpu.dma_semaphore, #tpu.memory_space<semaphore_mem>>)
    %dma_wait3A_154 = arith.constant 9984 : i32
    %dma_wait3A_155 = tpu.memref_slice %arg6[%dma_wait3A_154] : memref<10000xi32, #tpu.memory_space<vmem>> -> memref<16xi32, #tpu.memory_space<vmem>>
    %dma_wait3A_156 = arith.constant 0 : i32
    %dma_wait3A_157 = arith.constant 0 : i32
    %dma_wait3A_158 = tpu.memref_slice %arg2[%dma_wait3A_156, %dma_wait3A_157] : memref<40000x128xf32, #tpu.memory_space<hbm>> -> memref<40000x128xf32, #tpu.memory_space<hbm>>
    tpu.wait_indirect_dma semaphore(%arg14 : memref<!tpu.dma_semaphore, #tpu.memory_space<semaphore_mem>>) src(%dma_wait3A_158 : memref<40000x128xf32, #tpu.memory_space<hbm>>) dst(%arg12 : memref<16x128xf32, #tpu.memory_space<vmem>>)
    %dma_wait3A_159 = tpu.memref_slice %arg4[%add3A_146] : memref<160000xi32, #tpu.memory_space<hbm>> -> memref<16xi32, #tpu.memory_space<hbm>>
    %dma_wait3A_160 = tpu.memref_slice %arg4[%add3A_146] : memref<160000xi32, #tpu.memory_space<hbm>> -> memref<16xi32, #tpu.memory_space<hbm>>
    tpu.wait_dma2 semaphore(%arg15 : memref<!tpu.dma_semaphore, #tpu.memory_space<semaphore_mem>>) src(%dma_wait3A_160 : memref<16xi32, #tpu.memory_space<hbm>>) dst(%arg9 : memref<16xi32, #tpu.memory_space<vmem>>)
    "tpu.region"() ({
      %run_scoped3A = tpu.sem_alloc : memref<!tpu.dma_semaphore, #tpu.memory_space<semaphore_mem>>
      %dma_start3A_187 = arith.constant 0 : i32
      %dma_start3A_188 = arith.constant 0 : i32
      %dma_start3A_189 = tpu.memref_slice %arg13[%dma_start3A_187, %dma_start3A_188] : memref<10000x128xf32, #tpu.memory_space<vmem_shared>> -> memref<10000x128xf32, #tpu.memory_space<vmem_shared>>
      tpu.enqueue_indirect_dma source(%arg12 : memref<16x128xf32, #tpu.memory_space<vmem>>) target(%dma_start3A_189 : memref<10000x128xf32, #tpu.memory_space<vmem_shared>>) offsets(%arg9 : memref<16xi32, #tpu.memory_space<vmem>>) semaphore(%run_scoped3A : memref<!tpu.dma_semaphore, #tpu.memory_space<semaphore_mem>>) {add = true}
      %dma_wait3A_190 = arith.constant 0 : i32
      %dma_wait3A_191 = arith.constant 0 : i32
      %dma_wait3A_192 = tpu.memref_slice %arg13[%dma_wait3A_190, %dma_wait3A_191] : memref<10000x128xf32, #tpu.memory_space<vmem_shared>> -> memref<10000x128xf32, #tpu.memory_space<vmem_shared>>
      tpu.wait_indirect_dma semaphore(%run_scoped3A : memref<!tpu.dma_semaphore, #tpu.memory_space<semaphore_mem>>) src(%arg12 : memref<16x128xf32, #tpu.memory_space<vmem>>) dst(%dma_wait3A_192 : memref<10000x128xf32, #tpu.memory_space<vmem_shared>>)
      tpu.yield
    }) : () -> ()
    %dma_wait3A_161 = arith.constant 0 : i32
    %dma_wait3A_162 = arith.constant 0 : i32
    %dma_wait3A_163 = tpu.memref_slice %arg13[%dma_wait3A_161, %dma_wait3A_162] : memref<10000x128xf32, #tpu.memory_space<vmem_shared>> -> memref<10000x128xf32, #tpu.memory_space<vmem_shared>>
    tpu.wait_indirect_dma semaphore(%arg18 : memref<!tpu.dma_semaphore, #tpu.memory_space<semaphore_mem>>) src(%arg11 : memref<128x128xf32, #tpu.memory_space<vmem>>) dst(%dma_wait3A_163 : memref<10000x128xf32, #tpu.memory_space<vmem_shared>>)
    %barrier3A_164 = arith.constant 0 : index
    tpu.barrier barrier_id(%barrier3A_164)
    %while3A_165 = arith.constant 0 : i32
    %while3A_166 = arith.subi %select_n3A_55, %select_n3A : i32
    %while3A_167 = arith.addi %select_n3A, %while3A_166 : i32
    %while3A_168 = arith.constant 1 : i32
    %while3A_169 = arith.divsi %while3A_166, %while3A_168 : i32
    %while3A_170 = arith.muli %while3A_169, %while3A_168 : i32
    %while3A_171 = arith.addi %select_n3A, %while3A_170 : i32
    %while3A_172 = arith.constant 1 : i32
    %while3A_173 = scf.for %while3A_187 = %select_n3A to %while3A_171 step %while3A_172 iter_args(%while3A_188 = %while3A_165) -> (i32)  : i32 {
      %mul3A_189 = arith.constant 80 : i32
      %mul3A_190 = arith.muli %while3A_187, %mul3A_189 : i32
      %mul3A_191 = arith.constant 10000 : i32
      %mul3A_192 = arith.muli %arg0, %mul3A_191 : i32
      %mul3A_193 = arith.constant 80 : i32
      %mul3A_194 = arith.muli %while3A_187, %mul3A_193 : i32
      %add3A_195 = arith.addi %mul3A_192, %mul3A_194 : i32
      %dma_start3A_196 = arith.constant 0 : i32
      %dma_start3A_197 = tpu.memref_slice %arg5[%add3A_195, %dma_start3A_196] : memref<20000x128xf32, #tpu.memory_space<hbm>> -> memref<80x128xf32, #tpu.memory_space<hbm>>
      %dma_start3A_198 = arith.constant 0 : i32
      %dma_start3A_199 = tpu.memref_slice %arg13[%mul3A_190, %dma_start3A_198] : memref<10000x128xf32, #tpu.memory_space<vmem_shared>> -> memref<80x128xf32, #tpu.memory_space<vmem_shared>>
      tpu.enqueue_dma source(%dma_start3A_199 : memref<80x128xf32, #tpu.memory_space<vmem_shared>>) target(%dma_start3A_197 : memref<80x128xf32, #tpu.memory_space<hbm>>) target_semaphore(%arg19 : memref<!tpu.dma_semaphore, #tpu.memory_space<semaphore_mem>>)
      %while3A_200 = arith.constant 0 : i32
      scf.yield %while3A_200 : i32
    }
    %while3A_174 = arith.constant 1 : i32
    %while3A_175 = scf.for %while3A_187 = %while3A_171 to %while3A_167 step %while3A_174 iter_args(%while3A_188 = %while3A_173) -> (i32)  : i32 {
      %mul3A_189 = arith.constant 80 : i32
      %mul3A_190 = arith.muli %while3A_187, %mul3A_189 : i32
      %mul3A_191 = arith.constant 10000 : i32
      %mul3A_192 = arith.muli %arg0, %mul3A_191 : i32
      %mul3A_193 = arith.constant 80 : i32
      %mul3A_194 = arith.muli %while3A_187, %mul3A_193 : i32
      %add3A_195 = arith.addi %mul3A_192, %mul3A_194 : i32
      %dma_start3A_196 = arith.constant 0 : i32
      %dma_start3A_197 = tpu.memref_slice %arg5[%add3A_195, %dma_start3A_196] : memref<20000x128xf32, #tpu.memory_space<hbm>> -> memref<80x128xf32, #tpu.memory_space<hbm>>
      %dma_start3A_198 = arith.constant 0 : i32
      %dma_start3A_199 = tpu.memref_slice %arg13[%mul3A_190, %dma_start3A_198] : memref<10000x128xf32, #tpu.memory_space<vmem_shared>> -> memref<80x128xf32, #tpu.memory_space<vmem_shared>>
      tpu.enqueue_dma source(%dma_start3A_199 : memref<80x128xf32, #tpu.memory_space<vmem_shared>>) target(%dma_start3A_197 : memref<80x128xf32, #tpu.memory_space<hbm>>) target_semaphore(%arg19 : memref<!tpu.dma_semaphore, #tpu.memory_space<semaphore_mem>>)
      %while3A_200 = arith.constant 0 : i32
      scf.yield %while3A_200 : i32
    }
    %while3A_176 = arith.constant 0 : i32
    %while3A_177 = arith.subi %select_n3A_55, %select_n3A : i32
    %while3A_178 = arith.addi %select_n3A, %while3A_177 : i32
    %while3A_179 = arith.constant 1 : i32
    %while3A_180 = arith.divsi %while3A_177, %while3A_179 : i32
    %while3A_181 = arith.muli %while3A_180, %while3A_179 : i32
    %while3A_182 = arith.addi %select_n3A, %while3A_181 : i32
    %while3A_183 = arith.constant 1 : i32
    %while3A_184 = scf.for %while3A_187 = %select_n3A to %while3A_182 step %while3A_183 iter_args(%while3A_188 = %while3A_176) -> (i32)  : i32 {
      %mul3A_189 = arith.constant 80 : i32
      %mul3A_190 = arith.muli %while3A_187, %mul3A_189 : i32
      %mul3A_191 = arith.constant 10000 : i32
      %mul3A_192 = arith.muli %arg0, %mul3A_191 : i32
      %mul3A_193 = arith.constant 80 : i32
      %mul3A_194 = arith.muli %while3A_187, %mul3A_193 : i32
      %add3A_195 = arith.addi %mul3A_192, %mul3A_194 : i32
      %dma_wait3A_196 = arith.constant 0 : i32
      %dma_wait3A_197 = tpu.memref_slice %arg5[%add3A_195, %dma_wait3A_196] : memref<20000x128xf32, #tpu.memory_space<hbm>> -> memref<80x128xf32, #tpu.memory_space<hbm>>
      %dma_wait3A_198 = arith.constant 0 : i32
      %dma_wait3A_199 = tpu.memref_slice %arg13[%mul3A_190, %dma_wait3A_198] : memref<10000x128xf32, #tpu.memory_space<vmem_shared>> -> memref<80x128xf32, #tpu.memory_space<vmem_shared>>
      tpu.wait_dma2 semaphore(%arg19 : memref<!tpu.dma_semaphore, #tpu.memory_space<semaphore_mem>>) src(%dma_wait3A_199 : memref<80x128xf32, #tpu.memory_space<vmem_shared>>) dst(%dma_wait3A_197 : memref<80x128xf32, #tpu.memory_space<hbm>>)
      %while3A_200 = arith.constant 0 : i32
      scf.yield %while3A_200 : i32
    }
    %while3A_185 = arith.constant 1 : i32
    %while3A_186 = scf.for %while3A_187 = %while3A_182 to %while3A_178 step %while3A_185 iter_args(%while3A_188 = %while3A_184) -> (i32)  : i32 {
      %mul3A_189 = arith.constant 80 : i32
      %mul3A_190 = arith.muli %while3A_187, %mul3A_189 : i32
      %mul3A_191 = arith.constant 10000 : i32
      %mul3A_192 = arith.muli %arg0, %mul3A_191 : i32
      %mul3A_193 = arith.constant 80 : i32
      %mul3A_194 = arith.muli %while3A_187, %mul3A_193 : i32
      %add3A_195 = arith.addi %mul3A_192, %mul3A_194 : i32
      %dma_wait3A_196 = arith.constant 0 : i32
      %dma_wait3A_197 = tpu.memref_slice %arg5[%add3A_195, %dma_wait3A_196] : memref<20000x128xf32, #tpu.memory_space<hbm>> -> memref<80x128xf32, #tpu.memory_space<hbm>>
      %dma_wait3A_198 = arith.constant 0 : i32
      %dma_wait3A_199 = tpu.memref_slice %arg13[%mul3A_190, %dma_wait3A_198] : memref<10000x128xf32, #tpu.memory_space<vmem_shared>> -> memref<80x128xf32, #tpu.memory_space<vmem_shared>>
      tpu.wait_dma2 semaphore(%arg19 : memref<!tpu.dma_semaphore, #tpu.memory_space<semaphore_mem>>) src(%dma_wait3A_199 : memref<80x128xf32, #tpu.memory_space<vmem_shared>>) dst(%dma_wait3A_197 : memref<80x128xf32, #tpu.memory_space<hbm>>)
      %while3A_200 = arith.constant 0 : i32
      scf.yield %while3A_200 : i32
    }
    return
  }
}

#map = affine_map<(d0, d1) -> (0, 0)>
#map1 = affine_map<(d0, d1) -> (0)>
module attributes {stable_mosaic.version = 14 : i64} {
  func.func @_sc_seg_sum_body(%arg0: i32, %arg1: i32, %arg2: memref<40000x128xf32, #tpu.memory_space<hbm>>, %arg3: memref<320000xi32, #tpu.memory_space<hbm>>, %arg4: memref<160000xi32, #tpu.memory_space<hbm>>, %arg5: memref<20000x128xf32, #tpu.memory_space<hbm>>, %arg6: memref<10000xi32, #tpu.memory_space<vmem>>, %arg7: memref<128xi32, #tpu.memory_space<vmem>>, %arg8: memref<128xi32, #tpu.memory_space<vmem>>, %arg9: memref<16xi32, #tpu.memory_space<vmem>>, %arg10: memref<128x128xf32, #tpu.memory_space<vmem>>, %arg11: memref<128x128xf32, #tpu.memory_space<vmem>>, %arg12: memref<16x128xf32, #tpu.memory_space<vmem>>, %arg13: memref<10000x128xf32, #tpu.memory_space<vmem_shared>>, %arg14: memref<!tpu.dma_semaphore, #tpu.memory_space<semaphore_mem>>, %arg15: memref<!tpu.dma_semaphore, #tpu.memory_space<semaphore_mem>>, %arg16: memref<!tpu.dma_semaphore, #tpu.memory_space<semaphore_mem>>, %arg17: memref<!tpu.dma_semaphore, #tpu.memory_space<semaphore_mem>>, %arg18: memref<!tpu.dma_semaphore, #tpu.memory_space<semaphore_mem>>, %arg19: memref<!tpu.dma_semaphore, #tpu.memory_space<semaphore_mem>>) attributes {dimension_semantics = [#tpu.dimension_semantics<core_parallel>, #tpu.dimension_semantics<subcore_parallel>], iteration_bounds = array<i64: 2, 16>, scalar_prefetch = 0 : i64, scratch_operands = 14 : i64, tpu.core_type = #tpu.core_type<sc_vector_subcore>, window_params = [{transform_indices = #map}, {transform_indices = #map1}, {transform_indices = #map1}, {transform_indices = #map}]} {
    %mul3A = arith.constant 160000 : i32
    %mul3A_0 = arith.muli %arg0, %mul3A : i32
    %mul3A_1 = arith.constant 10000 : i32
    %mul3A_2 = arith.muli %arg1, %mul3A_1 : i32
    %add3A = arith.addi %mul3A_0, %mul3A_2 : i32
    %dma_start3A = tpu.memref_slice %arg3[%add3A] : memref<320000xi32, #tpu.memory_space<hbm>> -> memref<10000xi32, #tpu.memory_space<hbm>>
    %dma_start3A_3 = tpu.memref_slice %arg3[%add3A] : memref<320000xi32, #tpu.memory_space<hbm>> -> memref<10000xi32, #tpu.memory_space<hbm>>
    tpu.enqueue_dma source(%dma_start3A_3 : memref<10000xi32, #tpu.memory_space<hbm>>) target(%arg6 : memref<10000xi32, #tpu.memory_space<vmem>>) target_semaphore(%arg14 : memref<!tpu.dma_semaphore, #tpu.memory_space<semaphore_mem>>)
    %scan3A = arith.constant 0 : i32
    %scan3A_4 = arith.constant 0 : i32
    %scan3A_5 = arith.constant 1024 : i32
    %scan3A_6 = arith.addi %scan3A_4, %scan3A_5 : i32
    %scan3A_7 = arith.constant 1 : i32
    %scan3A_8 = scf.for %scan3A_187 = %scan3A_4 to %scan3A_6 step %scan3A_7 iter_args(%scan3A_188 = %scan3A) -> (i32)  : i32 {
      %jit3A_189 = arith.constant 8 : i32
      %div3A_190 = arith.divsi %scan3A_187, %jit3A_189 : i32
      %sign3A_191 = arith.constant 0 : i32
      %sign3A_192 = arith.cmpi sgt, %scan3A_187, %sign3A_191 : i32
      %sign3A_193 = arith.extui %sign3A_192 : i1 to i32
      %sign3A_194 = arith.constant 0 : i32
      %sign3A_195 = arith.cmpi slt, %scan3A_187, %sign3A_194 : i32
      %sign3A_196 = arith.extui %sign3A_195 : i1 to i32
      %sign3A_197 = arith.subi %sign3A_193, %sign3A_196 : i32
      %sign3A_198 = arith.constant 0 : i32
      %sign3A_199 = arith.cmpi sgt, %jit3A_189, %sign3A_198 : i32
      %sign3A_200 = arith.extui %sign3A_199 : i1 to i32
      %sign3A_201 = arith.constant 0 : i32
      %sign3A_202 = arith.cmpi slt, %jit3A_189, %sign3A_201 : i32
      %sign3A_203 = arith.extui %sign3A_202 : i1 to i32
      %sign3A_204 = arith.subi %sign3A_200, %sign3A_203 : i32
      %ne3A_205 = arith.cmpi ne, %sign3A_197, %sign3A_204 : i32
      %rem3A_206 = arith.remsi %scan3A_187, %jit3A_189 : i32
      %ne3A_207 = arith.constant 0 : i32
      %ne3A_208 = arith.cmpi ne, %rem3A_206, %ne3A_207 : i32
      %and3A_209 = arith.andi %ne3A_205, %ne3A_208 : i1
      %sub3A_210 = arith.constant 1 : i32
      %sub3A_211 = arith.subi %div3A_190, %sub3A_210 : i32
      %select_n3A_212 = arith.select %and3A_209, %sub3A_211, %div3A_190 : i32
      %jit3A_213 = arith.constant 8 : i32
      %eq3A = arith.constant 0 : i32
      %eq3A_214 = arith.cmpi eq, %jit3A_213, %eq3A : i32
      %jit3A_215 = arith.constant 1 : i32
      %select_n3A_216 = arith.select %eq3A_214, %jit3A_215, %jit3A_213 : i32
      %rem3A_217 = arith.remsi %scan3A_187, %select_n3A_216 : i32
      %ne3A_218 = arith.constant 0 : i32
      %ne3A_219 = arith.cmpi ne, %rem3A_217, %ne3A_218 : i32
      %lt3A = arith.constant 0 : i32
      %lt3A_220 = arith.cmpi slt, %rem3A_217, %lt3A : i32
      %lt3A_221 = arith.constant 0 : i32
      %lt3A_222 = arith.cmpi slt, %select_n3A_216, %lt3A_221 : i32
      %ne3A_223 = arith.xori %lt3A_220, %lt3A_222 : i1
      %and3A_224 = arith.andi %ne3A_223, %ne3A_219 : i1
      %add3A_225 = arith.addi %rem3A_217, %select_n3A_216 : i32
      %select_n3A_226 = arith.select %and3A_224, %add3A_225, %rem3A_217 : i32
      %broadcast_in_dim3A = arith.constant 0.000000e+00 : f32
      %broadcast_in_dim3A_227 = vector.broadcast %broadcast_in_dim3A : f32 to vector<16xf32>
      %mul3A_228 = arith.constant 16 : i32
      %mul3A_229 = arith.muli %select_n3A_226, %mul3A_228 : i32
      %swap3A = arith.index_cast %select_n3A_212 : i32 to index
      %swap3A_230 = arith.index_cast %mul3A_229 : i32 to index
      %swap3A_231 = tpu.vector_load %arg10[%swap3A, %swap3A_230] {strides = array<i32>} : memref<128x128xf32, #tpu.memory_space<vmem>>, vector<1x16xf32>,
      %swap3A_232 = vector.shape_cast %swap3A_231 : vector<1x16xf32> to vector<16xf32>
      %swap3A_233 = vector.shape_cast %broadcast_in_dim3A_227 : vector<16xf32> to vector<1x16xf32>
      tpu.vector_store %arg10[%swap3A, %swap3A_230], %swap3A_233 {strides = array<i32>} : memref<128x128xf32, #tpu.memory_space<vmem>>, vector<1x16xf32>,
      %scan3A_234 = arith.constant 0 : i32
      scf.yield %scan3A_234 : i32
    }
    %scan3A_9 = arith.constant 1024 : i32
    %mul3A_10 = arith.constant 125 : i32
    %mul3A_11 = arith.muli %arg1, %mul3A_10 : i32
    %jit3A = arith.constant 16 : i32
    %div3A = arith.divsi %mul3A_11, %jit3A : i32
    %sign3A = arith.constant 0 : i32
    %sign3A_12 = arith.cmpi sgt, %mul3A_11, %sign3A : i32
    %sign3A_13 = arith.extui %sign3A_12 : i1 to i32
    %sign3A_14 = arith.constant 0 : i32
    %sign3A_15 = arith.cmpi slt, %mul3A_11, %sign3A_14 : i32
    %sign3A_16 = arith.extui %sign3A_15 : i1 to i32
    %sign3A_17 = arith.subi %sign3A_13, %sign3A_16 : i32
    %sign3A_18 = arith.constant 0 : i32
    %sign3A_19 = arith.cmpi sgt, %jit3A, %sign3A_18 : i32
    %sign3A_20 = arith.extui %sign3A_19 : i1 to i32
    %sign3A_21 = arith.constant 0 : i32
    %sign3A_22 = arith.cmpi slt, %jit3A, %sign3A_21 : i32
    %sign3A_23 = arith.extui %sign3A_22 : i1 to i32
    %sign3A_24 = arith.subi %sign3A_20, %sign3A_23 : i32
    %ne3A = arith.cmpi ne, %sign3A_17, %sign3A_24 : i32
    %rem3A = arith.remsi %mul3A_11, %jit3A : i32
    %ne3A_25 = arith.constant 0 : i32
    %ne3A_26 = arith.cmpi ne, %rem3A, %ne3A_25 : i32
    %and3A = arith.andi %ne3A, %ne3A_26 : i1
    %sub3A = arith.constant 1 : i32
    %sub3A_27 = arith.subi %div3A, %sub3A : i32
    %select_n3A = arith.select %and3A, %sub3A_27, %div3A : i32
    %add3A_28 = arith.constant 1 : i32
    %add3A_29 = arith.addi %arg1, %add3A_28 : i32
    %mul3A_30 = arith.constant 125 : i32
    %mul3A_31 = arith.muli %add3A_29, %mul3A_30 : i32
    %jit3A_32 = arith.constant 16 : i32
    %div3A_33 = arith.divsi %mul3A_31, %jit3A_32 : i32
    %sign3A_34 = arith.constant 0 : i32
    %sign3A_35 = arith.cmpi sgt, %mul3A_31, %sign3A_34 : i32
    %sign3A_36 = arith.extui %sign3A_35 : i1 to i32
    %sign3A_37 = arith.constant 0 : i32
    %sign3A_38 = arith.cmpi slt, %mul3A_31, %sign3A_37 : i32
    %sign3A_39 = arith.extui %sign3A_38 : i1 to i32
    %sign3A_40 = arith.subi %sign3A_36, %sign3A_39 : i32
    %sign3A_41 = arith.constant 0 : i32
    %sign3A_42 = arith.cmpi sgt, %jit3A_32, %sign3A_41 : i32
    %sign3A_43 = arith.extui %sign3A_42 : i1 to i32
    %sign3A_44 = arith.constant 0 : i32
    %sign3A_45 = arith.cmpi slt, %jit3A_32, %sign3A_44 : i32
    %sign3A_46 = arith.extui %sign3A_45 : i1 to i32
    %sign3A_47 = arith.subi %sign3A_43, %sign3A_46 : i32
    %ne3A_48 = arith.cmpi ne, %sign3A_40, %sign3A_47 : i32
    %rem3A_49 = arith.remsi %mul3A_31, %jit3A_32 : i32
    %ne3A_50 = arith.constant 0 : i32
    %ne3A_51 = arith.cmpi ne, %rem3A_49, %ne3A_50 : i32
    %and3A_52 = arith.andi %ne3A_48, %ne3A_51 : i1
    %sub3A_53 = arith.constant 1 : i32
    %sub3A_54 = arith.subi %div3A_33, %sub3A_53 : i32
    %select_n3A_55 = arith.select %and3A_52, %sub3A_54, %div3A_33 : i32
    %while3A = arith.constant 0 : i32
    %while3A_56 = arith.subi %select_n3A_55, %select_n3A : i32
    %while3A_57 = arith.addi %select_n3A, %while3A_56 : i32
    %while3A_58 = arith.constant 1 : i32
    %while3A_59 = arith.divsi %while3A_56, %while3A_58 : i32
    %while3A_60 = arith.muli %while3A_59, %while3A_58 : i32
    %while3A_61 = arith.addi %select_n3A, %while3A_60 : i32
    %while3A_62 = arith.constant 1 : i32
    %while3A_63 = scf.for %while3A_187 = %select_n3A to %while3A_61 step %while3A_62 iter_args(%while3A_188 = %while3A) -> (i32)  : i32 {
      %mul3A_189 = arith.constant 80 : i32
      %mul3A_190 = arith.muli %while3A_187, %mul3A_189 : i32
      %dma_start3A_191 = arith.constant 0 : i32
      %dma_start3A_192 = arith.constant 0 : i32
      %dma_start3A_193 = tpu.memref_slice %arg10[%dma_start3A_191, %dma_start3A_192] : memref<128x128xf32, #tpu.memory_space<vmem>> -> memref<80x128xf32, #tpu.memory_space<vmem>>
      %dma_start3A_194 = arith.constant 0 : i32
      %dma_start3A_195 = tpu.memref_slice %arg13[%mul3A_190, %dma_start3A_194] : memref<10000x128xf32, #tpu.memory_space<vmem_shared>> -> memref<80x128xf32, #tpu.memory_space<vmem_shared>>
      %dma_start3A_196 = arith.constant 0 : i32
      %dma_start3A_197 = tpu.memref_slice %arg13[%mul3A_190, %dma_start3A_196] : memref<10000x128xf32, #tpu.memory_space<vmem_shared>> -> memref<80x128xf32, #tpu.memory_space<vmem_shared>>
      %dma_start3A_198 = arith.constant 0 : i32
      %dma_start3A_199 = arith.constant 0 : i32
      %dma_start3A_200 = tpu.memref_slice %arg10[%dma_start3A_198, %dma_start3A_199] : memref<128x128xf32, #tpu.memory_space<vmem>> -> memref<80x128xf32, #tpu.memory_space<vmem>>
      tpu.enqueue_dma source(%dma_start3A_200 : memref<80x128xf32, #tpu.memory_space<vmem>>) target(%dma_start3A_197 : memref<80x128xf32, #tpu.memory_space<vmem_shared>>) target_semaphore(%arg19 : memref<!tpu.dma_semaphore, #tpu.memory_space<semaphore_mem>>)
      %while3A_201 = arith.constant 0 : i32
      scf.yield %while3A_201 : i32
    }
    %while3A_64 = arith.constant 1 : i32
    %while3A_65 = scf.for %while3A_187 = %while3A_61 to %while3A_57 step %while3A_64 iter_args(%while3A_188 = %while3A_63) -> (i32)  : i32 {
      %mul3A_189 = arith.constant 80 : i32
      %mul3A_190 = arith.muli %while3A_187, %mul3A_189 : i32
      %dma_start3A_191 = arith.constant 0 : i32
      %dma_start3A_192 = arith.constant 0 : i32
      %dma_start3A_193 = tpu.memref_slice %arg10[%dma_start3A_191, %dma_start3A_192] : memref<128x128xf32, #tpu.memory_space<vmem>> -> memref<80x128xf32, #tpu.memory_space<vmem>>
      %dma_start3A_194 = arith.constant 0 : i32
      %dma_start3A_195 = tpu.memref_slice %arg13[%mul3A_190, %dma_start3A_194] : memref<10000x128xf32, #tpu.memory_space<vmem_shared>> -> memref<80x128xf32, #tpu.memory_space<vmem_shared>>
      %dma_start3A_196 = arith.constant 0 : i32
      %dma_start3A_197 = tpu.memref_slice %arg13[%mul3A_190, %dma_start3A_196] : memref<10000x128xf32, #tpu.memory_space<vmem_shared>> -> memref<80x128xf32, #tpu.memory_space<vmem_shared>>
      %dma_start3A_198 = arith.constant 0 : i32
      %dma_start3A_199 = arith.constant 0 : i32
      %dma_start3A_200 = tpu.memref_slice %arg10[%dma_start3A_198, %dma_start3A_199] : memref<128x128xf32, #tpu.memory_space<vmem>> -> memref<80x128xf32, #tpu.memory_space<vmem>>
      tpu.enqueue_dma source(%dma_start3A_200 : memref<80x128xf32, #tpu.memory_space<vmem>>) target(%dma_start3A_197 : memref<80x128xf32, #tpu.memory_space<vmem_shared>>) target_semaphore(%arg19 : memref<!tpu.dma_semaphore, #tpu.memory_space<semaphore_mem>>)
      %while3A_201 = arith.constant 0 : i32
      scf.yield %while3A_201 : i32
    }
    %while3A_66 = arith.constant 0 : i32
    %while3A_67 = arith.subi %select_n3A_55, %select_n3A : i32
    %while3A_68 = arith.addi %select_n3A, %while3A_67 : i32
    %while3A_69 = arith.constant 1 : i32
    %while3A_70 = arith.divsi %while3A_67, %while3A_69 : i32
    %while3A_71 = arith.muli %while3A_70, %while3A_69 : i32
    %while3A_72 = arith.addi %select_n3A, %while3A_71 : i32
    %while3A_73 = arith.constant 1 : i32
    %while3A_74 = scf.for %while3A_187 = %select_n3A to %while3A_72 step %while3A_73 iter_args(%while3A_188 = %while3A_66) -> (i32)  : i32 {
      %mul3A_189 = arith.constant 80 : i32
      %mul3A_190 = arith.muli %while3A_187, %mul3A_189 : i32
      %dma_wait3A_191 = arith.constant 0 : i32
      %dma_wait3A_192 = arith.constant 0 : i32
      %dma_wait3A_193 = tpu.memref_slice %arg10[%dma_wait3A_191, %dma_wait3A_192] : memref<128x128xf32, #tpu.memory_space<vmem>> -> memref<80x128xf32, #tpu.memory_space<vmem>>
      %dma_wait3A_194 = arith.constant 0 : i32
      %dma_wait3A_195 = tpu.memref_slice %arg13[%mul3A_190, %dma_wait3A_194] : memref<10000x128xf32, #tpu.memory_space<vmem_shared>> -> memref<80x128xf32, #tpu.memory_space<vmem_shared>>
      %dma_wait3A_196 = arith.constant 0 : i32
      %dma_wait3A_197 = tpu.memref_slice %arg13[%mul3A_190, %dma_wait3A_196] : memref<10000x128xf32, #tpu.memory_space<vmem_shared>> -> memref<80x128xf32, #tpu.memory_space<vmem_shared>>
      %dma_wait3A_198 = arith.constant 0 : i32
      %dma_wait3A_199 = arith.constant 0 : i32
      %dma_wait3A_200 = tpu.memref_slice %arg10[%dma_wait3A_198, %dma_wait3A_199] : memref<128x128xf32, #tpu.memory_space<vmem>> -> memref<80x128xf32, #tpu.memory_space<vmem>>
      tpu.wait_dma2 semaphore(%arg19 : memref<!tpu.dma_semaphore, #tpu.memory_space<semaphore_mem>>) src(%dma_wait3A_200 : memref<80x128xf32, #tpu.memory_space<vmem>>) dst(%dma_wait3A_197 : memref<80x128xf32, #tpu.memory_space<vmem_shared>>)
      %while3A_201 = arith.constant 0 : i32
      scf.yield %while3A_201 : i32
    }
    %while3A_75 = arith.constant 1 : i32
    %while3A_76 = scf.for %while3A_187 = %while3A_72 to %while3A_68 step %while3A_75 iter_args(%while3A_188 = %while3A_74) -> (i32)  : i32 {
      %mul3A_189 = arith.constant 80 : i32
      %mul3A_190 = arith.muli %while3A_187, %mul3A_189 : i32
      %dma_wait3A_191 = arith.constant 0 : i32
      %dma_wait3A_192 = arith.constant 0 : i32
      %dma_wait3A_193 = tpu.memref_slice %arg10[%dma_wait3A_191, %dma_wait3A_192] : memref<128x128xf32, #tpu.memory_space<vmem>> -> memref<80x128xf32, #tpu.memory_space<vmem>>
      %dma_wait3A_194 = arith.constant 0 : i32
      %dma_wait3A_195 = tpu.memref_slice %arg13[%mul3A_190, %dma_wait3A_194] : memref<10000x128xf32, #tpu.memory_space<vmem_shared>> -> memref<80x128xf32, #tpu.memory_space<vmem_shared>>
      %dma_wait3A_196 = arith.constant 0 : i32
      %dma_wait3A_197 = tpu.memref_slice %arg13[%mul3A_190, %dma_wait3A_196] : memref<10000x128xf32, #tpu.memory_space<vmem_shared>> -> memref<80x128xf32, #tpu.memory_space<vmem_shared>>
      %dma_wait3A_198 = arith.constant 0 : i32
      %dma_wait3A_199 = arith.constant 0 : i32
      %dma_wait3A_200 = tpu.memref_slice %arg10[%dma_wait3A_198, %dma_wait3A_199] : memref<128x128xf32, #tpu.memory_space<vmem>> -> memref<80x128xf32, #tpu.memory_space<vmem>>
      tpu.wait_dma2 semaphore(%arg19 : memref<!tpu.dma_semaphore, #tpu.memory_space<semaphore_mem>>) src(%dma_wait3A_200 : memref<80x128xf32, #tpu.memory_space<vmem>>) dst(%dma_wait3A_197 : memref<80x128xf32, #tpu.memory_space<vmem_shared>>)
      %while3A_201 = arith.constant 0 : i32
      scf.yield %while3A_201 : i32
    }
    %mul3A_77 = arith.constant 160000 : i32
    %mul3A_78 = arith.muli %arg0, %mul3A_77 : i32
    %mul3A_79 = arith.constant 10000 : i32
    %mul3A_80 = arith.muli %arg1, %mul3A_79 : i32
    %add3A_81 = arith.addi %mul3A_78, %mul3A_80 : i32
    %dma_wait3A = tpu.memref_slice %arg3[%add3A_81] : memref<320000xi32, #tpu.memory_space<hbm>> -> memref<10000xi32, #tpu.memory_space<hbm>>
    %dma_wait3A_82 = tpu.memref_slice %arg3[%add3A_81] : memref<320000xi32, #tpu.memory_space<hbm>> -> memref<10000xi32, #tpu.memory_space<hbm>>
    tpu.wait_dma2 semaphore(%arg14 : memref<!tpu.dma_semaphore, #tpu.memory_space<semaphore_mem>>) src(%dma_wait3A_82 : memref<10000xi32, #tpu.memory_space<hbm>>) dst(%arg6 : memref<10000xi32, #tpu.memory_space<vmem>>)
    %barrier3A = arith.constant 0 : index
    tpu.barrier barrier_id(%barrier3A)
    %mul3A_83 = arith.constant 10000 : i32
    %mul3A_84 = arith.muli %arg1, %mul3A_83 : i32
    %add3A_85 = arith.constant 0 : i32
    %add3A_86 = arith.addi %mul3A_84, %add3A_85 : i32
    %dma_start3A_87 = tpu.memref_slice %arg4[%add3A_86] : memref<160000xi32, #tpu.memory_space<hbm>> -> memref<128xi32, #tpu.memory_space<hbm>>
    %dma_start3A_88 = tpu.memref_slice %arg4[%add3A_86] : memref<160000xi32, #tpu.memory_space<hbm>> -> memref<128xi32, #tpu.memory_space<hbm>>
    tpu.enqueue_dma source(%dma_start3A_88 : memref<128xi32, #tpu.memory_space<hbm>>) target(%arg7 : memref<128xi32, #tpu.memory_space<vmem>>) target_semaphore(%arg15 : memref<!tpu.dma_semaphore, #tpu.memory_space<semaphore_mem>>)
    %dma_start3A_89 = arith.constant 0 : i32
    %dma_start3A_90 = tpu.memref_slice %arg6[%dma_start3A_89] : memref<10000xi32, #tpu.memory_space<vmem>> -> memref<128xi32, #tpu.memory_space<vmem>>
    %dma_start3A_91 = arith.constant 0 : i32
    %dma_start3A_92 = arith.constant 0 : i32
    %dma_start3A_93 = tpu.memref_slice %arg2[%dma_start3A_91, %dma_start3A_92] : memref<40000x128xf32, #tpu.memory_space<hbm>> -> memref<40000x128xf32, #tpu.memory_space<hbm>>
    tpu.enqueue_indirect_dma source(%dma_start3A_93 : memref<40000x128xf32, #tpu.memory_space<hbm>>) target(%arg10 : memref<128x128xf32, #tpu.memory_space<vmem>>) offsets(%dma_start3A_90 : memref<128xi32, #tpu.memory_space<vmem>>) semaphore(%arg14 : memref<!tpu.dma_semaphore, #tpu.memory_space<semaphore_mem>>)
    %dma_wait3A_94 = arith.constant 0 : i32
    %dma_wait3A_95 = tpu.memref_slice %arg6[%dma_wait3A_94] : memref<10000xi32, #tpu.memory_space<vmem>> -> memref<128xi32, #tpu.memory_space<vmem>>
    %dma_wait3A_96 = arith.constant 0 : i32
    %dma_wait3A_97 = arith.constant 0 : i32
    %dma_wait3A_98 = tpu.memref_slice %arg2[%dma_wait3A_96, %dma_wait3A_97] : memref<40000x128xf32, #tpu.memory_space<hbm>> -> memref<40000x128xf32, #tpu.memory_space<hbm>>
    tpu.wait_indirect_dma semaphore(%arg14 : memref<!tpu.dma_semaphore, #tpu.memory_space<semaphore_mem>>) src(%dma_wait3A_98 : memref<40000x128xf32, #tpu.memory_space<hbm>>) dst(%arg10 : memref<128x128xf32, #tpu.memory_space<vmem>>)
    %mul3A_99 = arith.constant 10000 : i32
    %mul3A_100 = arith.muli %arg1, %mul3A_99 : i32
    %add3A_101 = arith.constant 0 : i32
    %add3A_102 = arith.addi %mul3A_100, %add3A_101 : i32
    %dma_wait3A_103 = tpu.memref_slice %arg4[%add3A_102] : memref<160000xi32, #tpu.memory_space<hbm>> -> memref<128xi32, #tpu.memory_space<hbm>>
    %dma_wait3A_104 = tpu.memref_slice %arg4[%add3A_102] : memref<160000xi32, #tpu.memory_space<hbm>> -> memref<128xi32, #tpu.memory_space<hbm>>
    tpu.wait_dma2 semaphore(%arg15 : memref<!tpu.dma_semaphore, #tpu.memory_space<semaphore_mem>>) src(%dma_wait3A_104 : memref<128xi32, #tpu.memory_space<hbm>>) dst(%arg7 : memref<128xi32, #tpu.memory_space<vmem>>)
    %dma_start3A_105 = arith.constant 0 : i32
    %dma_start3A_106 = arith.constant 0 : i32
    %dma_start3A_107 = tpu.memref_slice %arg13[%dma_start3A_105, %dma_start3A_106] : memref<10000x128xf32, #tpu.memory_space<vmem_shared>> -> memref<10000x128xf32, #tpu.memory_space<vmem_shared>>
    tpu.enqueue_indirect_dma source(%arg10 : memref<128x128xf32, #tpu.memory_space<vmem>>) target(%dma_start3A_107 : memref<10000x128xf32, #tpu.memory_space<vmem_shared>>) offsets(%arg7 : memref<128xi32, #tpu.memory_space<vmem>>) semaphore(%arg17 : memref<!tpu.dma_semaphore, #tpu.memory_space<semaphore_mem>>) {add = true}
    %mul3A_108 = arith.constant 10000 : i32
    %mul3A_109 = arith.muli %arg1, %mul3A_108 : i32
    %add3A_110 = arith.constant 128 : i32
    %add3A_111 = arith.addi %mul3A_109, %add3A_110 : i32
    %dma_start3A_112 = tpu.memref_slice %arg4[%add3A_111] : memref<160000xi32, #tpu.memory_space<hbm>> -> memref<128xi32, #tpu.memory_space<hbm>>
    %dma_start3A_113 = tpu.memref_slice %arg4[%add3A_111] : memref<160000xi32, #tpu.memory_space<hbm>> -> memref<128xi32, #tpu.memory_space<hbm>>
    tpu.enqueue_dma source(%dma_start3A_113 : memref<128xi32, #tpu.memory_space<hbm>>) target(%arg8 : memref<128xi32, #tpu.memory_space<vmem>>) target_semaphore(%arg16 : memref<!tpu.dma_semaphore, #tpu.memory_space<semaphore_mem>>)
    %dma_start3A_114 = arith.constant 128 : i32
    %dma_start3A_115 = tpu.memref_slice %arg6[%dma_start3A_114] : memref<10000xi32, #tpu.memory_space<vmem>> -> memref<128xi32, #tpu.memory_space<vmem>>
    %dma_start3A_116 = arith.constant 0 : i32
    %dma_start3A_117 = arith.constant 0 : i32
    %dma_start3A_118 = tpu.memref_slice %arg2[%dma_start3A_116, %dma_start3A_117] : memref<40000x128xf32, #tpu.memory_space<hbm>> -> memref<40000x128xf32, #tpu.memory_space<hbm>>
    tpu.enqueue_indirect_dma source(%dma_start3A_118 : memref<40000x128xf32, #tpu.memory_space<hbm>>) target(%arg11 : memref<128x128xf32, #tpu.memory_space<vmem>>) offsets(%dma_start3A_115 : memref<128xi32, #tpu.memory_space<vmem>>) semaphore(%arg14 : memref<!tpu.dma_semaphore, #tpu.memory_space<semaphore_mem>>)
    %scan3A_119 = arith.constant 0 : i32
    %scan3A_120 = arith.constant 0 : i32
    %scan3A_121 = arith.constant 38 : i32
    %scan3A_122 = arith.addi %scan3A_120, %scan3A_121 : i32
    %scan3A_123 = arith.constant 1 : i32
    %scan3A_124 = scf.for %scan3A_187 = %scan3A_120 to %scan3A_122 step %scan3A_123 iter_args(%scan3A_188 = %scan3A_119) -> (i32)  : i32 {
      %mul3A_189 = arith.constant 2 : i32
      %mul3A_190 = arith.muli %mul3A_189, %scan3A_187 : i32
      %add3A_191 = arith.constant 1 : i32
      %add3A_192 = arith.addi %add3A_191, %mul3A_190 : i32
      %mul3A_193 = arith.constant 128 : i32
      %mul3A_194 = arith.muli %add3A_192, %mul3A_193 : i32
      %dma_wait3A_195 = tpu.memref_slice %arg6[%mul3A_194] : memref<10000xi32, #tpu.memory_space<vmem>> -> memref<128xi32, #tpu.memory_space<vmem>>
      %dma_wait3A_196 = arith.constant 0 : i32
      %dma_wait3A_197 = arith.constant 0 : i32
      %dma_wait3A_198 = tpu.memref_slice %arg2[%dma_wait3A_196, %dma_wait3A_197] : memref<40000x128xf32, #tpu.memory_space<hbm>> -> memref<40000x128xf32, #tpu.memory_space<hbm>>
      tpu.wait_indirect_dma semaphore(%arg14 : memref<!tpu.dma_semaphore, #tpu.memory_space<semaphore_mem>>) src(%dma_wait3A_198 : memref<40000x128xf32, #tpu.memory_space<hbm>>) dst(%arg11 : memref<128x128xf32, #tpu.memory_space<vmem>>)
      %mul3A_199 = arith.constant 10000 : i32
      %mul3A_200 = arith.muli %arg1, %mul3A_199 : i32
      %mul3A_201 = arith.constant 128 : i32
      %mul3A_202 = arith.muli %add3A_192, %mul3A_201 : i32
      %add3A_203 = arith.addi %mul3A_200, %mul3A_202 : i32
      %dma_wait3A_204 = tpu.memref_slice %arg4[%add3A_203] : memref<160000xi32, #tpu.memory_space<hbm>> -> memref<128xi32, #tpu.memory_space<hbm>>
      %dma_wait3A_205 = tpu.memref_slice %arg4[%add3A_203] : memref<160000xi32, #tpu.memory_space<hbm>> -> memref<128xi32, #tpu.memory_space<hbm>>
      tpu.wait_dma2 semaphore(%arg16 : memref<!tpu.dma_semaphore, #tpu.memory_space<semaphore_mem>>) src(%dma_wait3A_205 : memref<128xi32, #tpu.memory_space<hbm>>) dst(%arg8 : memref<128xi32, #tpu.memory_space<vmem>>)
      %dma_start3A_206 = arith.constant 0 : i32
      %dma_start3A_207 = arith.constant 0 : i32
      %dma_start3A_208 = tpu.memref_slice %arg13[%dma_start3A_206, %dma_start3A_207] : memref<10000x128xf32, #tpu.memory_space<vmem_shared>> -> memref<10000x128xf32, #tpu.memory_space<vmem_shared>>
      tpu.enqueue_indirect_dma source(%arg11 : memref<128x128xf32, #tpu.memory_space<vmem>>) target(%dma_start3A_208 : memref<10000x128xf32, #tpu.memory_space<vmem_shared>>) offsets(%arg8 : memref<128xi32, #tpu.memory_space<vmem>>) semaphore(%arg18 : memref<!tpu.dma_semaphore, #tpu.memory_space<semaphore_mem>>) {add = true}
      %dma_wait3A_209 = arith.constant 0 : i32
      %dma_wait3A_210 = arith.constant 0 : i32
      %dma_wait3A_211 = tpu.memref_slice %arg13[%dma_wait3A_209, %dma_wait3A_210] : memref<10000x128xf32, #tpu.memory_space<vmem_shared>> -> memref<10000x128xf32, #tpu.memory_space<vmem_shared>>
      tpu.wait_indirect_dma semaphore(%arg17 : memref<!tpu.dma_semaphore, #tpu.memory_space<semaphore_mem>>) src(%arg10 : memref<128x128xf32, #tpu.memory_space<vmem>>) dst(%dma_wait3A_211 : memref<10000x128xf32, #tpu.memory_space<vmem_shared>>)
      %add3A_212 = arith.constant 1 : i32
      %add3A_213 = arith.addi %add3A_192, %add3A_212 : i32
      %lt3A = arith.constant 78 : i32
      %lt3A_214 = arith.cmpi slt, %add3A_213, %lt3A : i32
      %convert_element_type3A = arith.extui %lt3A_214 : i1 to i32
      %cond3A = arith.constant 0 : i32
      %cond3A_215 = arith.cmpi ne, %convert_element_type3A, %cond3A : i32
      scf.if %cond3A_215 {
        %add3A_247 = arith.constant 1 : i32
        %add3A_248 = arith.addi %add3A_192, %add3A_247 : i32
        %mul3A_249 = arith.constant 10000 : i32
        %mul3A_250 = arith.muli %arg1, %mul3A_249 : i32
        %mul3A_251 = arith.constant 128 : i32
        %mul3A_252 = arith.muli %add3A_248, %mul3A_251 : i32
        %add3A_253 = arith.addi %mul3A_250, %mul3A_252 : i32
        %dma_start3A_254 = tpu.memref_slice %arg4[%add3A_253] : memref<160000xi32, #tpu.memory_space<hbm>> -> memref<128xi32, #tpu.memory_space<hbm>>
        %dma_start3A_255 = tpu.memref_slice %arg4[%add3A_253] : memref<160000xi32, #tpu.memory_space<hbm>> -> memref<128xi32, #tpu.memory_space<hbm>>
        tpu.enqueue_dma source(%dma_start3A_255 : memref<128xi32, #tpu.memory_space<hbm>>) target(%arg7 : memref<128xi32, #tpu.memory_space<vmem>>) target_semaphore(%arg15 : memref<!tpu.dma_semaphore, #tpu.memory_space<semaphore_mem>>)
        %add3A_256 = arith.constant 1 : i32
        %add3A_257 = arith.addi %add3A_192, %add3A_256 : i32
        %mul3A_258 = arith.constant 128 : i32
        %mul3A_259 = arith.muli %add3A_257, %mul3A_258 : i32
        %dma_start3A_260 = tpu.memref_slice %arg6[%mul3A_259] : memref<10000xi32, #tpu.memory_space<vmem>> -> memref<128xi32, #tpu.memory_space<vmem>>
        %dma_start3A_261 = arith.constant 0 : i32
        %dma_start3A_262 = arith.constant 0 : i32
        %dma_start3A_263 = tpu.memref_slice %arg2[%dma_start3A_261, %dma_start3A_262] : memref<40000x128xf32, #tpu.memory_space<hbm>> -> memref<40000x128xf32, #tpu.memory_space<hbm>>
        tpu.enqueue_indirect_dma source(%dma_start3A_263 : memref<40000x128xf32, #tpu.memory_space<hbm>>) target(%arg10 : memref<128x128xf32, #tpu.memory_space<vmem>>) offsets(%dma_start3A_260 : memref<128xi32, #tpu.memory_space<vmem>>) semaphore(%arg14 : memref<!tpu.dma_semaphore, #tpu.memory_space<semaphore_mem>>)
      } else {
      }
      %mul3A_216 = arith.constant 2 : i32
      %mul3A_217 = arith.muli %mul3A_216, %scan3A_187 : i32
      %add3A_218 = arith.constant 2 : i32
      %add3A_219 = arith.addi %add3A_218, %mul3A_217 : i32
      %mul3A_220 = arith.constant 128 : i32
      %mul3A_221 = arith.muli %add3A_219, %mul3A_220 : i32
      %dma_wait3A_222 = tpu.memref_slice %arg6[%mul3A_221] : memref<10000xi32, #tpu.memory_space<vmem>> -> memref<128xi32, #tpu.memory_space<vmem>>
      %dma_wait3A_223 = arith.constant 0 : i32
      %dma_wait3A_224 = arith.constant 0 : i32
      %dma_wait3A_225 = tpu.memref_slice %arg2[%dma_wait3A_223, %dma_wait3A_224] : memref<40000x128xf32, #tpu.memory_space<hbm>> -> memref<40000x128xf32, #tpu.memory_space<hbm>>
      tpu.wait_indirect_dma semaphore(%arg14 : memref<!tpu.dma_semaphore, #tpu.memory_space<semaphore_mem>>) src(%dma_wait3A_225 : memref<40000x128xf32, #tpu.memory_space<hbm>>) dst(%arg10 : memref<128x128xf32, #tpu.memory_space<vmem>>)
      %mul3A_226 = arith.constant 10000 : i32
      %mul3A_227 = arith.muli %arg1, %mul3A_226 : i32
      %mul3A_228 = arith.constant 128 : i32
      %mul3A_229 = arith.muli %add3A_219, %mul3A_228 : i32
      %add3A_230 = arith.addi %mul3A_227, %mul3A_229 : i32
      %dma_wait3A_231 = tpu.memref_slice %arg4[%add3A_230] : memref<160000xi32, #tpu.memory_space<hbm>> -> memref<128xi32, #tpu.memory_space<hbm>>
      %dma_wait3A_232 = tpu.memref_slice %arg4[%add3A_230] : memref<160000xi32, #tpu.memory_space<hbm>> -> memref<128xi32, #tpu.memory_space<hbm>>
      tpu.wait_dma2 semaphore(%arg15 : memref<!tpu.dma_semaphore, #tpu.memory_space<semaphore_mem>>) src(%dma_wait3A_232 : memref<128xi32, #tpu.memory_space<hbm>>) dst(%arg7 : memref<128xi32, #tpu.memory_space<vmem>>)
      %dma_start3A_233 = arith.constant 0 : i32
      %dma_start3A_234 = arith.constant 0 : i32
      %dma_start3A_235 = tpu.memref_slice %arg13[%dma_start3A_233, %dma_start3A_234] : memref<10000x128xf32, #tpu.memory_space<vmem_shared>> -> memref<10000x128xf32, #tpu.memory_space<vmem_shared>>
      tpu.enqueue_indirect_dma source(%arg10 : memref<128x128xf32, #tpu.memory_space<vmem>>) target(%dma_start3A_235 : memref<10000x128xf32, #tpu.memory_space<vmem_shared>>) offsets(%arg7 : memref<128xi32, #tpu.memory_space<vmem>>) semaphore(%arg17 : memref<!tpu.dma_semaphore, #tpu.memory_space<semaphore_mem>>) {add = true}
      %dma_wait3A_236 = arith.constant 0 : i32
      %dma_wait3A_237 = arith.constant 0 : i32
      %dma_wait3A_238 = tpu.memref_slice %arg13[%dma_wait3A_236, %dma_wait3A_237] : memref<10000x128xf32, #tpu.memory_space<vmem_shared>> -> memref<10000x128xf32, #tpu.memory_space<vmem_shared>>
      tpu.wait_indirect_dma semaphore(%arg18 : memref<!tpu.dma_semaphore, #tpu.memory_space<semaphore_mem>>) src(%arg11 : memref<128x128xf32, #tpu.memory_space<vmem>>) dst(%dma_wait3A_238 : memref<10000x128xf32, #tpu.memory_space<vmem_shared>>)
      %add3A_239 = arith.constant 1 : i32
      %add3A_240 = arith.addi %add3A_219, %add3A_239 : i32
      %lt3A_241 = arith.constant 78 : i32
      %lt3A_242 = arith.cmpi slt, %add3A_240, %lt3A_241 : i32
      %convert_element_type3A_243 = arith.extui %lt3A_242 : i1 to i32
      %cond3A_244 = arith.constant 0 : i32
      %cond3A_245 = arith.cmpi ne, %convert_element_type3A_243, %cond3A_244 : i32
      scf.if %cond3A_245 {
        %add3A_247 = arith.constant 1 : i32
        %add3A_248 = arith.addi %add3A_219, %add3A_247 : i32
        %mul3A_249 = arith.constant 10000 : i32
        %mul3A_250 = arith.muli %arg1, %mul3A_249 : i32
        %mul3A_251 = arith.constant 128 : i32
        %mul3A_252 = arith.muli %add3A_248, %mul3A_251 : i32
        %add3A_253 = arith.addi %mul3A_250, %mul3A_252 : i32
        %dma_start3A_254 = tpu.memref_slice %arg4[%add3A_253] : memref<160000xi32, #tpu.memory_space<hbm>> -> memref<128xi32, #tpu.memory_space<hbm>>
        %dma_start3A_255 = tpu.memref_slice %arg4[%add3A_253] : memref<160000xi32, #tpu.memory_space<hbm>> -> memref<128xi32, #tpu.memory_space<hbm>>
        tpu.enqueue_dma source(%dma_start3A_255 : memref<128xi32, #tpu.memory_space<hbm>>) target(%arg8 : memref<128xi32, #tpu.memory_space<vmem>>) target_semaphore(%arg16 : memref<!tpu.dma_semaphore, #tpu.memory_space<semaphore_mem>>)
        %add3A_256 = arith.constant 1 : i32
        %add3A_257 = arith.addi %add3A_219, %add3A_256 : i32
        %mul3A_258 = arith.constant 128 : i32
        %mul3A_259 = arith.muli %add3A_257, %mul3A_258 : i32
        %dma_start3A_260 = tpu.memref_slice %arg6[%mul3A_259] : memref<10000xi32, #tpu.memory_space<vmem>> -> memref<128xi32, #tpu.memory_space<vmem>>
        %dma_start3A_261 = arith.constant 0 : i32
        %dma_start3A_262 = arith.constant 0 : i32
        %dma_start3A_263 = tpu.memref_slice %arg2[%dma_start3A_261, %dma_start3A_262] : memref<40000x128xf32, #tpu.memory_space<hbm>> -> memref<40000x128xf32, #tpu.memory_space<hbm>>
        tpu.enqueue_indirect_dma source(%dma_start3A_263 : memref<40000x128xf32, #tpu.memory_space<hbm>>) target(%arg11 : memref<128x128xf32, #tpu.memory_space<vmem>>) offsets(%dma_start3A_260 : memref<128xi32, #tpu.memory_space<vmem>>) semaphore(%arg14 : memref<!tpu.dma_semaphore, #tpu.memory_space<semaphore_mem>>)
      } else {
      }
      %scan3A_246 = arith.constant 0 : i32
      scf.yield %scan3A_246 : i32
    }
    %scan3A_125 = arith.constant 38 : i32
    %dma_wait3A_126 = arith.constant 9856 : i32
    %dma_wait3A_127 = tpu.memref_slice %arg6[%dma_wait3A_126] : memref<10000xi32, #tpu.memory_space<vmem>> -> memref<128xi32, #tpu.memory_space<vmem>>
    %dma_wait3A_128 = arith.constant 0 : i32
    %dma_wait3A_129 = arith.constant 0 : i32
    %dma_wait3A_130 = tpu.memref_slice %arg2[%dma_wait3A_128, %dma_wait3A_129] : memref<40000x128xf32, #tpu.memory_space<hbm>> -> memref<40000x128xf32, #tpu.memory_space<hbm>>
    tpu.wait_indirect_dma semaphore(%arg14 : memref<!tpu.dma_semaphore, #tpu.memory_space<semaphore_mem>>) src(%dma_wait3A_130 : memref<40000x128xf32, #tpu.memory_space<hbm>>) dst(%arg11 : memref<128x128xf32, #tpu.memory_space<vmem>>)
    %mul3A_131 = arith.constant 10000 : i32
    %mul3A_132 = arith.muli %arg1, %mul3A_131 : i32
    %add3A_133 = arith.constant 9856 : i32
    %add3A_134 = arith.addi %mul3A_132, %add3A_133 : i32
    %dma_wait3A_135 = tpu.memref_slice %arg4[%add3A_134] : memref<160000xi32, #tpu.memory_space<hbm>> -> memref<128xi32, #tpu.memory_space<hbm>>
    %dma_wait3A_136 = tpu.memref_slice %arg4[%add3A_134] : memref<160000xi32, #tpu.memory_space<hbm>> -> memref<128xi32, #tpu.memory_space<hbm>>
    tpu.wait_dma2 semaphore(%arg16 : memref<!tpu.dma_semaphore, #tpu.memory_space<semaphore_mem>>) src(%dma_wait3A_136 : memref<128xi32, #tpu.memory_space<hbm>>) dst(%arg8 : memref<128xi32, #tpu.memory_space<vmem>>)
    %dma_start3A_137 = arith.constant 0 : i32
    %dma_start3A_138 = arith.constant 0 : i32
    %dma_start3A_139 = tpu.memref_slice %arg13[%dma_start3A_137, %dma_start3A_138] : memref<10000x128xf32, #tpu.memory_space<vmem_shared>> -> memref<10000x128xf32, #tpu.memory_space<vmem_shared>>
    tpu.enqueue_indirect_dma source(%arg11 : memref<128x128xf32, #tpu.memory_space<vmem>>) target(%dma_start3A_139 : memref<10000x128xf32, #tpu.memory_space<vmem_shared>>) offsets(%arg8 : memref<128xi32, #tpu.memory_space<vmem>>) semaphore(%arg18 : memref<!tpu.dma_semaphore, #tpu.memory_space<semaphore_mem>>) {add = true}
    %dma_wait3A_140 = arith.constant 0 : i32
    %dma_wait3A_141 = arith.constant 0 : i32
    %dma_wait3A_142 = tpu.memref_slice %arg13[%dma_wait3A_140, %dma_wait3A_141] : memref<10000x128xf32, #tpu.memory_space<vmem_shared>> -> memref<10000x128xf32, #tpu.memory_space<vmem_shared>>
    tpu.wait_indirect_dma semaphore(%arg17 : memref<!tpu.dma_semaphore, #tpu.memory_space<semaphore_mem>>) src(%arg10 : memref<128x128xf32, #tpu.memory_space<vmem>>) dst(%dma_wait3A_142 : memref<10000x128xf32, #tpu.memory_space<vmem_shared>>)
    %mul3A_143 = arith.constant 10000 : i32
    %mul3A_144 = arith.muli %arg1, %mul3A_143 : i32
    %add3A_145 = arith.constant 9984 : i32
    %add3A_146 = arith.addi %mul3A_144, %add3A_145 : i32
    %dma_start3A_147 = tpu.memref_slice %arg4[%add3A_146] : memref<160000xi32, #tpu.memory_space<hbm>> -> memref<16xi32, #tpu.memory_space<hbm>>
    %dma_start3A_148 = tpu.memref_slice %arg4[%add3A_146] : memref<160000xi32, #tpu.memory_space<hbm>> -> memref<16xi32, #tpu.memory_space<hbm>>
    tpu.enqueue_dma source(%dma_start3A_148 : memref<16xi32, #tpu.memory_space<hbm>>) target(%arg9 : memref<16xi32, #tpu.memory_space<vmem>>) target_semaphore(%arg15 : memref<!tpu.dma_semaphore, #tpu.memory_space<semaphore_mem>>)
    %dma_start3A_149 = arith.constant 9984 : i32
    %dma_start3A_150 = tpu.memref_slice %arg6[%dma_start3A_149] : memref<10000xi32, #tpu.memory_space<vmem>> -> memref<16xi32, #tpu.memory_space<vmem>>
    %dma_start3A_151 = arith.constant 0 : i32
    %dma_start3A_152 = arith.constant 0 : i32
    %dma_start3A_153 = tpu.memref_slice %arg2[%dma_start3A_151, %dma_start3A_152] : memref<40000x128xf32, #tpu.memory_space<hbm>> -> memref<40000x128xf32, #tpu.memory_space<hbm>>
    tpu.enqueue_indirect_dma source(%dma_start3A_153 : memref<40000x128xf32, #tpu.memory_space<hbm>>) target(%arg12 : memref<16x128xf32, #tpu.memory_space<vmem>>) offsets(%dma_start3A_150 : memref<16xi32, #tpu.memory_space<vmem>>) semaphore(%arg14 : memref<!tpu.dma_semaphore, #tpu.memory_space<semaphore_mem>>)
    %dma_wait3A_154 = arith.constant 9984 : i32
    %dma_wait3A_155 = tpu.memref_slice %arg6[%dma_wait3A_154] : memref<10000xi32, #tpu.memory_space<vmem>> -> memref<16xi32, #tpu.memory_space<vmem>>
    %dma_wait3A_156 = arith.constant 0 : i32
    %dma_wait3A_157 = arith.constant 0 : i32
    %dma_wait3A_158 = tpu.memref_slice %arg2[%dma_wait3A_156, %dma_wait3A_157] : memref<40000x128xf32, #tpu.memory_space<hbm>> -> memref<40000x128xf32, #tpu.memory_space<hbm>>
    tpu.wait_indirect_dma semaphore(%arg14 : memref<!tpu.dma_semaphore, #tpu.memory_space<semaphore_mem>>) src(%dma_wait3A_158 : memref<40000x128xf32, #tpu.memory_space<hbm>>) dst(%arg12 : memref<16x128xf32, #tpu.memory_space<vmem>>)
    %dma_wait3A_159 = tpu.memref_slice %arg4[%add3A_146] : memref<160000xi32, #tpu.memory_space<hbm>> -> memref<16xi32, #tpu.memory_space<hbm>>
    %dma_wait3A_160 = tpu.memref_slice %arg4[%add3A_146] : memref<160000xi32, #tpu.memory_space<hbm>> -> memref<16xi32, #tpu.memory_space<hbm>>
    tpu.wait_dma2 semaphore(%arg15 : memref<!tpu.dma_semaphore, #tpu.memory_space<semaphore_mem>>) src(%dma_wait3A_160 : memref<16xi32, #tpu.memory_space<hbm>>) dst(%arg9 : memref<16xi32, #tpu.memory_space<vmem>>)
    "tpu.region"() ({
      %run_scoped3A = tpu.sem_alloc : memref<!tpu.dma_semaphore, #tpu.memory_space<semaphore_mem>>
      %dma_start3A_187 = arith.constant 0 : i32
      %dma_start3A_188 = arith.constant 0 : i32
      %dma_start3A_189 = tpu.memref_slice %arg13[%dma_start3A_187, %dma_start3A_188] : memref<10000x128xf32, #tpu.memory_space<vmem_shared>> -> memref<10000x128xf32, #tpu.memory_space<vmem_shared>>
      tpu.enqueue_indirect_dma source(%arg12 : memref<16x128xf32, #tpu.memory_space<vmem>>) target(%dma_start3A_189 : memref<10000x128xf32, #tpu.memory_space<vmem_shared>>) offsets(%arg9 : memref<16xi32, #tpu.memory_space<vmem>>) semaphore(%run_scoped3A : memref<!tpu.dma_semaphore, #tpu.memory_space<semaphore_mem>>) {add = true}
      %dma_wait3A_190 = arith.constant 0 : i32
      %dma_wait3A_191 = arith.constant 0 : i32
      %dma_wait3A_192 = tpu.memref_slice %arg13[%dma_wait3A_190, %dma_wait3A_191] : memref<10000x128xf32, #tpu.memory_space<vmem_shared>> -> memref<10000x128xf32, #tpu.memory_space<vmem_shared>>
      tpu.wait_indirect_dma semaphore(%run_scoped3A : memref<!tpu.dma_semaphore, #tpu.memory_space<semaphore_mem>>) src(%arg12 : memref<16x128xf32, #tpu.memory_space<vmem>>) dst(%dma_wait3A_192 : memref<10000x128xf32, #tpu.memory_space<vmem_shared>>)
      tpu.yield
    }) : () -> ()
    %dma_wait3A_161 = arith.constant 0 : i32
    %dma_wait3A_162 = arith.constant 0 : i32
    %dma_wait3A_163 = tpu.memref_slice %arg13[%dma_wait3A_161, %dma_wait3A_162] : memref<10000x128xf32, #tpu.memory_space<vmem_shared>> -> memref<10000x128xf32, #tpu.memory_space<vmem_shared>>
    tpu.wait_indirect_dma semaphore(%arg18 : memref<!tpu.dma_semaphore, #tpu.memory_space<semaphore_mem>>) src(%arg11 : memref<128x128xf32, #tpu.memory_space<vmem>>) dst(%dma_wait3A_163 : memref<10000x128xf32, #tpu.memory_space<vmem_shared>>)
    %barrier3A_164 = arith.constant 0 : index
    tpu.barrier barrier_id(%barrier3A_164)
    %while3A_165 = arith.constant 0 : i32
    %while3A_166 = arith.subi %select_n3A_55, %select_n3A : i32
    %while3A_167 = arith.addi %select_n3A, %while3A_166 : i32
    %while3A_168 = arith.constant 1 : i32
    %while3A_169 = arith.divsi %while3A_166, %while3A_168 : i32
    %while3A_170 = arith.muli %while3A_169, %while3A_168 : i32
    %while3A_171 = arith.addi %select_n3A, %while3A_170 : i32
    %while3A_172 = arith.constant 1 : i32
    %while3A_173 = scf.for %while3A_187 = %select_n3A to %while3A_171 step %while3A_172 iter_args(%while3A_188 = %while3A_165) -> (i32)  : i32 {
      %mul3A_189 = arith.constant 80 : i32
      %mul3A_190 = arith.muli %while3A_187, %mul3A_189 : i32
      %mul3A_191 = arith.constant 10000 : i32
      %mul3A_192 = arith.muli %arg0, %mul3A_191 : i32
      %mul3A_193 = arith.constant 80 : i32
      %mul3A_194 = arith.muli %while3A_187, %mul3A_193 : i32
      %add3A_195 = arith.addi %mul3A_192, %mul3A_194 : i32
      %dma_start3A_196 = arith.constant 0 : i32
      %dma_start3A_197 = tpu.memref_slice %arg5[%add3A_195, %dma_start3A_196] : memref<20000x128xf32, #tpu.memory_space<hbm>> -> memref<80x128xf32, #tpu.memory_space<hbm>>
      %dma_start3A_198 = arith.constant 0 : i32
      %dma_start3A_199 = tpu.memref_slice %arg13[%mul3A_190, %dma_start3A_198] : memref<10000x128xf32, #tpu.memory_space<vmem_shared>> -> memref<80x128xf32, #tpu.memory_space<vmem_shared>>
      tpu.enqueue_dma source(%dma_start3A_199 : memref<80x128xf32, #tpu.memory_space<vmem_shared>>) target(%dma_start3A_197 : memref<80x128xf32, #tpu.memory_space<hbm>>) target_semaphore(%arg19 : memref<!tpu.dma_semaphore, #tpu.memory_space<semaphore_mem>>)
      %while3A_200 = arith.constant 0 : i32
      scf.yield %while3A_200 : i32
    }
    %while3A_174 = arith.constant 1 : i32
    %while3A_175 = scf.for %while3A_187 = %while3A_171 to %while3A_167 step %while3A_174 iter_args(%while3A_188 = %while3A_173) -> (i32)  : i32 {
      %mul3A_189 = arith.constant 80 : i32
      %mul3A_190 = arith.muli %while3A_187, %mul3A_189 : i32
      %mul3A_191 = arith.constant 10000 : i32
      %mul3A_192 = arith.muli %arg0, %mul3A_191 : i32
      %mul3A_193 = arith.constant 80 : i32
      %mul3A_194 = arith.muli %while3A_187, %mul3A_193 : i32
      %add3A_195 = arith.addi %mul3A_192, %mul3A_194 : i32
      %dma_start3A_196 = arith.constant 0 : i32
      %dma_start3A_197 = tpu.memref_slice %arg5[%add3A_195, %dma_start3A_196] : memref<20000x128xf32, #tpu.memory_space<hbm>> -> memref<80x128xf32, #tpu.memory_space<hbm>>
      %dma_start3A_198 = arith.constant 0 : i32
      %dma_start3A_199 = tpu.memref_slice %arg13[%mul3A_190, %dma_start3A_198] : memref<10000x128xf32, #tpu.memory_space<vmem_shared>> -> memref<80x128xf32, #tpu.memory_space<vmem_shared>>
      tpu.enqueue_dma source(%dma_start3A_199 : memref<80x128xf32, #tpu.memory_space<vmem_shared>>) target(%dma_start3A_197 : memref<80x128xf32, #tpu.memory_space<hbm>>) target_semaphore(%arg19 : memref<!tpu.dma_semaphore, #tpu.memory_space<semaphore_mem>>)
      %while3A_200 = arith.constant 0 : i32
      scf.yield %while3A_200 : i32
    }
    %while3A_176 = arith.constant 0 : i32
    %while3A_177 = arith.subi %select_n3A_55, %select_n3A : i32
    %while3A_178 = arith.addi %select_n3A, %while3A_177 : i32
    %while3A_179 = arith.constant 1 : i32
    %while3A_180 = arith.divsi %while3A_177, %while3A_179 : i32
    %while3A_181 = arith.muli %while3A_180, %while3A_179 : i32
    %while3A_182 = arith.addi %select_n3A, %while3A_181 : i32
    %while3A_183 = arith.constant 1 : i32
    %while3A_184 = scf.for %while3A_187 = %select_n3A to %while3A_182 step %while3A_183 iter_args(%while3A_188 = %while3A_176) -> (i32)  : i32 {
      %mul3A_189 = arith.constant 80 : i32
      %mul3A_190 = arith.muli %while3A_187, %mul3A_189 : i32
      %mul3A_191 = arith.constant 10000 : i32
      %mul3A_192 = arith.muli %arg0, %mul3A_191 : i32
      %mul3A_193 = arith.constant 80 : i32
      %mul3A_194 = arith.muli %while3A_187, %mul3A_193 : i32
      %add3A_195 = arith.addi %mul3A_192, %mul3A_194 : i32
      %dma_wait3A_196 = arith.constant 0 : i32
      %dma_wait3A_197 = tpu.memref_slice %arg5[%add3A_195, %dma_wait3A_196] : memref<20000x128xf32, #tpu.memory_space<hbm>> -> memref<80x128xf32, #tpu.memory_space<hbm>>
      %dma_wait3A_198 = arith.constant 0 : i32
      %dma_wait3A_199 = tpu.memref_slice %arg13[%mul3A_190, %dma_wait3A_198] : memref<10000x128xf32, #tpu.memory_space<vmem_shared>> -> memref<80x128xf32, #tpu.memory_space<vmem_shared>>
      tpu.wait_dma2 semaphore(%arg19 : memref<!tpu.dma_semaphore, #tpu.memory_space<semaphore_mem>>) src(%dma_wait3A_199 : memref<80x128xf32, #tpu.memory_space<vmem_shared>>) dst(%dma_wait3A_197 : memref<80x128xf32, #tpu.memory_space<hbm>>)
      %while3A_200 = arith.constant 0 : i32
      scf.yield %while3A_200 : i32
    }
    %while3A_185 = arith.constant 1 : i32
    %while3A_186 = scf.for %while3A_187 = %while3A_182 to %while3A_178 step %while3A_185 iter_args(%while3A_188 = %while3A_184) -> (i32)  : i32 {
      %mul3A_189 = arith.constant 80 : i32
      %mul3A_190 = arith.muli %while3A_187, %mul3A_189 : i32
      %mul3A_191 = arith.constant 10000 : i32
      %mul3A_192 = arith.muli %arg0, %mul3A_191 : i32
      %mul3A_193 = arith.constant 80 : i32
      %mul3A_194 = arith.muli %while3A_187, %mul3A_193 : i32
      %add3A_195 = arith.addi %mul3A_192, %mul3A_194 : i32
      %dma_wait3A_196 = arith.constant 0 : i32
      %dma_wait3A_197 = tpu.memref_slice %arg5[%add3A_195, %dma_wait3A_196] : memref<20000x128xf32, #tpu.memory_space<hbm>> -> memref<80x128xf32, #tpu.memory_space<hbm>>
      %dma_wait3A_198 = arith.constant 0 : i32
      %dma_wait3A_199 = tpu.memref_slice %arg13[%mul3A_190, %dma_wait3A_198] : memref<10000x128xf32, #tpu.memory_space<vmem_shared>> -> memref<80x128xf32, #tpu.memory_space<vmem_shared>>
      tpu.wait_dma2 semaphore(%arg19 : memref<!tpu.dma_semaphore, #tpu.memory_space<semaphore_mem>>) src(%dma_wait3A_199 : memref<80x128xf32, #tpu.memory_space<vmem_shared>>) dst(%dma_wait3A_197 : memref<80x128xf32, #tpu.memory_space<hbm>>)
      %while3A_200 = arith.constant 0 : i32
      scf.yield %while3A_200 : i32
    }
    return
  }
}

module attributes {stable_mosaic.version = 14 : i64} {
  func.func @_tc_mid_body(%arg0: i32, %arg1: i32, %arg2: memref<1000x128xf32, #tpu.memory_space<vmem>>, %arg3: memref<1000x128xf32, #tpu.memory_space<vmem>>, %arg4: memref<1000x128xf32, #tpu.memory_space<vmem>>, %arg5: memref<1000x128xf32, #tpu.memory_space<vmem>>, %arg6: memref<1000x8xf32, #tpu.memory_space<vmem>>, %arg7: memref<1x256xf32, #tpu.memory_space<vmem>>, %arg8: memref<256x128xf32, #tpu.memory_space<vmem>>, %arg9: memref<1000x128xf32, #tpu.memory_space<vmem>>) attributes {dimension_semantics = [#tpu.dimension_semantics<arbitrary>, #tpu.dimension_semantics<arbitrary>], iteration_bounds = array<i64: 10, 4>, scalar_prefetch = 0 : i64, scratch_operands = 0 : i64, tpu.core_type = #tpu.core_type<tc>, window_params = [{transform_indices = @transform_0, window_bounds = array<i64: 1000, 128>}, {transform_indices = @transform_1, window_bounds = array<i64: 1000, 128>}, {transform_indices = @transform_2, window_bounds = array<i64: 1000, 128>}, {transform_indices = @transform_3, window_bounds = array<i64: 1000, 128>}, {transform_indices = @transform_4, window_bounds = array<i64: 1000, 8>}, {pipeline_mode = #tpu.pipeline_mode<synchronous>, transform_indices = @transform_5, window_bounds = array<i64: 1, 256>}, {transform_indices = @transform_6, window_bounds = array<i64: 256, 128>}, {transform_indices = @transform_7, window_bounds = array<i64: 1000, 128>}]} {
    %get3A = arith.constant 0 : index
    %get3A_0 = arith.constant 0 : index
    %get3A_1 = vector.load %arg6[%get3A, %get3A_0] : memref<1000x8xf32, #tpu.memory_space<vmem>>, vector<1000x1xf32>
    %get3A_2 = arith.constant 0 : index
    %get3A_3 = arith.constant 0 : index
    %get3A_4 = vector.load %arg7[%get3A_2, %get3A_3] : memref<1x256xf32, #tpu.memory_space<vmem>>, vector<1x256xf32>
    %get3A_5 = arith.constant 0 : index
    %get3A_6 = arith.constant 0 : index
    %get3A_7 = vector.load %arg2[%get3A_5, %get3A_6] : memref<1000x128xf32, #tpu.memory_space<vmem>>, vector<1000x128xf32>
    %mul3A = vector.broadcast %get3A_1 : vector<1000x1xf32> to vector<1000x128xf32>
    %mul3A_8 = arith.mulf %get3A_7, %mul3A : vector<1000x128xf32>
    %get3A_9 = arith.constant 0 : index
    %get3A_10 = arith.constant 0 : index
    %get3A_11 = vector.load %arg4[%get3A_9, %get3A_10] : memref<1000x128xf32, #tpu.memory_space<vmem>>, vector<1000x128xf32>
    %add3A = arith.addf %mul3A_8, %get3A_11 : vector<1000x128xf32>
    %slice3A = vector.extract_strided_slice %get3A_4 {offsets = [0, 0], sizes = [1, 128], strides = [1, 1]} : vector<1x256xf32> to vector<1x128xf32>
    %add3A_12 = vector.broadcast %slice3A : vector<1x128xf32> to vector<1000x128xf32>
    %add3A_13 = arith.addf %add3A, %add3A_12 : vector<1000x128xf32>
    %get3A_14 = arith.constant 0 : index
    %get3A_15 = arith.constant 0 : index
    %get3A_16 = vector.load %arg3[%get3A_14, %get3A_15] : memref<1000x128xf32, #tpu.memory_space<vmem>>, vector<1000x128xf32>
    %mul3A_17 = vector.broadcast %get3A_1 : vector<1000x1xf32> to vector<1000x128xf32>
    %mul3A_18 = arith.mulf %get3A_16, %mul3A_17 : vector<1000x128xf32>
    %get3A_19 = arith.constant 0 : index
    %get3A_20 = arith.constant 0 : index
    %get3A_21 = vector.load %arg5[%get3A_19, %get3A_20] : memref<1000x128xf32, #tpu.memory_space<vmem>>, vector<1000x128xf32>
    %add3A_22 = arith.addf %mul3A_18, %get3A_21 : vector<1000x128xf32>
    %slice3A_23 = vector.extract_strided_slice %get3A_4 {offsets = [0, 128], sizes = [1, 128], strides = [1, 1]} : vector<1x256xf32> to vector<1x128xf32>
    %add3A_24 = vector.broadcast %slice3A_23 : vector<1x128xf32> to vector<1000x128xf32>
    %add3A_25 = arith.addf %add3A_22, %add3A_24 : vector<1000x128xf32>
    %concatenate3A = tpu.concatenate %add3A_13, %add3A_25 in 1 : vector<1000x128xf32>, vector<1000x128xf32> -> vector<1000x256xf32>
    %max3A = arith.constant 0.000000e+00 : f32
    %max3A_26 = vector.broadcast %max3A : f32 to vector<1000x256xf32>
    %max3A_27 = arith.maximumf %concatenate3A, %max3A_26 : vector<1000x256xf32>
    %get3A_28 = arith.constant 0 : index
    %get3A_29 = arith.constant 0 : index
    %get3A_30 = vector.load %arg8[%get3A_28, %get3A_29] : memref<256x128xf32, #tpu.memory_space<vmem>>, vector<256x128xf32>
    %dot_general3A = arith.constant dense<0.000000e+00> : vector<1000x128xf32>
    %dot_general3A_31 = tpu.matmul %max3A_27, %get3A_30, %dot_general3A {dimension_numbers = #tpu.dot_dimension_numbers<[1], [0], [0], [1], [0, 0, 1, 1], [], []>, transpose_lhs_hint = false} : vector<1000x256xf32>, vector<256x128xf32>, vector<1000x128xf32> -> vector<1000x128xf32>
    %swap3A = arith.constant 0 : index
    %swap3A_32 = arith.constant 0 : index
    %swap3A_33 = vector.load %arg9[%swap3A, %swap3A_32] : memref<1000x128xf32, #tpu.memory_space<vmem>>, vector<1000x128xf32>
    tpu.vector_store %arg9[%swap3A, %swap3A_32], %dot_general3A_31 {strides = array<i32>} : memref<1000x128xf32, #tpu.memory_space<vmem>>, vector<1000x128xf32>,
    return
  }
  func.func @transform_0(%arg0: i32, %arg1: i32) -> (i32, i32) {
    %c0_i32 = arith.constant 0 : i32
    %c0_i32_0 = arith.constant 0 : i32
    return %arg0, %c0_i32 : i32, i32
  }
  func.func @transform_1(%arg0: i32, %arg1: i32) -> (i32, i32) {
    %add3A = arith.constant 10 : i32
    %add3A_0 = arith.addi %add3A, %arg0 : i32
    %c0_i32 = arith.constant 0 : i32
    %c0_i32_1 = arith.constant 0 : i32
    return %add3A_0, %c0_i32 : i32, i32
  }
  func.func @transform_2(%arg0: i32, %arg1: i32) -> (i32, i32) {
    %add3A = arith.constant 20 : i32
    %add3A_0 = arith.addi %add3A, %arg0 : i32
    %c0_i32 = arith.constant 0 : i32
    %c0_i32_1 = arith.constant 0 : i32
    return %add3A_0, %c0_i32 : i32, i32
  }
  func.func @transform_3(%arg0: i32, %arg1: i32) -> (i32, i32) {
    %add3A = arith.constant 30 : i32
    %add3A_0 = arith.addi %add3A, %arg0 : i32
    %c0_i32 = arith.constant 0 : i32
    %c0_i32_1 = arith.constant 0 : i32
    return %add3A_0, %c0_i32 : i32, i32
  }
  func.func @transform_4(%arg0: i32, %arg1: i32) -> (i32, i32) {
    %c0_i32 = arith.constant 0 : i32
    %c0_i32_0 = arith.constant 0 : i32
    return %arg0, %c0_i32 : i32, i32
  }
  func.func @transform_5(%arg0: i32, %arg1: i32) -> (i32, i32) {
    %c0_i32 = arith.constant 0 : i32
    %c0_i32_0 = arith.constant 0 : i32
    %c0_i32_1 = arith.constant 0 : i32
    return %c0_i32, %c0_i32_0 : i32, i32
  }
  func.func @transform_6(%arg0: i32, %arg1: i32) -> (i32, i32) {
    %c0_i32 = arith.constant 0 : i32
    %c0_i32_0 = arith.constant 0 : i32
    return %c0_i32, %arg1 : i32, i32
  }
  func.func @transform_7(%arg0: i32, %arg1: i32) -> (i32, i32) {
    %mul3A = arith.constant 10 : i32
    %mul3A_0 = arith.muli %arg1, %mul3A : i32
    %add3A = arith.addi %mul3A_0, %arg0 : i32
    %c0_i32 = arith.constant 0 : i32
    %c0_i32_1 = arith.constant 0 : i32
    return %add3A, %c0_i32 : i32, i32
  }
}

module attributes {stable_mosaic.version = 14 : i64} {
  func.func @_tc_entry_body(%arg0: i32, %arg1: i32, %arg2: memref<1000x256xf32, #tpu.memory_space<vmem>>, %arg3: memref<256x128xf32, #tpu.memory_space<vmem>>, %arg4: memref<1000x128xf32, #tpu.memory_space<vmem>>, %arg5: memref<1000x128xf32, #tpu.memory_space<vmem>>, %arg6: memref<1000x128xf32, #tpu.memory_space<vmem>>, %arg7: memref<1000x8xf32, #tpu.memory_space<vmem>>) attributes {dimension_semantics = [#tpu.dimension_semantics<arbitrary>, #tpu.dimension_semantics<arbitrary>], iteration_bounds = array<i64: 10, 4>, scalar_prefetch = 0 : i64, scratch_operands = 0 : i64, tpu.core_type = #tpu.core_type<tc>, window_params = [{transform_indices = @transform_0, window_bounds = array<i64: 1000, 256>}, {transform_indices = @transform_1, window_bounds = array<i64: 256, 128>}, {transform_indices = @transform_2, window_bounds = array<i64: 1000, 128>}, {transform_indices = @transform_3, window_bounds = array<i64: 1000, 128>}, {transform_indices = @transform_4, window_bounds = array<i64: 1000, 128>}, {transform_indices = @transform_5, window_bounds = array<i64: 1000, 8>}]} {
    %get3A = arith.constant 0 : index
    %get3A_0 = arith.constant 0 : index
    %get3A_1 = vector.load %arg2[%get3A, %get3A_0] : memref<1000x256xf32, #tpu.memory_space<vmem>>, vector<1000x256xf32>
    %get3A_2 = arith.constant 0 : index
    %get3A_3 = arith.constant 0 : index
    %get3A_4 = vector.load %arg3[%get3A_2, %get3A_3] : memref<256x128xf32, #tpu.memory_space<vmem>>, vector<256x128xf32>
    %dot_general3A = arith.constant dense<0.000000e+00> : vector<1000x128xf32>
    %dot_general3A_5 = tpu.matmul %get3A_1, %get3A_4, %dot_general3A {dimension_numbers = #tpu.dot_dimension_numbers<[1], [0], [0], [1], [0, 0, 1, 1], [], []>, transpose_lhs_hint = false} : vector<1000x256xf32>, vector<256x128xf32>, vector<1000x128xf32> -> vector<1000x128xf32>
    %swap3A = arith.constant 0 : index
    %swap3A_6 = arith.constant 0 : index
    %swap3A_7 = vector.load %arg6[%swap3A, %swap3A_6] : memref<1000x128xf32, #tpu.memory_space<vmem>>, vector<1000x128xf32>
    tpu.vector_store %arg6[%swap3A, %swap3A_6], %dot_general3A_5 {strides = array<i32>} : memref<1000x128xf32, #tpu.memory_space<vmem>>, vector<1000x128xf32>,
    %get3A_8 = arith.constant 0 : index
    %get3A_9 = arith.constant 0 : index
    %get3A_10 = vector.load %arg4[%get3A_8, %get3A_9] : memref<1000x128xf32, #tpu.memory_space<vmem>>, vector<1000x8xf32>
    %get3A_11 = arith.constant 0 : index
    %get3A_12 = arith.constant 0 : index
    %get3A_13 = vector.load %arg5[%get3A_11, %get3A_12] : memref<1000x128xf32, #tpu.memory_space<vmem>>, vector<1000x8xf32>
    %add3A = arith.addf %get3A_10, %get3A_13 : vector<1000x8xf32>
    %max3A = arith.constant 1.000000e+00 : f32
    %max3A_14 = vector.broadcast %max3A : f32 to vector<1000x8xf32>
    %max3A_15 = arith.maximumf %add3A, %max3A_14 : vector<1000x8xf32>
    %div3A = arith.constant 1.000000e+00 : f32
    %div3A_16 = vector.broadcast %div3A : f32 to vector<1000x8xf32>
    %div3A_17 = arith.divf %div3A_16, %max3A_15 : vector<1000x8xf32>
    %swap3A_18 = arith.constant 0 : index
    %swap3A_19 = arith.constant 0 : index
    %swap3A_20 = vector.load %arg7[%swap3A_18, %swap3A_19] : memref<1000x8xf32, #tpu.memory_space<vmem>>, vector<1000x8xf32>
    tpu.vector_store %arg7[%swap3A_18, %swap3A_19], %div3A_17 {strides = array<i32>} : memref<1000x8xf32, #tpu.memory_space<vmem>>, vector<1000x8xf32>,
    return
  }
  func.func @transform_0(%arg0: i32, %arg1: i32) -> (i32, i32) {
    %c0_i32 = arith.constant 0 : i32
    %c0_i32_0 = arith.constant 0 : i32
    return %arg0, %c0_i32 : i32, i32
  }
  func.func @transform_1(%arg0: i32, %arg1: i32) -> (i32, i32) {
    %c0_i32 = arith.constant 0 : i32
    %c0_i32_0 = arith.constant 0 : i32
    return %c0_i32, %arg1 : i32, i32
  }
  func.func @transform_2(%arg0: i32, %arg1: i32) -> (i32, i32) {
    %c0_i32 = arith.constant 0 : i32
    %c0_i32_0 = arith.constant 0 : i32
    return %arg0, %c0_i32 : i32, i32
  }
  func.func @transform_3(%arg0: i32, %arg1: i32) -> (i32, i32) {
    %add3A = arith.constant 10 : i32
    %add3A_0 = arith.addi %add3A, %arg0 : i32
    %c0_i32 = arith.constant 0 : i32
    %c0_i32_1 = arith.constant 0 : i32
    return %add3A_0, %c0_i32 : i32, i32
  }
  func.func @transform_4(%arg0: i32, %arg1: i32) -> (i32, i32) {
    %mul3A = arith.constant 10 : i32
    %mul3A_0 = arith.muli %arg1, %mul3A : i32
    %add3A = arith.addi %mul3A_0, %arg0 : i32
    %c0_i32 = arith.constant 0 : i32
    %c0_i32_1 = arith.constant 0 : i32
    return %add3A, %c0_i32 : i32, i32
  }
  func.func @transform_5(%arg0: i32, %arg1: i32) -> (i32, i32) {
    %c0_i32 = arith.constant 0 : i32
    %c0_i32_0 = arith.constant 0 : i32
    return %arg0, %c0_i32 : i32, i32
  }
}

module attributes {stable_mosaic.version = 14 : i64} {
  func.func @_tc_final_body(%arg0: i32, %arg1: memref<1000x128xf32, #tpu.memory_space<vmem>>, %arg2: memref<1000x128xf32, #tpu.memory_space<vmem>>, %arg3: memref<1000x128xf32, #tpu.memory_space<vmem>>, %arg4: memref<1000x128xf32, #tpu.memory_space<vmem>>, %arg5: memref<1000x8xf32, #tpu.memory_space<vmem>>, %arg6: memref<1x256xf32, #tpu.memory_space<vmem>>, %arg7: memref<1000x256xf32, #tpu.memory_space<vmem>>) attributes {dimension_semantics = [#tpu.dimension_semantics<arbitrary>], iteration_bounds = array<i64: 10>, scalar_prefetch = 0 : i64, scratch_operands = 0 : i64, tpu.core_type = #tpu.core_type<tc>, window_params = [{transform_indices = @transform_0, window_bounds = array<i64: 1000, 128>}, {transform_indices = @transform_1, window_bounds = array<i64: 1000, 128>}, {transform_indices = @transform_2, window_bounds = array<i64: 1000, 128>}, {transform_indices = @transform_3, window_bounds = array<i64: 1000, 128>}, {transform_indices = @transform_4, window_bounds = array<i64: 1000, 8>}, {pipeline_mode = #tpu.pipeline_mode<synchronous>, transform_indices = @transform_5, window_bounds = array<i64: 1, 256>}, {transform_indices = @transform_6, window_bounds = array<i64: 1000, 256>}]} {
    %get3A = arith.constant 0 : index
    %get3A_0 = arith.constant 0 : index
    %get3A_1 = vector.load %arg5[%get3A, %get3A_0] : memref<1000x8xf32, #tpu.memory_space<vmem>>, vector<1000x1xf32>
    %get3A_2 = arith.constant 0 : index
    %get3A_3 = arith.constant 0 : index
    %get3A_4 = vector.load %arg6[%get3A_2, %get3A_3] : memref<1x256xf32, #tpu.memory_space<vmem>>, vector<1x256xf32>
    %get3A_5 = arith.constant 0 : index
    %get3A_6 = arith.constant 0 : index
    %get3A_7 = vector.load %arg1[%get3A_5, %get3A_6] : memref<1000x128xf32, #tpu.memory_space<vmem>>, vector<1000x128xf32>
    %mul3A = vector.broadcast %get3A_1 : vector<1000x1xf32> to vector<1000x128xf32>
    %mul3A_8 = arith.mulf %get3A_7, %mul3A : vector<1000x128xf32>
    %get3A_9 = arith.constant 0 : index
    %get3A_10 = arith.constant 0 : index
    %get3A_11 = vector.load %arg3[%get3A_9, %get3A_10] : memref<1000x128xf32, #tpu.memory_space<vmem>>, vector<1000x128xf32>
    %add3A = arith.addf %mul3A_8, %get3A_11 : vector<1000x128xf32>
    %slice3A = vector.extract_strided_slice %get3A_4 {offsets = [0, 0], sizes = [1, 128], strides = [1, 1]} : vector<1x256xf32> to vector<1x128xf32>
    %add3A_12 = vector.broadcast %slice3A : vector<1x128xf32> to vector<1000x128xf32>
    %add3A_13 = arith.addf %add3A, %add3A_12 : vector<1000x128xf32>
    %swap3A = arith.constant 0 : index
    %swap3A_14 = arith.constant 0 : index
    %swap3A_15 = vector.load %arg7[%swap3A, %swap3A_14] : memref<1000x256xf32, #tpu.memory_space<vmem>>, vector<1000x128xf32>
    tpu.vector_store %arg7[%swap3A, %swap3A_14], %add3A_13 {strides = array<i32>} : memref<1000x256xf32, #tpu.memory_space<vmem>>, vector<1000x128xf32>,
    %get3A_16 = arith.constant 0 : index
    %get3A_17 = arith.constant 0 : index
    %get3A_18 = vector.load %arg2[%get3A_16, %get3A_17] : memref<1000x128xf32, #tpu.memory_space<vmem>>, vector<1000x128xf32>
    %mul3A_19 = vector.broadcast %get3A_1 : vector<1000x1xf32> to vector<1000x128xf32>
    %mul3A_20 = arith.mulf %get3A_18, %mul3A_19 : vector<1000x128xf32>
    %get3A_21 = arith.constant 0 : index
    %get3A_22 = arith.constant 0 : index
    %get3A_23 = vector.load %arg4[%get3A_21, %get3A_22] : memref<1000x128xf32, #tpu.memory_space<vmem>>, vector<1000x128xf32>
    %add3A_24 = arith.addf %mul3A_20, %get3A_23 : vector<1000x128xf32>
    %slice3A_25 = vector.extract_strided_slice %get3A_4 {offsets = [0, 128], sizes = [1, 128], strides = [1, 1]} : vector<1x256xf32> to vector<1x128xf32>
    %add3A_26 = vector.broadcast %slice3A_25 : vector<1x128xf32> to vector<1000x128xf32>
    %add3A_27 = arith.addf %add3A_24, %add3A_26 : vector<1000x128xf32>
    %swap3A_28 = arith.constant 0 : index
    %swap3A_29 = arith.constant 128 : index
    %swap3A_30 = vector.load %arg7[%swap3A_28, %swap3A_29] : memref<1000x256xf32, #tpu.memory_space<vmem>>, vector<1000x128xf32>
    tpu.vector_store %arg7[%swap3A_28, %swap3A_29], %add3A_27 {strides = array<i32>} : memref<1000x256xf32, #tpu.memory_space<vmem>>, vector<1000x128xf32>,
    return
  }
  func.func @transform_0(%arg0: i32) -> (i32, i32) {
    %c0_i32 = arith.constant 0 : i32
    %c0_i32_0 = arith.constant 0 : i32
    return %arg0, %c0_i32 : i32, i32
  }
  func.func @transform_1(%arg0: i32) -> (i32, i32) {
    %add3A = arith.constant 10 : i32
    %add3A_0 = arith.addi %add3A, %arg0 : i32
    %c0_i32 = arith.constant 0 : i32
    %c0_i32_1 = arith.constant 0 : i32
    return %add3A_0, %c0_i32 : i32, i32
  }
  func.func @transform_2(%arg0: i32) -> (i32, i32) {
    %add3A = arith.constant 20 : i32
    %add3A_0 = arith.addi %add3A, %arg0 : i32
    %c0_i32 = arith.constant 0 : i32
    %c0_i32_1 = arith.constant 0 : i32
    return %add3A_0, %c0_i32 : i32, i32
  }
  func.func @transform_3(%arg0: i32) -> (i32, i32) {
    %add3A = arith.constant 30 : i32
    %add3A_0 = arith.addi %add3A, %arg0 : i32
    %c0_i32 = arith.constant 0 : i32
    %c0_i32_1 = arith.constant 0 : i32
    return %add3A_0, %c0_i32 : i32, i32
  }
  func.func @transform_4(%arg0: i32) -> (i32, i32) {
    %c0_i32 = arith.constant 0 : i32
    %c0_i32_0 = arith.constant 0 : i32
    return %arg0, %c0_i32 : i32, i32
  }
  func.func @transform_5(%arg0: i32) -> (i32, i32) {
    %c0_i32 = arith.constant 0 : i32
    %c0_i32_0 = arith.constant 0 : i32
    %c0_i32_1 = arith.constant 0 : i32
    return %c0_i32, %c0_i32_0 : i32, i32
  }
  func.func @transform_6(%arg0: i32) -> (i32, i32) {
    %c0_i32 = arith.constant 0 : i32
    %c0_i32_0 = arith.constant 0 : i32
    return %arg0, %c0_i32 : i32, i32
  }
}

</mosaic_0001>

<sc_bundles>
// kernel: kernel.10.cloned.1.call-start
scs
__scs_entry_jumppad:
0x0: {  	(pc) =	sbr.rel $0x88, $3  }
0x1: {  	(tag) =	ssettag $0x0;
	lr =	simm.s32 $0x1  }
0x2: {  	[smem:$0x3F96] =	sst lr;
	_ =	strace $0xD0000000  }
0x3: {  	_ = 	snop  }
0x4: {  	_ = 	snop  }
0x5: {  	_ = 	snop  }
0x6: {  	_ = 	snop  }
0x7: {  	_ = 	snop  }
__scs_overlays_trampoline_lowered:
0x8: {  	[smem:$0x3FA5] =	sst s0  }
0x9: {  	[smem:$0x3FA6] =	sst s1  }
0xa: {  	[smem:$0x3FA7] =	sst s2  }
0xb: {  	[smem:$0x3FA8] =	sst s3  }
0xc: {  	[smem:$0x3FA9] =	sst s4  }
0xd: {  	[smem:$0x3FAA] =	sst s5  }
0xe: {  	[smem:$0x3FAB] =	sst s6  }
0xf: {  	[smem:$0x3FAC] =	sst s7  }
0x10: {  	[smem:$0x3FAD] =	sst s8  }
0x11: {  	[smem:$0x3FAE] =	sst s9;
	s0 =	simm.s32 @!p0 $0x0  }
0x12: {  	s1 =	sld [smem:$0x3F94];
	s0 =	simm.s32 @p0 $0x1  }
0x13: {  	[smem:$0x3FAF] =	sst s0;
	s0 =	simm.s32 @!p1 $0x0  }
0x14: {  	s2 =	sld [smem:$0x3F93];
	s0 =	simm.s32 @p1 $0x1  }
0x15: {  	[smem:$0x3FB0] =	sst s0;
	s0 =	simm.s32 @!p2 $0x0  }
0x16: {  	s3 =	sld [smem:$0x3FDB];
	s0 =	simm.s32 @p2 $0x1  }
0x17: {  	s4 =	simm.s32 $0x1BF5;
	[smem:$0x3FB2] =	sst s0  }
0x18: {  	s0 =	sld [smem:$0x3F95];
	_ =	swait.ge [sflag:s4], $0x0  }
0x19: {  	s7 =	sld [smem:$0x3F96]  }
0x1a: {  	s8 =	sadd.s32 $0xFFFFE003, lr  }
0x1b: {  	s9 =	sadd.s32 $0xFFFFFEF7, lr;
	s5 =	simm.s32 $0xFFFFFFFF;
	p2 =	slt.u32 s8, $0xFFFFF086  }
0x1c: {  	p1 =	slt.u32 s9, $0xF7A;
	s5 =	simm.s32 @!p2 $0x0  }
0x1d: {  	s5 =	simm.s32 @p1 $0x1;
	p0 =	seq.s32 s7, s2  }
0x1e: {  	s7 =	smul.u32 @!p0 $0xF7A, s2;
	p2 =	seq.s32 @!p0 s5, $0x0  }
0x1f: {  	s9 =	smul.u32 $0xF7A, s1;
	s8 =	simm.s32 @!p0 $0x1BF5;
	p2 =	por !p2, p0  }
0x20: {  	[sflag:s8] =	ssyncset.s32 @!p0 $0xFFFFF086;
	s6 =	sadd.s32 @!p0 s3, s7;
	s7 =	simm.s32 @!p0 $0x108  }
0x21: {  	s3 =	sadd.s32 s3, s9;
	s6 =	sadd.s32 @!p0 $0x88, s6;
	s7 =	simm.s32 @p2 $0x1082  }
0x22: {  	[simem:s7], [sflag:s8] =	dma.local @!p0 [hbm:s6], $0xF7A  }
0x23: {  	s9 =	sor.u32 $0xD0000000, s2;
	s6 =	simm.s32 $0x108;
	_ =	swait.ge @!p0 [sflag:s8], $0x0  }
0x24: {  	s3 =	sadd.s32 $0x88, s3;
	s6 =	simm.s32 @!p1 $0x1082;
	[sflag:s4] =	ssyncset.s32 $0xFFFFF086  }
0x25: {  	[simem:s6], [sflag:s4] =	dma.local [hbm:s3], $0xF7A  }
0x26: {  	[smem:$0x3F96] =	sst s1;
	(tag) =	ssettag s2;
	_ =	strace s9  }
0x27: {  	s1 =	sld [smem:$0x3FA6]  }
0x28: {  	s2 =	sld [smem:$0x3FA7]  }
0x29: {  	s4 =	sld [smem:$0x3FA9]  }
0x2a: {  	p0 =	seq.s32 s5, $0x0;
	s5 =	sld [smem:$0x3FAA]  }
0x2b: {  	s6 =	sld [smem:$0x3FAB]  }
0x2c: {  	s7 =	sld [smem:$0x3FAC]  }
0x2d: {  	s3 =	simm.s32 $0x108;
	s8 =	sld [smem:$0x3FAD]  }
0x2e: {  	s3 =	simm.s32 @!p0 $0x1082;
	s9 =	sld [smem:$0x3FAE]  }
0x2f: {  	lr =	sadd.s32 s0, s3;
	s0 =	sld [smem:$0x3FA5]  }
0x30: {  	s3 =	sld [smem:$0x3FA8]  }
0x31: {  	[smem:$0x3FB1] =	sst s10  }
0x32: {  	s10 =	sld [smem:$0x3FAF];
	_ =	sdelay $0x3  }
0x33: {  	p0 =	seq.s32 s10, $0x1;
	s10 =	sld [smem:$0x3FB1];
	_ =	sdelay $0x3  }
0x34: {  	[smem:$0x3FB1] =	sst s10  }
0x35: {  	s10 =	sld [smem:$0x3FB0];
	_ =	sdelay $0x3  }
0x36: {  	p1 =	seq.s32 s10, $0x1;
	s10 =	sld [smem:$0x3FB1];
	_ =	sdelay $0x3  }
0x37: {  	[smem:$0x3FB1] =	sst s10  }
0x38: {  	s10 =	sld [smem:$0x3FB2]  }
0x39: {  	_ = 	snop;
	(pc) =	sbr.ind lr, $3  }
0x3a: {  	_ = 	snop  }
0x3b: {  	_ = 	snop  }
0x3c: {  	p2 =	seq.s32 s10, $0x1;
	s10 =	sld [smem:$0x3FB1]  }
0x3d: {  	_ =	shalt  }
0x3e: {  	_ =	shalt  }
0x3f: {  	_ =	shalt  }
0x40: {  	_ =	shalt  }
0x41: {  	_ =	shalt  }
0x42: {  	_ =	shalt  }
0x43: {  	_ =	shalt  }
0x44: {  	_ =	shalt  }
0x45: {  	_ =	shalt  }
0x46: {  	_ =	shalt  }
0x47: {  	_ =	shalt  }
0x48: {  	_ =	shalt  }
0x49: {  	_ =	shalt  }
0x4a: {  	_ =	shalt  }
0x4b: {  	_ =	shalt  }
0x4c: {  	_ =	shalt  }
0x4d: {  	_ =	shalt  }
0x4e: {  	_ =	shalt  }
0x4f: {  	_ =	shalt  }
0x50: {  	_ =	shalt  }
0x51: {  	_ =	shalt  }
0x52: {  	_ =	shalt  }
0x53: {  	_ =	shalt  }
0x54: {  	_ =	shalt  }
0x55: {  	_ =	shalt  }
0x56: {  	_ =	shalt  }
0x57: {  	_ =	shalt  }
0x58: {  	_ =	shalt  }
0x59: {  	_ =	shalt  }
0x5a: {  	_ =	shalt  }
0x5b: {  	_ =	shalt  }
0x5c: {  	_ =	shalt  }
0x5d: {  	_ =	shalt  }
0x5e: {  	_ =	shalt  }
0x5f: {  	_ =	shalt  }
0x60: {  	_ =	shalt  }
0x61: {  	_ =	shalt  }
0x62: {  	_ =	shalt  }
0x63: {  	_ =	shalt  }
0x64: {  	_ =	shalt  }
0x65: {  	_ =	shalt  }
0x66: {  	_ =	shalt  }
0x67: {  	_ =	shalt  }
0x68: {  	_ =	shalt  }
0x69: {  	_ =	shalt  }
0x6a: {  	_ =	shalt  }
0x6b: {  	_ =	shalt  }
0x6c: {  	_ =	shalt  }
0x6d: {  	_ =	shalt  }
0x6e: {  	_ =	shalt  }
0x6f: {  	_ =	shalt  }
0x70: {  	_ =	shalt  }
0x71: {  	_ =	shalt  }
0x72: {  	_ =	shalt  }
0x73: {  	_ =	shalt  }
0x74: {  	_ =	shalt  }
0x75: {  	_ =	shalt  }
0x76: {  	_ =	shalt  }
0x77: {  	_ =	shalt  }
0x78: {  	_ =	shalt  }
0x79: {  	_ =	shalt  }
0x7a: {  	_ =	shalt  }
0x7b: {  	_ =	shalt  }
0x7c: {  	_ =	shalt  }
0x7d: {  	_ =	shalt  }
0x7e: {  	_ =	shalt  }
0x7f: {  	_ =	shalt  }
0x80: {  	_ =	shalt  }
0x81: {  	_ =	shalt  }
0x82: {  	_ =	shalt  }
0x83: {  	_ =	shalt  }
0x84: {  	_ =	shalt  }
0x85: {  	_ =	shalt  }
0x86: {  	_ =	shalt  }
0x87: {  	_ =	shalt  }
.Lfunc_end0:
.L_simem_size_0:
called_computation_lowered:
.L_overlay_start_0:
0x88: {  	s2 =	sld [smem:$0x3FD9]  }
0x89: {  	s3 =	sld [smem:$0x3FFE];
	_ =	sdelay $0x1  }
0x8a: {  	s1 =	srdreg.scid  }
0x8b: {  	s0 =	sand.u32 $0x1, s1  }
0x8c: {  	s17 =	sshll.u32 s0, $0xA;
	s2 =	sadd.s32 s3, s2  }
0x8d: {  	s2 =	sadd.s32 s2, s17  }
0x8e: {  	[smem:$0x3FBD] =	sst s2  }
0x8f: {  	_ = 	snop  }
0x90: {  	s2 =	sld [smem:$0x3FD0];
	(tm) =	ssettm $0x1  }
0x91: {  	s18 =	sld [smem:$0x3FFB];
	_ =	sdelay $0x3  }
0x92: {  	_ =	strace s18  }
0x93: {  	s3 =	sld [smem:$0x3FFC];
	_ =	sdelay $0x3  }
0x94: {  	_ =	strace s3  }
0x95: {  	s3 =	sld [smem:$0x3FFD];
	_ =	sdelay $0x3  }
0x96: {  	_ =	strace s3  }
0x97: {  	_ =	strace $0x8FFFFFFF  }
0x98: {  	s19 =	sld [smem:$0x3FDB];
	_ =	sdelay $0x1  }
0x99: {  	s4 =	simm.s32 $_scs_section_size  }
0x9a: {  	s5 =	simm.s32 $_size__tile_overlayer_lowered;
	s6 =	simm.s32 $_tile_overlayer_lowered  }
0x9b: {  	s22 =	simm.s32 $0x1BFF;
	s21 =	sshll.u32 s6, $0x1;
	s3 =	sadd.s32 s4, s19  }
0x9c: {  	s7 =	simm.s32 $0x0;
	s20 =	sshll.u32 s5, $0x1;
	s5 =	sadd.s32 s21, s3  }
0x9d: {  	[timem:s7], [sflag:s22] =	dma.local [hbm:s5], s20  }
0x9e: {  	_ =	swait.ge [sflag:s22], s20  }
0x9f: {  	s4 =	ssub.s32 $0x0, s20;
	[sflag:s22] =	ssyncset.done $0x0  }
0xa0: {  	[sflag:s22] =	ssyncadd.s32 s4;
	_ =	sdelay $0x1  }
0xa1: {  	s23 =	simm.s32 $0x1B8B  }
0xa2: {  	_ =	swait.ge [sflag:s23], $0x1  }
0xa3: {  	[sflag:s23] =	ssyncset.done $0x0  }
0xa4: {  	s25 =	simm.s32 $0x1B8E;
	s24 =	sld [smem:$0x3FFE];
	[sflag:s23] =	ssyncadd.s32 $0xFFFFFFFF  }
0xa5: {  	s26 =	simm.s32 $execute0_lowered;
	[smem:$0x3FD2] =	sst s25  }
0xa6: {  	s5 =	sshll.u32 s26, $0x1;
	_ =	strace $0x80000046;
	[dreg:$0x1] =	wrdreg $0xFFFFFFFF  }
0xa7: {  	s28 =	simm.s32 $_size_execute0_lowered;
	s3 =	sadd.s32 s3, s5;
	[dreg:$0x0] =	wrdreg $0x0  }
0xa8: {  	s5 =	sshll.u32 s28, $0x1;
	[dreg:$0x2] =	wrdreg s3  }
0xa9: {  	[dreg:$0x3] =	wrdreg s5  }
0xaa: {  	[dreg:$0x4] =	wrdreg $0xC0  }
0xab: {  	_ =	task [dreg:s7], $0x5FFFF  }
0xac: {  	[dreg:$0x1] =	wrdreg $0xFFFFFFFF  }
0xad: {  	[dreg:$0x0] =	wrdreg $0x60  }
0xae: {  	[dreg:$0x2] =	wrdreg s24  }
0xaf: {  	[dreg:$0x3] =	wrdreg s2  }
0xb0: {  	[dreg:$0x4] =	wrdreg $0x69800  }
0xb1: {  	[dreg:$0x5] =	wrdreg $0x9  }
0xb2: {  	_ =	task.clear_ibuf [dreg:s7], $0x6FFFF;
	_ =	strace $0x90000046  }
0xb3: {  	s29 =	simm.s32 $0x9;
	_ =	strace $0x80000048  }
0xb4: {  	_ =	swait.ge [sflag:s29], $0x1  }
0xb5: {  	[sflag:s29] =	ssyncadd.s32 $0xFFFFFFFF  }
0xb6: {  	_ =	strace $0x90000048  }
0xb7: {  	_ =	sfence  }
0xb8: {  	s30 =	sld [smem:$0x0];
	_ =	sdelay $0x2  }
0xb9: {  	s31 =	sshll.u32 s1, $0xD;
	s1 =	sshrl.u32 s1, $0x2  }
0xba: {  	s3 =	sand.u32 $0x4000, s31;
	s1 =	sadd.s32 s1, s30  }
0xbb: {  	s0 =	sor.u32 s3, s0;
	s1 =	sshll.u32 s1, $0x11  }
0xbc: {  	s0 =	sor.u32 s1, s0  }
0xbd: {  	s0 =	sadd.s32 $0x8F2B, s0  }
0xbe: {  	[sflag:s0] =	ssyncadd.remote.s32 $0x1  }
0xbf: {  	_ =	sfence.sel $0xFFFF  }
0xc0: {  	[dreg:$0x0] =	wrdreg $0xFFFFFFFF;
	(pc) =	sbr.abs _section_cstart, $3  }
0xc1: {  	[dreg:$0x1] =	wrdreg $0xFFFFFFFF  }
0xc2: {  	_ =	task.clear_ibuf [dreg:s7], $0x2FFFF;
	_ =	strace $0x9FFFFFFF  }
0xc3: {  	(tm) =	ssettm $0x7FFFFFFF  }
tec
execute0_lowered:
.L_overlay_start_1:
0x0: {  	(tag) =	ssettag $0x1  }
0x1: {  	s4 =	rddreg [dreg:$0x0]  }
0x2: {  	s13 =	rddreg [dreg:$0x1]  }
0x3: {  	s1 =	rddreg [dreg:$0x2];
	s2 =	srdreg.scid  }
0x4: {  	s3 =	simm.s32 $0x0;
	s20 =	simm.s32 $0x2;
	s21 =	simm.s32 $0x3  }
0x5: {  	s22 =	simm.s32 $0x4;
	s23 =	simm.s32 $0x100;
	s24 =	simm.s32 $0x8  }
0x6: {  	s25 =	simm.s32 $0x6;
	s8 =	sand.u32 $0x1, s2;
	s2 =	stileid.u32  }
0x7: {  	s26 =	simm.s32 $0x0;
	[smem:$0x7FF] =	sst s3;
	s7 =	smul.u32 $0x7D, s2  }
0x8: {  	s4 =	sadd.s32 $0x2E00, s4;
	s5 =	sshll.u32 s8, $0x4;
	s10 =	smul.u32 $0x13880, s8  }
0x9: {  	s6 =	ssub.s32 $0x2, s8;
	_ =	strace $0x80000047;
	s11 =	smul.u32 $0x1388, s2  }
0xa: {  	s14 =	smul.u32 $0x27100, s8;
	s5 =	sor.u32 s2, s5;
	s9 =	sshrl.u32 s6, $0x1  }
0xb: {  	s5 =	smul.u32 $0x1388, s5;
	s9 =	ssub.s32 s6, s9;
	s15 =	sshrl.u32 s7, $0x4  }
0xc: {  	s31 =	sadd.s32 $0x7D, s7;
	s17 =	sadd.s32 s11, s10;
	s14 =	sadd.s32 s14, s13  }
0xd: {  	s16 =	sshrl.u32 s31, $0x4;
	s12 =	smul.u32 $0xA000, s15;
	s9 =	smax.u32 s9, $0x1  }
0xe: {  	s11 =	sadd.s32 $0x180, s17;
	s19 =	smul.u32 $0x500, s15;
	s13 =	sadd.s32 $0x100, s17  }
0xf: {  	s17 =	simm.s32 $0x1;
	s5 =	sshrl.u32 s5, $0x3;
	s10 =	ssub.s32 s16, s15  }
.Ltmp0:
0x10: {  	s18 =	sshrl.u32 s11, $0x3;
	p0 =	sle.u32 s16, s15;
	(pc) =	sbr.rel .LBB2_1-.Ltmp0, $4  }
0x11: {  	s15 =	simm.s32 $0x4180;
	s16 =	simm.s32 $0x5;
	s5 =	sadd.s32 s4, s5  }
0x12: {  	s12 =	sshrl.u32 s12, $0x2;
	s14 =	sadd.s32 s19, s14;
	s19 =	simm.s32 $0x180  }
0x13: {  	s6 =	sadd.s32 $0x10, s5;
	s7 =	sadd.s32 $0x260, s5;
	s8 =	sadd.s32 $0x270, s5  }
0x14: {  	v0 =	vimm.f32 $0.0e+00;
	v1 =	vimm.f32 $1.000000000e+00;
	s11 =	sadd.s32 s12, s1;
	s12 =	sadd.s32 s18, s4;
	s18 =	simm.s32 $0x80  }
.LBB2_18:
0x15: {  	[sflag:s16] =	ssyncadd.s32 $0xFFFFFB00  }
.LBB2_19:
0x16: {  	s26 =	sadd.s32 $0x1, s26  }
0x17: {  	p1 =	sne.s32 s26, s9  }
.Ltmp1:
0x18: {  	_ = 	snop;
	(pc) =	sbr.rel @!p1 .LBB2_20-.Ltmp1, $1  }
0x19: {  	_ =	sdelay $0x3  }
.LBB2_1:
0x1a: {  	s28 =	simm.s32 $0x0;
	s29 =	simm.s32 $0x0  }
.LBB2_2:
0x1b: {  	p1 =	sne.s32 s29, $0x9FC0  }
.Ltmp2:
0x1c: {  	_ = 	snop;
	(pc) =	sbr.rel @p1 .LBB2_2-.Ltmp2, $4  }
0x1d: {  	s30 =	sand.u32 $0xFE00, s29  }
0x1e: {  	s31 =	sand.u32 $0x70, s28;
	s30 =	sshrl.u32 s30, $0x2  }
0x1f: {  	s30 =	sor.u32 s31, s30  }
0x20: {  	s28 =	sadd.s32 $0x10, s28;
	s29 =	sadd.s32 $0x40, s29;
	[tilespmem:s30+$0x4180] =	vst v0  }
0x21: {  	s28 =	simm.s32 $0x0  }
0x22: {  	s29 =	sand.u32 $0xFE00, s28  }
0x23: {  	s30 =	sand.u32 $0x70, s28;
	s31 =	sshrl.u32 s29, $0x2  }
0x24: {  	s29 =	simm.s32 $0x40;
	s30 =	sor.u32 s30, s31  }
.LBB2_4:
0x25: {  	p1 =	sne.s32 s29, $0xFFC0  }
0x26: {  	[tilespmem:s30+$0x180] =	vst v1;
	s28 =	sadd.s32 $0x10, s28;
	s30 =	smov.u32 s29;
	s29 =	sadd.s32 $0x40, s29  }
.Ltmp3:
0x27: {  	(pc) =	sbr.rel @p1 .LBB2_4-.Ltmp3, $4  }
0x28: {  	_ = 	snop  }
0x29: {  	s30 =	sand.u32 $0xFE00, s30  }
0x2a: {  	s31 =	sand.u32 $0x70, s28;
	s30 =	sshrl.u32 s30, $0x2  }
0x2b: {  	s30 =	sor.u32 s31, s30  }
.Ltmp4:
0x2c: {  	(pc) =	sbr.rel @p0 .LBB2_11-.Ltmp4, $2  }
0x2d: {  	_ =	sdelay $0x2  }
0x2e: {  	[tilespmem:s30+$0x180] =	vst v1  }
0x2f: {  	p1 =	sne.s32 s10, $0x1  }
.Ltmp5:
0x30: {  	_ = 	snop;
	(pc) =	sbr.rel @!p1 .LBB2_8-.Ltmp5, $3  }
0x31: {  	_ =	sdelay $0x1  }
0x32: {  	[spmem:s11] =	stream.linear.scatter [tilespmem:s15], [sflag:$0x5], $0x2800, $0x38;
	[tilespmem:$0x1A200] =	vst v63  }
0x33: {  	s28 =	sadd.s32 $0xFFFFFFFF, s10;
	s29 =	smov.u32 s11  }
.LBB2_7:
0x34: {  	p1 =	sne.s32 s28, $0x1  }
.Ltmp6:
0x35: {  	_ = 	snop;
	(pc) =	sbr.rel @p1 .LBB2_7-.Ltmp6, $3  }
0x36: {  	_ = 	snop  }
0x37: {  	s28 =	sadd.s32 $0xFFFFFFFF, s28;
	s29 =	sadd.s32 $0x2800, s29;
	_ =	sdelay $0x1  }
0x38: {  	[spmem:s29] =	stream.linear.scatter [tilespmem:s15], [sflag:$0x5], $0x2800, $0x38;
	[tilespmem:$0x1A200] =	vst v63  }
.LBB2_8:
0x39: {  	p1 =	sne.s32 s10, $0x1  }
.Ltmp7:
0x3a: {  	_ = 	snop;
	(pc) =	sbr.rel @!p1 .LBB2_10-.Ltmp7, $3  }
0x3b: {  	_ =	sdelay $0x1  }
0x3c: {  	_ =	swait.ge [sflag:s16], $0x2800  }
0x3d: {  	s28 =	sadd.s32 $0xFFFFFFFF, s10;
	[sflag:s16] =	ssyncset.done $0x0  }
.LBB2_9:
0x3e: {  	p1 =	sne.s32 s28, $0x1;
	s28 =	sadd.s32 $0xFFFFFFFF, s28;
	[sflag:s16] =	ssyncadd.s32 $0xFFFFD800  }
.Ltmp8:
0x3f: {  	(pc) =	sbr.rel @p1 .LBB2_9-.Ltmp8, $3  }
0x40: {  	_ =	sdelay $0x1  }
0x41: {  	_ =	swait.ge [sflag:s16], $0x2800  }
0x42: {  	[sflag:s16] =	ssyncset.done $0x0  }
.LBB2_10:
0x43: {  	[sflag:s16] =	ssyncadd.s32 $0xFFFFD800  }
.LBB2_11:
0x44: {  	[bflag:$0x0] =	sbarrier.arrive $0xFFFF;
	s28 =	simm.s32 $0x0  }
0x45: {  	[tilespmem:s28], [sflag:$0x1] =	stream.linear.gather [hbm4b:s5+s28], $0x80, $0x38;
	[tilespmem:$0x1A200] =	vst v63  }
0x46: {  	_ =	swait.ge [sflag:s17], $0x80  }
0x47: {  	[sflag:s17] =	ssyncset.done $0x0  }
0x48: {  	[sflag:s17] =	ssyncadd.s32 $0xFFFFFF80  }
0x49: {  	[spmem:s1] =	stream.indirect.scatter.add.f32 [tilespmem:s19], [sflag:$0x3], $0x80, s28, s18, $0xb8;
	[tilespmem:$0x1A200] =	vst v63  }
0x4a: {  	_ = 	snop  }
0x4b: {  	[tilespmem:s18], [sflag:$0x2] =	stream.linear.gather [hbm4b:s6+s28], $0x80, $0x38;
	[tilespmem:$0x1A200] =	vst v63  }
0x4c: {  	_ =	swait.ge [sflag:s20], $0x80  }
0x4d: {  	[sflag:s20] =	ssyncset.done $0x0  }
0x4e: {  	[sflag:s20] =	ssyncadd.s32 $0xFFFFFF80  }
0x4f: {  	[spmem:s1] =	stream.indirect.scatter.add.f32 [tilespmem:s19], [sflag:$0x4], $0x80, s18, s18, $0xb8;
	[tilespmem:$0x1A200] =	vst v63  }
0x50: {  	_ =	swait.ge [sflag:s21], $0x4000  }
0x51: {  	s28 =	sshrl.u32 s13, $0x3;
	[sflag:s21] =	ssyncset.done $0x0  }
0x52: {  	s28 =	sadd.s32 s4, s28;
	[sflag:s21] =	ssyncadd.s32 $0xFFFFC000  }
0x53: {  	[tilespmem:s3], [sflag:$0x1] =	stream.linear.gather [hbm4b:s28+s3], $0x80, $0x38;
	[tilespmem:$0x1A200] =	vst v63  }
0x54: {  	_ =	swait.ge [sflag:s17], $0x80  }
0x55: {  	[sflag:s17] =	ssyncset.done $0x0  }
0x56: {  	[sflag:s17] =	ssyncadd.s32 $0xFFFFFF80  }
0x57: {  	[spmem:s1] =	stream.indirect.scatter.add.f32 [tilespmem:s19], [sflag:$0x3], $0x80, s3, s18, $0xb8;
	[tilespmem:$0x1A200] =	vst v63  }
0x58: {  	_ =	swait.ge [sflag:s22], $0x4000  }
0x59: {  	s30 =	sadd.s32 $0x0, s12;
	[sflag:s22] =	ssyncset.done $0x0  }
0x5a: {  	s29 =	sadd.s32 $0x100, s13;
	s28 =	simm.s32 $0x20;
	[sflag:s22] =	ssyncadd.s32 $0xFFFFC000  }
.LBB2_12:
0x5b: {  	[tilespmem:s18], [sflag:$0x2] =	stream.linear.gather [hbm4b:s30+s3], $0x80, $0x38;
	[tilespmem:$0x1A200] =	vst v63  }
0x5c: {  	s30 =	smov.u32 s28  }
0x5d: {  	p1 =	sne.s32 s28, $0x220;
	s28 =	sadd.s32 $0x20, s28;
	_ =	swait.ge [sflag:s20], $0x80  }
0x5e: {  	[sflag:s20] =	ssyncset.done $0x0  }
0x5f: {  	[sflag:s20] =	ssyncadd.s32 $0xFFFFFF80  }
0x60: {  	[spmem:s1] =	stream.indirect.scatter.add.f32 [tilespmem:s19], [sflag:$0x4], $0x80, s18, s18, $0xb8;
	[tilespmem:$0x1A200] =	vst v63  }
0x61: {  	_ =	swait.ge [sflag:s21], $0x4000  }
0x62: {  	s31 =	sshrl.u32 s29, $0x3;
	[sflag:s21] =	ssyncset.done $0x0  }
0x63: {  	s31 =	sadd.s32 s4, s31;
	[sflag:s21] =	ssyncadd.s32 $0xFFFFC000  }
0x64: {  	[tilespmem:s3], [sflag:$0x1] =	stream.linear.gather [hbm4b:s31+s3], $0x80, $0x38;
	[tilespmem:$0x1A200] =	vst v63  }
0x65: {  	_ =	swait.ge [sflag:s17], $0x80  }
0x66: {  	[sflag:s17] =	ssyncset.done $0x0  }
.Ltmp9:
0x67: {  	[sflag:s17] =	ssyncadd.s32 $0xFFFFFF80;
	(pc) =	sbr.rel @p1 .LBB2_12-.Ltmp9, $4  }
0x68: {  	[spmem:s1] =	stream.indirect.scatter.add.f32 [tilespmem:s19], [sflag:$0x3], $0x80, s3, s18, $0xb8;
	[tilespmem:$0x1A200] =	vst v63  }
0x69: {  	_ =	swait.ge [sflag:s22], $0x4000  }
0x6a: {  	[sflag:s22] =	ssyncset.done $0x0  }
0x6b: {  	s29 =	sadd.s32 $0x100, s29;
	s30 =	sadd.s32 s30, s12;
	[sflag:s22] =	ssyncadd.s32 $0xFFFFC000  }
0x6c: {  	[tilespmem:s18], [sflag:$0x2] =	stream.linear.gather [hbm4b:s30+s3], $0x80, $0x38;
	[tilespmem:$0x1A200] =	vst v63  }
0x6d: {  	_ =	swait.ge [sflag:s20], $0x80  }
0x6e: {  	[sflag:s20] =	ssyncset.done $0x0  }
0x6f: {  	[sflag:s20] =	ssyncadd.s32 $0xFFFFFF80  }
0x70: {  	[spmem:s1] =	stream.indirect.scatter.add.f32 [tilespmem:s19], [sflag:$0x4], $0x80, s18, s18, $0xb8;
	[tilespmem:$0x1A200] =	vst v63  }
0x71: {  	_ =	swait.ge [sflag:s21], $0x4000  }
0x72: {  	[sflag:s21] =	ssyncset.done $0x0  }
0x73: {  	[sflag:s21] =	ssyncadd.s32 $0xFFFFC000  }
0x74: {  	[tilespmem:s3], [sflag:$0x1] =	stream.linear.gather [hbm4b:s7+s3], $0x80, $0x38;
	[tilespmem:$0x1A200] =	vst v63  }
0x75: {  	_ =	swait.ge [sflag:s17], $0x80  }
0x76: {  	[sflag:s17] =	ssyncset.done $0x0  }
0x77: {  	[sflag:s17] =	ssyncadd.s32 $0xFFFFFF80  }
0x78: {  	[spmem:s1] =	stream.indirect.scatter.add.f32 [tilespmem:s19], [sflag:$0x3], $0x80, s3, s18, $0xb8;
	[tilespmem:$0x1A200] =	vst v63  }
0x79: {  	_ =	swait.ge [sflag:s22], $0x4000  }
0x7a: {  	[sflag:s22] =	ssyncset.done $0x0  }
0x7b: {  	[sflag:s22] =	ssyncadd.s32 $0xFFFFC000  }
0x7c: {  	[tilespmem:s23], [sflag:$0x1] =	stream.linear.gather [hbm4b:s8+s3], $0x8, $0x38;
	[tilespmem:$0x1A200] =	vst v63  }
0x7d: {  	_ =	swait.ge [sflag:s17], $0x8  }
0x7e: {  	[sflag:s17] =	ssyncset.done $0x0  }
0x7f: {  	[sflag:s17] =	ssyncadd.s32 $0xFFFFFFF8  }
0x80: {  	[spmem:s1] =	stream.indirect.scatter.add.f32 [tilespmem:s19], [sflag:$0x6], $0x80, s23, s24, $0xb8;
	[tilespmem:$0x1A200] =	vst v63  }
0x81: {  	_ =	swait.ge [sflag:s25], $0x400  }
0x82: {  	[sflag:s25] =	ssyncset.done $0x0  }
0x83: {  	[sflag:s25] =	ssyncadd.s32 $0xFFFFFC00  }
.Ltmp10:
0x84: {  	_ =	swait.ge [sflag:s21], $0x4000;
	(pc) =	sbr.rel @p0 .LBB2_19-.Ltmp10, $3  }
0x85: {  	[sflag:s21] =	ssyncset.done $0x0  }
0x86: {  	[sflag:s21] =	ssyncadd.s32 $0xFFFFC000  }
0x87: {  	[bflag:$0x0] =	sbarrier.arrive $0xFFFF;
	_ =	sdelay $0x1  }
0x88: {  	p1 =	sne.s32 s10, $0x1  }
.Ltmp11:
0x89: {  	_ = 	snop;
	(pc) =	sbr.rel @!p1 .LBB2_16-.Ltmp11, $4  }
0x8a: {  	s28 =	sshll.u32 s2, $0x6  }
0x8b: {  	s29 =	sshrl.u32 s11, $0x3;
	s28 =	sor.u32 $0x1C05, s28  }
0x8c: {  	[hbm:s14], [sflag:s28] =	dma.local [spmem:s29], $0x500  }
0x8d: {  	s30 =	sadd.s32 $0x2800, s11;
	s31 =	smov.u32 s14;
	s29 =	sadd.s32 $0xFFFFFFFF, s10  }
.LBB2_15:
0x8e: {  	p1 =	sne.s32 s29, $0x1;
	s29 =	sadd.s32 $0xFFFFFFFF, s29  }
.Ltmp12:
0x8f: {  	s0 =	sshrl.u32 s30, $0x3;
	s31 =	sadd.s32 $0x500, s31;
	(pc) =	sbr.rel @p1 .LBB2_15-.Ltmp12, $3  }
0x90: {  	[hbm:s31], [sflag:s28] =	dma.local [spmem:s0], $0x500  }
0x91: {  	_ =	sdelay $0x1  }
0x92: {  	s30 =	sadd.s32 $0x2800, s30  }
.LBB2_16:
0x93: {  	p1 =	sne.s32 s10, $0x1  }
.Ltmp13:
0x94: {  	_ = 	snop;
	(pc) =	sbr.rel @!p1 .LBB2_18-.Ltmp13, $3  }
0x95: {  	_ =	sdelay $0x1  }
0x96: {  	_ =	swait.ge [sflag:s16], $0x500  }
0x97: {  	s28 =	sadd.s32 $0xFFFFFFFF, s10;
	[sflag:s16] =	ssyncset.done $0x0  }
.LBB2_17:
0x98: {  	p1 =	sne.s32 s28, $0x1;
	s28 =	sadd.s32 $0xFFFFFFFF, s28;
	[sflag:s16] =	ssyncadd.s32 $0xFFFFFB00  }
.Ltmp14:
0x99: {  	(pc) =	sbr.rel @p1 .LBB2_17-.Ltmp14, $3  }
0x9a: {  	_ =	sdelay $0x1  }
0x9b: {  	_ =	swait.ge [sflag:s16], $0x500  }
0x9c: {  	[sflag:s16] =	ssyncset.done $0x0  }
.Ltmp15:
0x9d: {  	_ = 	snop;
	(pc) =	sbr.rel .LBB2_18-.Ltmp15, $1  }
0x9e: {  	_ =	sdelay $0x3  }
.LBB2_20:
0x9f: {  	_ =	sfence.sel $0x180000  }
0xa0: {  	[bflag:$0x0] =	sbarrier.arrive $0xFFFF  }
0xa1: {  	_ =	strace $0x90000047  }
0xa2: {  	[bflag:$0x2] =	sbarrier.arrive $0xFFFF  }
0xa3: {  	p0 =	sne.s32 s2, $0x0;
	s0 =	rddreg [dreg:$0x3]  }
0xa4: {  	s0 =	sadd.s32 @!p0 $0x100000, s0  }
0xa5: {  	[sflag:s0] =	ssyncadd.tile.s32 @!p0 $0x1;
	_ =	shalt  }
.Lfunc_end2:
_tile_overlayer_lowered:
.L_overlay_start_2:
0xa6: {  	(tag) =	ssettag $0x2  }
0xa7: {  	s0 =	rddreg [dreg:$0x0];
	s2 =	stileid.u32  }
0xa8: {  	s1 =	rddreg [dreg:$0x1];
	p0 =	sne.s32 s2, $0x0  }
0xa9: {  	s3 =	rddreg [dreg:$0x2];
	[bflag:$0x3] =	sbarrier.arrive $0xFFFF;
	s2 =	simm.s32 @!p0 $0x1C06  }
0xaa: {  	[timem:s3], [sflag:s2] =	dma.local @!p0 [hbm:s0], s1  }
0xab: {  	s0 =	simm.s32 @!p0 $0x6  }
0xac: {  	_ =	swait.ge @!p0 [sflag:s0], s1  }
0xad: {  	s1 =	ssub.s32 @!p0 $0x0, s1;
	[sflag:s0] =	ssyncset.done @!p0 $0x0  }
0xae: {  	[sflag:s0] =	ssyncadd.s32 @!p0 s1  }
0xaf: {  	[bflag:$0x3] =	sbarrier.arrive $0xFFFF  }
0xb0: {  	_ =	shalt  }

// kernel: kernel.13.cloned.1.call-start
scs
__scs_entry_jumppad:
0x0: {  	(pc) =	sbr.rel $0x88, $3  }
0x1: {  	(tag) =	ssettag $0x0;
	lr =	simm.s32 $0x1  }
0x2: {  	[smem:$0x3F96] =	sst lr;
	_ =	strace $0xD0000000  }
0x3: {  	_ = 	snop  }
0x4: {  	_ = 	snop  }
0x5: {  	_ = 	snop  }
0x6: {  	_ = 	snop  }
0x7: {  	_ = 	snop  }
__scs_overlays_trampoline_lowered:
0x8: {  	[smem:$0x3FA5] =	sst s0  }
0x9: {  	[smem:$0x3FA6] =	sst s1  }
0xa: {  	[smem:$0x3FA7] =	sst s2  }
0xb: {  	[smem:$0x3FA8] =	sst s3  }
0xc: {  	[smem:$0x3FA9] =	sst s4  }
0xd: {  	[smem:$0x3FAA] =	sst s5  }
0xe: {  	[smem:$0x3FAB] =	sst s6  }
0xf: {  	[smem:$0x3FAC] =	sst s7  }
0x10: {  	[smem:$0x3FAD] =	sst s8  }
0x11: {  	[smem:$0x3FAE] =	sst s9;
	s0 =	simm.s32 @!p0 $0x0  }
0x12: {  	s1 =	sld [smem:$0x3F94];
	s0 =	simm.s32 @p0 $0x1  }
0x13: {  	[smem:$0x3FAF] =	sst s0;
	s0 =	simm.s32 @!p1 $0x0  }
0x14: {  	s2 =	sld [smem:$0x3F93];
	s0 =	simm.s32 @p1 $0x1  }
0x15: {  	[smem:$0x3FB0] =	sst s0;
	s0 =	simm.s32 @!p2 $0x0  }
0x16: {  	s3 =	sld [smem:$0x3FDB];
	s0 =	simm.s32 @p2 $0x1  }
0x17: {  	s4 =	simm.s32 $0x1BF5;
	[smem:$0x3FB2] =	sst s0  }
0x18: {  	s0 =	sld [smem:$0x3F95];
	_ =	swait.ge [sflag:s4], $0x0  }
0x19: {  	s7 =	sld [smem:$0x3F96]  }
0x1a: {  	s8 =	sadd.s32 $0xFFFFE003, lr  }
0x1b: {  	s9 =	sadd.s32 $0xFFFFFEF7, lr;
	s5 =	simm.s32 $0xFFFFFFFF;
	p2 =	slt.u32 s8, $0xFFFFF086  }
0x1c: {  	p1 =	slt.u32 s9, $0xF7A;
	s5 =	simm.s32 @!p2 $0x0  }
0x1d: {  	s5 =	simm.s32 @p1 $0x1;
	p0 =	seq.s32 s7, s2  }
0x1e: {  	s7 =	smul.u32 @!p0 $0xF7A, s2;
	p2 =	seq.s32 @!p0 s5, $0x0  }
0x1f: {  	s9 =	smul.u32 $0xF7A, s1;
	s8 =	simm.s32 @!p0 $0x1BF5;
	p2 =	por !p2, p0  }
0x20: {  	[sflag:s8] =	ssyncset.s32 @!p0 $0xFFFFF086;
	s6 =	sadd.s32 @!p0 s3, s7;
	s7 =	simm.s32 @!p0 $0x108  }
0x21: {  	s3 =	sadd.s32 s3, s9;
	s6 =	sadd.s32 @!p0 $0x88, s6;
	s7 =	simm.s32 @p2 $0x1082  }
0x22: {  	[simem:s7], [sflag:s8] =	dma.local @!p0 [hbm:s6], $0xF7A  }
0x23: {  	s9 =	sor.u32 $0xD0000000, s2;
	s6 =	simm.s32 $0x108;
	_ =	swait.ge @!p0 [sflag:s8], $0x0  }
0x24: {  	s3 =	sadd.s32 $0x88, s3;
	s6 =	simm.s32 @!p1 $0x1082;
	[sflag:s4] =	ssyncset.s32 $0xFFFFF086  }
0x25: {  	[simem:s6], [sflag:s4] =	dma.local [hbm:s3], $0xF7A  }
0x26: {  	[smem:$0x3F96] =	sst s1;
	(tag) =	ssettag s2;
	_ =	strace s9  }
0x27: {  	s1 =	sld [smem:$0x3FA6]  }
0x28: {  	s2 =	sld [smem:$0x3FA7]  }
0x29: {  	s4 =	sld [smem:$0x3FA9]  }
0x2a: {  	p0 =	seq.s32 s5, $0x0;
	s5 =	sld [smem:$0x3FAA]  }
0x2b: {  	s6 =	sld [smem:$0x3FAB]  }
0x2c: {  	s7 =	sld [smem:$0x3FAC]  }
0x2d: {  	s3 =	simm.s32 $0x108;
	s8 =	sld [smem:$0x3FAD]  }
0x2e: {  	s3 =	simm.s32 @!p0 $0x1082;
	s9 =	sld [smem:$0x3FAE]  }
0x2f: {  	lr =	sadd.s32 s0, s3;
	s0 =	sld [smem:$0x3FA5]  }
0x30: {  	s3 =	sld [smem:$0x3FA8]  }
0x31: {  	[smem:$0x3FB1] =	sst s10  }
0x32: {  	s10 =	sld [smem:$0x3FAF];
	_ =	sdelay $0x3  }
0x33: {  	p0 =	seq.s32 s10, $0x1;
	s10 =	sld [smem:$0x3FB1];
	_ =	sdelay $0x3  }
0x34: {  	[smem:$0x3FB1] =	sst s10  }
0x35: {  	s10 =	sld [smem:$0x3FB0];
	_ =	sdelay $0x3  }
0x36: {  	p1 =	seq.s32 s10, $0x1;
	s10 =	sld [smem:$0x3FB1];
	_ =	sdelay $0x3  }
0x37: {  	[smem:$0x3FB1] =	sst s10  }
0x38: {  	s10 =	sld [smem:$0x3FB2]  }
0x39: {  	_ = 	snop;
	(pc) =	sbr.ind lr, $3  }
0x3a: {  	_ = 	snop  }
0x3b: {  	_ = 	snop  }
0x3c: {  	p2 =	seq.s32 s10, $0x1;
	s10 =	sld [smem:$0x3FB1]  }
0x3d: {  	_ =	shalt  }
0x3e: {  	_ =	shalt  }
0x3f: {  	_ =	shalt  }
0x40: {  	_ =	shalt  }
0x41: {  	_ =	shalt  }
0x42: {  	_ =	shalt  }
0x43: {  	_ =	shalt  }
0x44: {  	_ =	shalt  }
0x45: {  	_ =	shalt  }
0x46: {  	_ =	shalt  }
0x47: {  	_ =	shalt  }
0x48: {  	_ =	shalt  }
0x49: {  	_ =	shalt  }
0x4a: {  	_ =	shalt  }
0x4b: {  	_ =	shalt  }
0x4c: {  	_ =	shalt  }
0x4d: {  	_ =	shalt  }
0x4e: {  	_ =	shalt  }
0x4f: {  	_ =	shalt  }
0x50: {  	_ =	shalt  }
0x51: {  	_ =	shalt  }
0x52: {  	_ =	shalt  }
0x53: {  	_ =	shalt  }
0x54: {  	_ =	shalt  }
0x55: {  	_ =	shalt  }
0x56: {  	_ =	shalt  }
0x57: {  	_ =	shalt  }
0x58: {  	_ =	shalt  }
0x59: {  	_ =	shalt  }
0x5a: {  	_ =	shalt  }
0x5b: {  	_ =	shalt  }
0x5c: {  	_ =	shalt  }
0x5d: {  	_ =	shalt  }
0x5e: {  	_ =	shalt  }
0x5f: {  	_ =	shalt  }
0x60: {  	_ =	shalt  }
0x61: {  	_ =	shalt  }
0x62: {  	_ =	shalt  }
0x63: {  	_ =	shalt  }
0x64: {  	_ =	shalt  }
0x65: {  	_ =	shalt  }
0x66: {  	_ =	shalt  }
0x67: {  	_ =	shalt  }
0x68: {  	_ =	shalt  }
0x69: {  	_ =	shalt  }
0x6a: {  	_ =	shalt  }
0x6b: {  	_ =	shalt  }
0x6c: {  	_ =	shalt  }
0x6d: {  	_ =	shalt  }
0x6e: {  	_ =	shalt  }
0x6f: {  	_ =	shalt  }
0x70: {  	_ =	shalt  }
0x71: {  	_ =	shalt  }
0x72: {  	_ =	shalt  }
0x73: {  	_ =	shalt  }
0x74: {  	_ =	shalt  }
0x75: {  	_ =	shalt  }
0x76: {  	_ =	shalt  }
0x77: {  	_ =	shalt  }
0x78: {  	_ =	shalt  }
0x79: {  	_ =	shalt  }
0x7a: {  	_ =	shalt  }
0x7b: {  	_ =	shalt  }
0x7c: {  	_ =	shalt  }
0x7d: {  	_ =	shalt  }
0x7e: {  	_ =	shalt  }
0x7f: {  	_ =	shalt  }
0x80: {  	_ =	shalt  }
0x81: {  	_ =	shalt  }
0x82: {  	_ =	shalt  }
0x83: {  	_ =	shalt  }
0x84: {  	_ =	shalt  }
0x85: {  	_ =	shalt  }
0x86: {  	_ =	shalt  }
0x87: {  	_ =	shalt  }
.Lfunc_end0:
.L_simem_size_0:
called_computation.1_lowered:
.L_overlay_start_0:
0x88: {  	s2 =	sld [smem:$0x3FD9]  }
0x89: {  	s3 =	sld [smem:$0x3FFE];
	_ =	sdelay $0x1  }
0x8a: {  	s1 =	srdreg.scid  }
0x8b: {  	s0 =	sand.u32 $0x1, s1  }
0x8c: {  	s17 =	sshll.u32 s0, $0xA;
	s2 =	sadd.s32 s3, s2  }
0x8d: {  	s2 =	sadd.s32 s2, s17  }
0x8e: {  	[smem:$0x3FBD] =	sst s2  }
0x8f: {  	_ = 	snop  }
0x90: {  	s2 =	sld [smem:$0x3FD0];
	(tm) =	ssettm $0x1  }
0x91: {  	s18 =	sld [smem:$0x3FFB];
	_ =	sdelay $0x3  }
0x92: {  	_ =	strace s18  }
0x93: {  	s3 =	sld [smem:$0x3FFC];
	_ =	sdelay $0x3  }
0x94: {  	_ =	strace s3  }
0x95: {  	s3 =	sld [smem:$0x3FFD];
	_ =	sdelay $0x3  }
0x96: {  	_ =	strace s3  }
0x97: {  	_ =	strace $0x8FFFFFFF  }
0x98: {  	s19 =	sld [smem:$0x3FDB];
	_ =	sdelay $0x1  }
0x99: {  	s4 =	simm.s32 $_scs_section_size  }
0x9a: {  	s5 =	simm.s32 $_size__tile_overlayer_lowered;
	s6 =	simm.s32 $_tile_overlayer_lowered  }
0x9b: {  	s22 =	simm.s32 $0x1BFF;
	s21 =	sshll.u32 s6, $0x1;
	s3 =	sadd.s32 s4, s19  }
0x9c: {  	s7 =	simm.s32 $0x0;
	s20 =	sshll.u32 s5, $0x1;
	s5 =	sadd.s32 s21, s3  }
0x9d: {  	[timem:s7], [sflag:s22] =	dma.local [hbm:s5], s20  }
0x9e: {  	_ =	swait.ge [sflag:s22], s20  }
0x9f: {  	s4 =	ssub.s32 $0x0, s20;
	[sflag:s22] =	ssyncset.done $0x0  }
0xa0: {  	[sflag:s22] =	ssyncadd.s32 s4;
	_ =	sdelay $0x1  }
0xa1: {  	s23 =	simm.s32 $0x1B8B  }
0xa2: {  	_ =	swait.ge [sflag:s23], $0x1  }
0xa3: {  	[sflag:s23] =	ssyncset.done $0x0  }
0xa4: {  	s25 =	simm.s32 $0x1B8E;
	s24 =	sld [smem:$0x3FFE];
	[sflag:s23] =	ssyncadd.s32 $0xFFFFFFFF  }
0xa5: {  	s26 =	simm.s32 $execute0_lowered;
	[smem:$0x3FD2] =	sst s25  }
0xa6: {  	s5 =	sshll.u32 s26, $0x1;
	_ =	strace $0x80000049;
	[dreg:$0x1] =	wrdreg $0xFFFFFFFF  }
0xa7: {  	s28 =	simm.s32 $_size_execute0_lowered;
	s3 =	sadd.s32 s3, s5;
	[dreg:$0x0] =	wrdreg $0x0  }
0xa8: {  	s5 =	sshll.u32 s28, $0x1;
	[dreg:$0x2] =	wrdreg s3  }
0xa9: {  	[dreg:$0x3] =	wrdreg s5  }
0xaa: {  	[dreg:$0x4] =	wrdreg $0xC0  }
0xab: {  	_ =	task [dreg:s7], $0x5FFFF  }
0xac: {  	[dreg:$0x1] =	wrdreg $0xFFFFFFFF  }
0xad: {  	[dreg:$0x0] =	wrdreg $0x60  }
0xae: {  	[dreg:$0x2] =	wrdreg s24  }
0xaf: {  	[dreg:$0x3] =	wrdreg s2  }
0xb0: {  	[dreg:$0x4] =	wrdreg $0xB1000  }
0xb1: {  	[dreg:$0x5] =	wrdreg $0x9  }
0xb2: {  	_ =	task.clear_ibuf [dreg:s7], $0x6FFFF;
	_ =	strace $0x90000049  }
0xb3: {  	s29 =	simm.s32 $0x9;
	_ =	strace $0x8000004B  }
0xb4: {  	_ =	swait.ge [sflag:s29], $0x1  }
0xb5: {  	[sflag:s29] =	ssyncadd.s32 $0xFFFFFFFF  }
0xb6: {  	_ =	strace $0x9000004B  }
0xb7: {  	_ =	sfence  }
0xb8: {  	s30 =	sld [smem:$0x0];
	_ =	sdelay $0x2  }
0xb9: {  	s31 =	sshll.u32 s1, $0xD;
	s1 =	sshrl.u32 s1, $0x2  }
0xba: {  	s3 =	sand.u32 $0x4000, s31;
	s1 =	sadd.s32 s1, s30  }
0xbb: {  	s0 =	sor.u32 s3, s0;
	s1 =	sshll.u32 s1, $0x11  }
0xbc: {  	s0 =	sor.u32 s1, s0  }
0xbd: {  	s0 =	sadd.s32 $0x8F2B, s0  }
0xbe: {  	[sflag:s0] =	ssyncadd.remote.s32 $0x1  }
0xbf: {  	_ =	sfence.sel $0xFFFF  }
0xc0: {  	[dreg:$0x0] =	wrdreg $0xFFFFFFFF;
	(pc) =	sbr.abs _section_cstart, $3  }
0xc1: {  	[dreg:$0x1] =	wrdreg $0xFFFFFFFF  }
0xc2: {  	_ =	task.clear_ibuf [dreg:s7], $0x2FFFF;
	_ =	strace $0x9FFFFFFF  }
0xc3: {  	(tm) =	ssettm $0x7FFFFFFF  }
tec
execute0_lowered:
.L_overlay_start_1:
0x0: {  	(tag) =	ssettag $0x1  }
0x1: {  	s0 =	rddreg [dreg:$0x0]  }
0x2: {  	s1 =	rddreg [dreg:$0x1]  }
0x3: {  	s2 =	rddreg [dreg:$0x2]  }
0x4: {  	s4 =	srdreg.scid;
	s10 =	stileid.u32  }
0x5: {  	s3 =	simm.s32 $0x0;
	s16 =	simm.s32 $0x1;
	s17 =	simm.s32 $0x2780  }
0x6: {  	s18 =	simm.s32 $0x80;
	s19 =	simm.s32 $0x2;
	s20 =	simm.s32 $0x2800  }
0x7: {  	s21 =	simm.s32 $0x6900;
	s22 =	simm.s32 $0x3;
	s23 =	simm.s32 $0x4  }
0x8: {  	s24 =	simm.s32 $0x5;
	s29 =	simm.s32 $0xA900;
	s6 =	smul.u32 $0x2710, s10  }
0x9: {  	s30 =	simm.s32 $0x7;
	s31 =	simm.s32 $0x0;
	s9 =	smul.u32 $0x7D, s10  }
0xa: {  	s5 =	sand.u32 $0x1, s4;
	[smem:$0x7FF] =	sst s3;
	s15 =	smul.u32 $0x4E2, s10  }
0xb: {  	s4 =	sadd.s32 $0x11C00, s0;
	s11 =	smul.u32 $0x27100, s5;
	s5 =	ssub.s32 $0x2, s5  }
0xc: {  	_ =	strace $0x8000004A;
	s8 =	sshrl.u32 s5, $0x1;
	s13 =	sshrl.u32 s9, $0x4  }
0xd: {  	s25 =	sadd.s32 $0x7D, s9;
	s7 =	sadd.s32 s6, s11;
	s5 =	ssub.s32 s5, s8  }
0xe: {  	s6 =	sshrl.u32 s6, $0x3;
	s12 =	smul.u32 $0xA000, s13;
	s14 =	sshrl.u32 s25, $0x4  }
0xf: {  	s26 =	smul.u32 $0x500, s13;
	s1 =	sadd.s32 s11, s1;
	s25 =	simm.s32 $0x2880  }
0x10: {  	s7 =	sshrl.u32 s7, $0x3;
	s9 =	smax.u32 s5, $0x1;
	s10 =	ssub.s32 s14, s13  }
0x11: {  	p0 =	sle.u32 s14, s13;
	s14 =	simm.s32 $0x2900;
	s5 =	simm.s32 $0x2700  }
.Ltmp0:
0x12: {  	s7 =	sadd.s32 s7, s0;
	s0 =	sadd.s32 $0x2E00, s0;
	(pc) =	sbr.rel .LBB2_1-.Ltmp0, $4  }
0x13: {  	s12 =	sshrl.u32 s12, $0x2;
	s28 =	sadd.s32 s26, s1;
	s26 =	simm.s32 $0x10  }
0x14: {  	s7 =	sadd.s32 $0x7E00, s7;
	s6 =	sadd.s32 s0, s6;
	s11 =	sadd.s32 s12, s2  }
0x15: {  	s12 =	sadd.s32 s15, s0;
	[dreg:$0x5] =	wrdreg s28;
	s15 =	simm.s32 $0x6  }
0x16: {  	v0 =	vimm.f32 $0.0e+00;
	[dreg:$0x4] =	wrdreg s7;
	s7 =	sadd.s32 $0x10, s6;
	s8 =	sadd.s32 $0x4E0, s6  }
.LBB2_16:
0x17: {  	[sflag:s15] =	ssyncadd.s32 $0xFFFFFB00;
	s7 =	smov.u32 s8  }
0x18: {  	s8 =	smov.u32 s9;
	s9 =	smov.u32 s5;
	s5 =	simm.s32 $0x2700  }
.LBB2_17:
0x19: {  	s31 =	sadd.s32 $0x1, s31  }
0x1a: {  	p1 =	sne.s32 s31, s9  }
.Ltmp1:
0x1b: {  	_ = 	snop;
	(pc) =	sbr.rel @!p1 .LBB2_18-.Ltmp1, $1  }
0x1c: {  	_ =	sdelay $0x3  }
.LBB2_1:
0x1d: {  	s0 =	rddreg [dreg:$0x4];
	s28 =	sand.u32 $0xFE00, s3  }
0x1e: {  	[tilespmem:s3], [sflag:$0x1] =	stream.linear.gather [hbm4b:s0+s3], $0x2710, $0x38;
	[tilespmem:$0x1E980] =	vst v63  }
0x1f: {  	s1 =	sand.u32 $0x70, s3;
	s13 =	sshrl.u32 s28, $0x2  }
0x20: {  	s0 =	simm.s32 $0x40;
	s13 =	sor.u32 s1, s13;
	s1 =	simm.s32 $0x0  }
.LBB2_2:
0x21: {  	p1 =	sne.s32 s0, $0xFFC0  }
0x22: {  	[tilespmem:s13+$0x2900] =	vst v0;
	s1 =	sadd.s32 $0x10, s1;
	s13 =	smov.u32 s0;
	s0 =	sadd.s32 $0x40, s0  }
.Ltmp2:
0x23: {  	(pc) =	sbr.rel @p1 .LBB2_2-.Ltmp2, $4  }
0x24: {  	_ = 	snop  }
0x25: {  	s13 =	sand.u32 $0xFE00, s13  }
0x26: {  	s28 =	sand.u32 $0x70, s1;
	s13 =	sshrl.u32 s13, $0x2  }
0x27: {  	s13 =	sor.u32 s28, s13  }
.Ltmp3:
0x28: {  	(pc) =	sbr.rel @p0 .LBB2_9-.Ltmp3, $2  }
0x29: {  	_ =	sdelay $0x2  }
0x2a: {  	[tilespmem:s13+$0x2900] =	vst v0  }
0x2b: {  	p1 =	sne.s32 s10, $0x1  }
.Ltmp4:
0x2c: {  	_ = 	snop;
	(pc) =	sbr.rel @!p1 .LBB2_6-.Ltmp4, $3  }
0x2d: {  	_ =	sdelay $0x1  }
0x2e: {  	[spmem:s11] =	stream.linear.scatter [tilespmem:s14], [sflag:$0x6], $0x2800, $0x38;
	[tilespmem:$0x1E980] =	vst v63  }
0x2f: {  	s0 =	sadd.s32 $0xFFFFFFFF, s10;
	s1 =	smov.u32 s11  }
.LBB2_5:
0x30: {  	p1 =	sne.s32 s0, $0x1  }
.Ltmp5:
0x31: {  	_ = 	snop;
	(pc) =	sbr.rel @p1 .LBB2_5-.Ltmp5, $3  }
0x32: {  	_ = 	snop  }
0x33: {  	s0 =	sadd.s32 $0xFFFFFFFF, s0;
	s1 =	sadd.s32 $0x2800, s1;
	_ =	sdelay $0x1  }
0x34: {  	[spmem:s1] =	stream.linear.scatter [tilespmem:s14], [sflag:$0x6], $0x2800, $0x38;
	[tilespmem:$0x1E980] =	vst v63  }
.LBB2_6:
0x35: {  	p1 =	sne.s32 s10, $0x1  }
.Ltmp6:
0x36: {  	_ = 	snop;
	(pc) =	sbr.rel @!p1 .LBB2_8-.Ltmp6, $3  }
0x37: {  	_ =	sdelay $0x1  }
0x38: {  	_ =	swait.ge [sflag:s15], $0x2800  }
0x39: {  	s0 =	sadd.s32 $0xFFFFFFFF, s10;
	[sflag:s15] =	ssyncset.done $0x0  }
.LBB2_7:
0x3a: {  	p1 =	sne.s32 s0, $0x1;
	s0 =	sadd.s32 $0xFFFFFFFF, s0;
	[sflag:s15] =	ssyncadd.s32 $0xFFFFD800  }
.Ltmp7:
0x3b: {  	(pc) =	sbr.rel @p1 .LBB2_7-.Ltmp7, $3  }
0x3c: {  	_ =	sdelay $0x1  }
0x3d: {  	_ =	swait.ge [sflag:s15], $0x2800  }
0x3e: {  	[sflag:s15] =	ssyncset.done $0x0  }
.LBB2_8:
0x3f: {  	[sflag:s15] =	ssyncadd.s32 $0xFFFFD800  }
.LBB2_9:
0x40: {  	_ =	swait.ge [sflag:s16], $0x2710  }
0x41: {  	[sflag:s16] =	ssyncset.done $0x0  }
0x42: {  	[sflag:s16] =	ssyncadd.s32 $0xFFFFD8F0  }
0x43: {  	[bflag:$0x0] =	sbarrier.arrive $0xFFFF  }
0x44: {  	[tilespmem:s17], [sflag:$0x2] =	stream.linear.gather [hbm4b:s6+s3], $0x80, $0x38;
	[tilespmem:$0x1E980] =	vst v63  }
0x45: {  	_ = 	snop  }
0x46: {  	[tilespmem:s14], [sflag:$0x1] =	stream.indirect.gather [hbm4b:s4+s18], $0x80, s3, s18, $0xb8;
	[tilespmem:$0x1E980] =	vst v63  }
0x47: {  	_ =	swait.ge [sflag:s16], $0x4000  }
0x48: {  	[sflag:s16] =	ssyncset.done $0x0  }
0x49: {  	[sflag:s16] =	ssyncadd.s32 $0xFFFFC000  }
0x4a: {  	_ =	swait.ge [sflag:s19], $0x80  }
0x4b: {  	[sflag:s19] =	ssyncset.done $0x0  }
0x4c: {  	[sflag:s19] =	ssyncadd.s32 $0xFFFFFF80  }
0x4d: {  	[spmem:s2] =	stream.indirect.scatter.add.f32 [tilespmem:s14], [sflag:$0x4], $0x80, s17, s18, $0xb8;
	[tilespmem:$0x1E980] =	vst v63  }
0x4e: {  	_ = 	snop  }
0x4f: {  	[tilespmem:s20], [sflag:$0x3] =	stream.linear.gather [hbm4b:s7+s3], $0x80, $0x38;
	[tilespmem:$0x1E980] =	vst v63  }
0x50: {  	_ = 	snop  }
0x51: {  	[tilespmem:s21], [sflag:$0x1] =	stream.indirect.gather [hbm4b:s4+s18], $0x80, s18, s18, $0xb8;
	[tilespmem:$0x1E980] =	vst v63  }
0x52: {  	_ =	swait.ge [sflag:s16], $0x4000  }
0x53: {  	[sflag:s16] =	ssyncset.done $0x0  }
0x54: {  	[sflag:s16] =	ssyncadd.s32 $0xFFFFC000  }
0x55: {  	_ =	swait.ge [sflag:s22], $0x80  }
0x56: {  	[sflag:s22] =	ssyncset.done $0x0  }
0x57: {  	[sflag:s22] =	ssyncadd.s32 $0xFFFFFF80  }
0x58: {  	[spmem:s2] =	stream.indirect.scatter.add.f32 [tilespmem:s21], [sflag:$0x5], $0x80, s20, s18, $0xb8;
	[tilespmem:$0x1E980] =	vst v63  }
0x59: {  	_ =	swait.ge [sflag:s23], $0x4000  }
0x5a: {  	s0 =	sadd.s32 $0xFFFFFB40, s12;
	[sflag:s23] =	ssyncset.done $0x0  }
0x5b: {  	s1 =	sadd.s32 $0x4E0, s0;
	[sflag:s23] =	ssyncadd.s32 $0xFFFFC000  }
0x5c: {  	[tilespmem:s17], [sflag:$0x2] =	stream.linear.gather [hbm4b:s1+s3], $0x80, $0x38;
	[tilespmem:$0x1E980] =	vst v63  }
0x5d: {  	s28 =	simm.s32 $0x100  }
0x5e: {  	[tilespmem:s14], [sflag:$0x1] =	stream.indirect.gather [hbm4b:s4+s18], $0x80, s28, s18, $0xb8;
	[tilespmem:$0x1E980] =	vst v63  }
0x5f: {  	_ =	swait.ge [sflag:s16], $0x4000  }
0x60: {  	[sflag:s16] =	ssyncset.done $0x0  }
0x61: {  	[sflag:s16] =	ssyncadd.s32 $0xFFFFC000  }
0x62: {  	_ =	swait.ge [sflag:s19], $0x80  }
0x63: {  	[sflag:s19] =	ssyncset.done $0x0  }
0x64: {  	[sflag:s19] =	ssyncadd.s32 $0xFFFFFF80  }
0x65: {  	[spmem:s2] =	stream.indirect.scatter.add.f32 [tilespmem:s14], [sflag:$0x4], $0x80, s17, s18, $0xb8;
	[tilespmem:$0x1E980] =	vst v63  }
0x66: {  	_ =	swait.ge [sflag:s24], $0x4000  }
0x67: {  	[sflag:s24] =	ssyncset.done $0x0  }
0x68: {  	s0 =	sadd.s32 $0x4F0, s0;
	[sflag:s24] =	ssyncadd.s32 $0xFFFFC000  }
0x69: {  	[tilespmem:s20], [sflag:$0x3] =	stream.linear.gather [hbm4b:s0+s3], $0x80, $0x38;
	[tilespmem:$0x1E980] =	vst v63  }
0x6a: {  	s13 =	simm.s32 $0x180;
	s1 =	simm.s32 $0x200;
	s0 =	simm.s32 $0xFFFFFB60  }
.LBB2_10:
0x6b: {  	[tilespmem:s21], [sflag:$0x1] =	stream.indirect.gather [hbm4b:s4+s18], $0x80, s13, s18, $0xb8;
	[tilespmem:$0x1E980] =	vst v63  }
0x6c: {  	s13 =	smov.u32 s0  }
0x6d: {  	p1 =	sne.s32 s0, $0xFFFFFFE0;
	s0 =	sadd.s32 $0x20, s0;
	_ =	swait.ge [sflag:s16], $0x4000  }
0x6e: {  	[sflag:s16] =	ssyncset.done $0x0  }
0x6f: {  	[sflag:s16] =	ssyncadd.s32 $0xFFFFC000  }
0x70: {  	_ =	swait.ge [sflag:s22], $0x80  }
0x71: {  	[sflag:s22] =	ssyncset.done $0x0  }
0x72: {  	[sflag:s22] =	ssyncadd.s32 $0xFFFFFF80  }
0x73: {  	[spmem:s2] =	stream.indirect.scatter.add.f32 [tilespmem:s21], [sflag:$0x5], $0x80, s20, s18, $0xb8;
	[tilespmem:$0x1E980] =	vst v63  }
0x74: {  	_ =	swait.ge [sflag:s23], $0x4000  }
0x75: {  	s13 =	sadd.s32 s13, s12;
	[sflag:s23] =	ssyncset.done $0x0  }
0x76: {  	s28 =	sadd.s32 $0x4E0, s13;
	[sflag:s23] =	ssyncadd.s32 $0xFFFFC000  }
0x77: {  	[tilespmem:s17], [sflag:$0x2] =	stream.linear.gather [hbm4b:s28+s3], $0x80, $0x38;
	[tilespmem:$0x1E980] =	vst v63  }
0x78: {  	_ = 	snop  }
0x79: {  	[tilespmem:s14], [sflag:$0x1] =	stream.indirect.gather [hbm4b:s4+s18], $0x80, s1, s18, $0xb8;
	[tilespmem:$0x1E980] =	vst v63  }
0x7a: {  	_ =	swait.ge [sflag:s16], $0x4000  }
0x7b: {  	[sflag:s16] =	ssyncset.done $0x0  }
0x7c: {  	[sflag:s16] =	ssyncadd.s32 $0xFFFFC000  }
0x7d: {  	_ =	swait.ge [sflag:s19], $0x80  }
0x7e: {  	[sflag:s19] =	ssyncset.done $0x0  }
0x7f: {  	[sflag:s19] =	ssyncadd.s32 $0xFFFFFF80  }
0x80: {  	[spmem:s2] =	stream.indirect.scatter.add.f32 [tilespmem:s14], [sflag:$0x4], $0x80, s17, s18, $0xb8;
	[tilespmem:$0x1E980] =	vst v63  }
.Ltmp8:
0x81: {  	_ =	swait.ge [sflag:s24], $0x4000;
	(pc) =	sbr.rel @p1 .LBB2_10-.Ltmp8, $4  }
0x82: {  	[sflag:s24] =	ssyncset.done $0x0  }
0x83: {  	s13 =	sadd.s32 $0x4F0, s13;
	[sflag:s24] =	ssyncadd.s32 $0xFFFFC000  }
0x84: {  	[tilespmem:s20], [sflag:$0x3] =	stream.linear.gather [hbm4b:s13+s3], $0x80, $0x38;
	[tilespmem:$0x1E980] =	vst v63  }
0x85: {  	s13 =	sadd.s32 $0x80, s1;
	s1 =	sadd.s32 $0x100, s1  }
0x86: {  	[tilespmem:s21], [sflag:$0x1] =	stream.indirect.gather [hbm4b:s4+s18], $0x80, s13, s18, $0xb8;
	[tilespmem:$0x1E980] =	vst v63  }
0x87: {  	_ =	swait.ge [sflag:s16], $0x4000  }
0x88: {  	[sflag:s16] =	ssyncset.done $0x0  }
0x89: {  	[sflag:s16] =	ssyncadd.s32 $0xFFFFC000  }
0x8a: {  	_ =	swait.ge [sflag:s22], $0x80  }
0x8b: {  	[sflag:s22] =	ssyncset.done $0x0  }
0x8c: {  	[sflag:s22] =	ssyncadd.s32 $0xFFFFFF80  }
0x8d: {  	[spmem:s2] =	stream.indirect.scatter.add.f32 [tilespmem:s21], [sflag:$0x5], $0x80, s20, s18, $0xb8;
	[tilespmem:$0x1E980] =	vst v63  }
0x8e: {  	_ =	swait.ge [sflag:s23], $0x4000  }
0x8f: {  	[sflag:s23] =	ssyncset.done $0x0  }
0x90: {  	[sflag:s23] =	ssyncadd.s32 $0xFFFFC000  }
0x91: {  	[tilespmem:s25], [sflag:$0x2] =	stream.linear.gather [hbm4b:s8+s3], $0x10, $0x38;
	[tilespmem:$0x1E980] =	vst v63  }
0x92: {  	_ = 	snop  }
0x93: {  	[tilespmem:s29], [sflag:$0x1] =	stream.indirect.gather [hbm4b:s4+s26], $0x80, s5, s26, $0xb8;
	[tilespmem:$0x1E980] =	vst v63  }
0x94: {  	_ =	swait.ge [sflag:s16], $0x800  }
0x95: {  	[sflag:s16] =	ssyncset.done $0x0  }
0x96: {  	[sflag:s16] =	ssyncadd.s32 $0xFFFFF800  }
0x97: {  	_ =	swait.ge [sflag:s19], $0x10  }
0x98: {  	[sflag:s19] =	ssyncset.done $0x0  }
0x99: {  	[sflag:s19] =	ssyncadd.s32 $0xFFFFFFF0  }
0x9a: {  	[spmem:s2] =	stream.indirect.scatter.add.f32 [tilespmem:s29], [sflag:$0x7], $0x80, s25, s26, $0xb8;
	[tilespmem:$0x1E980] =	vst v63  }
0x9b: {  	_ =	swait.ge [sflag:s30], $0x800  }
0x9c: {  	[sflag:s30] =	ssyncset.done $0x0  }
0x9d: {  	[sflag:s30] =	ssyncadd.s32 $0xFFFFF800  }
.Ltmp9:
0x9e: {  	_ =	swait.ge [sflag:s24], $0x4000;
	(pc) =	sbr.rel @p0 .LBB2_17-.Ltmp9, $3  }
0x9f: {  	[sflag:s24] =	ssyncset.done $0x0  }
0xa0: {  	[sflag:s24] =	ssyncadd.s32 $0xFFFFC000  }
0xa1: {  	[bflag:$0x0] =	sbarrier.arrive $0xFFFF;
	_ =	sdelay $0x1  }
0xa2: {  	p1 =	sne.s32 s10, $0x1  }
.Ltmp10:
0xa3: {  	s0 =	stileid.u32;
	(pc) =	sbr.rel @!p1 .LBB2_14-.Ltmp10, $4  }
0xa4: {  	s5 =	smov.u32 s9;
	s9 =	smov.u32 s8;
	s0 =	sshll.u32 s0, $0x6  }
0xa5: {  	s1 =	sshrl.u32 s11, $0x3;
	s13 =	rddreg [dreg:$0x5];
	s0 =	sor.u32 $0x1C06, s0  }
0xa6: {  	[hbm:s13], [sflag:s0] =	dma.local [spmem:s1], $0x500  }
0xa7: {  	s8 =	smov.u32 s7;
	s28 =	sadd.s32 $0x2800, s11;
	s1 =	sadd.s32 $0xFFFFFFFF, s10  }
.LBB2_13:
0xa8: {  	p1 =	sne.s32 s1, $0x1;
	s1 =	sadd.s32 $0xFFFFFFFF, s1  }
.Ltmp11:
0xa9: {  	s7 =	sshrl.u32 s28, $0x3;
	s13 =	sadd.s32 $0x500, s13;
	(pc) =	sbr.rel @p1 .LBB2_13-.Ltmp11, $3  }
0xaa: {  	[hbm:s13], [sflag:s0] =	dma.local [spmem:s7], $0x500  }
0xab: {  	_ =	sdelay $0x1  }
0xac: {  	s28 =	sadd.s32 $0x2800, s28  }
.LBB2_14:
0xad: {  	p1 =	sne.s32 s10, $0x1  }
.Ltmp12:
0xae: {  	_ = 	snop;
	(pc) =	sbr.rel @!p1 .LBB2_16-.Ltmp12, $3  }
0xaf: {  	_ =	sdelay $0x1  }
0xb0: {  	_ =	swait.ge [sflag:s15], $0x500  }
0xb1: {  	s0 =	sadd.s32 $0xFFFFFFFF, s10;
	[sflag:s15] =	ssyncset.done $0x0  }
.LBB2_15:
0xb2: {  	p1 =	sne.s32 s0, $0x1;
	s0 =	sadd.s32 $0xFFFFFFFF, s0;
	[sflag:s15] =	ssyncadd.s32 $0xFFFFFB00  }
.Ltmp13:
0xb3: {  	(pc) =	sbr.rel @p1 .LBB2_15-.Ltmp13, $3  }
0xb4: {  	_ =	sdelay $0x1  }
0xb5: {  	_ =	swait.ge [sflag:s15], $0x500  }
0xb6: {  	[sflag:s15] =	ssyncset.done $0x0  }
.Ltmp14:
0xb7: {  	_ = 	snop;
	(pc) =	sbr.rel .LBB2_16-.Ltmp14, $1  }
0xb8: {  	_ =	sdelay $0x3  }
.LBB2_18:
0xb9: {  	_ =	sfence.sel $0x180000  }
0xba: {  	[bflag:$0x0] =	sbarrier.arrive $0xFFFF  }
0xbb: {  	_ =	strace $0x9000004A  }
0xbc: {  	s0 =	stileid.u32;
	[bflag:$0x2] =	sbarrier.arrive $0xFFFF  }
0xbd: {  	p0 =	sne.s32 s0, $0x0;
	s0 =	rddreg [dreg:$0x3]  }
0xbe: {  	s0 =	sadd.s32 @!p0 $0x100000, s0  }
0xbf: {  	[sflag:s0] =	ssyncadd.tile.s32 @!p0 $0x1;
	_ =	shalt  }
.Lfunc_end2:
_tile_overlayer_lowered:
.L_overlay_start_2:
0xc0: {  	(tag) =	ssettag $0x2  }
0xc1: {  	s0 =	rddreg [dreg:$0x0];
	s2 =	stileid.u32  }
0xc2: {  	s1 =	rddreg [dreg:$0x1];
	p0 =	sne.s32 s2, $0x0  }
0xc3: {  	s3 =	rddreg [dreg:$0x2];
	[bflag:$0x3] =	sbarrier.arrive $0xFFFF;
	s2 =	simm.s32 @!p0 $0x1C07  }
0xc4: {  	[timem:s3], [sflag:s2] =	dma.local @!p0 [hbm:s0], s1  }
0xc5: {  	s0 =	simm.s32 @!p0 $0x7  }
0xc6: {  	_ =	swait.ge @!p0 [sflag:s0], s1  }
0xc7: {  	s1 =	ssub.s32 @!p0 $0x0, s1;
	[sflag:s0] =	ssyncset.done @!p0 $0x0  }
0xc8: {  	[sflag:s0] =	ssyncadd.s32 @!p0 s1  }
0xc9: {  	[bflag:$0x3] =	sbarrier.arrive $0xFFFF  }
0xca: {  	_ =	shalt  }

// kernel: kernel.16.cloned.1.call-start
scs
__scs_entry_jumppad:
0x0: {  	(pc) =	sbr.rel $0x88, $3  }
0x1: {  	(tag) =	ssettag $0x0;
	lr =	simm.s32 $0x1  }
0x2: {  	[smem:$0x3F96] =	sst lr;
	_ =	strace $0xD0000000  }
0x3: {  	_ = 	snop  }
0x4: {  	_ = 	snop  }
0x5: {  	_ = 	snop  }
0x6: {  	_ = 	snop  }
0x7: {  	_ = 	snop  }
__scs_overlays_trampoline_lowered:
0x8: {  	[smem:$0x3FA5] =	sst s0  }
0x9: {  	[smem:$0x3FA6] =	sst s1  }
0xa: {  	[smem:$0x3FA7] =	sst s2  }
0xb: {  	[smem:$0x3FA8] =	sst s3  }
0xc: {  	[smem:$0x3FA9] =	sst s4  }
0xd: {  	[smem:$0x3FAA] =	sst s5  }
0xe: {  	[smem:$0x3FAB] =	sst s6  }
0xf: {  	[smem:$0x3FAC] =	sst s7  }
0x10: {  	[smem:$0x3FAD] =	sst s8  }
0x11: {  	[smem:$0x3FAE] =	sst s9;
	s0 =	simm.s32 @!p0 $0x0  }
0x12: {  	s1 =	sld [smem:$0x3F94];
	s0 =	simm.s32 @p0 $0x1  }
0x13: {  	[smem:$0x3FAF] =	sst s0;
	s0 =	simm.s32 @!p1 $0x0  }
0x14: {  	s2 =	sld [smem:$0x3F93];
	s0 =	simm.s32 @p1 $0x1  }
0x15: {  	[smem:$0x3FB0] =	sst s0;
	s0 =	simm.s32 @!p2 $0x0  }
0x16: {  	s3 =	sld [smem:$0x3FDB];
	s0 =	simm.s32 @p2 $0x1  }
0x17: {  	s4 =	simm.s32 $0x1BF5;
	[smem:$0x3FB2] =	sst s0  }
0x18: {  	s0 =	sld [smem:$0x3F95];
	_ =	swait.ge [sflag:s4], $0x0  }
0x19: {  	s7 =	sld [smem:$0x3F96]  }
0x1a: {  	s8 =	sadd.s32 $0xFFFFE003, lr  }
0x1b: {  	s9 =	sadd.s32 $0xFFFFFEF7, lr;
	s5 =	simm.s32 $0xFFFFFFFF;
	p2 =	slt.u32 s8, $0xFFFFF086  }
0x1c: {  	p1 =	slt.u32 s9, $0xF7A;
	s5 =	simm.s32 @!p2 $0x0  }
0x1d: {  	s5 =	simm.s32 @p1 $0x1;
	p0 =	seq.s32 s7, s2  }
0x1e: {  	s7 =	smul.u32 @!p0 $0xF7A, s2;
	p2 =	seq.s32 @!p0 s5, $0x0  }
0x1f: {  	s9 =	smul.u32 $0xF7A, s1;
	s8 =	simm.s32 @!p0 $0x1BF5;
	p2 =	por !p2, p0  }
0x20: {  	[sflag:s8] =	ssyncset.s32 @!p0 $0xFFFFF086;
	s6 =	sadd.s32 @!p0 s3, s7;
	s7 =	simm.s32 @!p0 $0x108  }
0x21: {  	s3 =	sadd.s32 s3, s9;
	s6 =	sadd.s32 @!p0 $0x88, s6;
	s7 =	simm.s32 @p2 $0x1082  }
0x22: {  	[simem:s7], [sflag:s8] =	dma.local @!p0 [hbm:s6], $0xF7A  }
0x23: {  	s9 =	sor.u32 $0xD0000000, s2;
	s6 =	simm.s32 $0x108;
	_ =	swait.ge @!p0 [sflag:s8], $0x0  }
0x24: {  	s3 =	sadd.s32 $0x88, s3;
	s6 =	simm.s32 @!p1 $0x1082;
	[sflag:s4] =	ssyncset.s32 $0xFFFFF086  }
0x25: {  	[simem:s6], [sflag:s4] =	dma.local [hbm:s3], $0xF7A  }
0x26: {  	[smem:$0x3F96] =	sst s1;
	(tag) =	ssettag s2;
	_ =	strace s9  }
0x27: {  	s1 =	sld [smem:$0x3FA6]  }
0x28: {  	s2 =	sld [smem:$0x3FA7]  }
0x29: {  	s4 =	sld [smem:$0x3FA9]  }
0x2a: {  	p0 =	seq.s32 s5, $0x0;
	s5 =	sld [smem:$0x3FAA]  }
0x2b: {  	s6 =	sld [smem:$0x3FAB]  }
0x2c: {  	s7 =	sld [smem:$0x3FAC]  }
0x2d: {  	s3 =	simm.s32 $0x108;
	s8 =	sld [smem:$0x3FAD]  }
0x2e: {  	s3 =	simm.s32 @!p0 $0x1082;
	s9 =	sld [smem:$0x3FAE]  }
0x2f: {  	lr =	sadd.s32 s0, s3;
	s0 =	sld [smem:$0x3FA5]  }
0x30: {  	s3 =	sld [smem:$0x3FA8]  }
0x31: {  	[smem:$0x3FB1] =	sst s10  }
0x32: {  	s10 =	sld [smem:$0x3FAF];
	_ =	sdelay $0x3  }
0x33: {  	p0 =	seq.s32 s10, $0x1;
	s10 =	sld [smem:$0x3FB1];
	_ =	sdelay $0x3  }
0x34: {  	[smem:$0x3FB1] =	sst s10  }
0x35: {  	s10 =	sld [smem:$0x3FB0];
	_ =	sdelay $0x3  }
0x36: {  	p1 =	seq.s32 s10, $0x1;
	s10 =	sld [smem:$0x3FB1];
	_ =	sdelay $0x3  }
0x37: {  	[smem:$0x3FB1] =	sst s10  }
0x38: {  	s10 =	sld [smem:$0x3FB2]  }
0x39: {  	_ = 	snop;
	(pc) =	sbr.ind lr, $3  }
0x3a: {  	_ = 	snop  }
0x3b: {  	_ = 	snop  }
0x3c: {  	p2 =	seq.s32 s10, $0x1;
	s10 =	sld [smem:$0x3FB1]  }
0x3d: {  	_ =	shalt  }
0x3e: {  	_ =	shalt  }
0x3f: {  	_ =	shalt  }
0x40: {  	_ =	shalt  }
0x41: {  	_ =	shalt  }
0x42: {  	_ =	shalt  }
0x43: {  	_ =	shalt  }
0x44: {  	_ =	shalt  }
0x45: {  	_ =	shalt  }
0x46: {  	_ =	shalt  }
0x47: {  	_ =	shalt  }
0x48: {  	_ =	shalt  }
0x49: {  	_ =	shalt  }
0x4a: {  	_ =	shalt  }
0x4b: {  	_ =	shalt  }
0x4c: {  	_ =	shalt  }
0x4d: {  	_ =	shalt  }
0x4e: {  	_ =	shalt  }
0x4f: {  	_ =	shalt  }
0x50: {  	_ =	shalt  }
0x51: {  	_ =	shalt  }
0x52: {  	_ =	shalt  }
0x53: {  	_ =	shalt  }
0x54: {  	_ =	shalt  }
0x55: {  	_ =	shalt  }
0x56: {  	_ =	shalt  }
0x57: {  	_ =	shalt  }
0x58: {  	_ =	shalt  }
0x59: {  	_ =	shalt  }
0x5a: {  	_ =	shalt  }
0x5b: {  	_ =	shalt  }
0x5c: {  	_ =	shalt  }
0x5d: {  	_ =	shalt  }
0x5e: {  	_ =	shalt  }
0x5f: {  	_ =	shalt  }
0x60: {  	_ =	shalt  }
0x61: {  	_ =	shalt  }
0x62: {  	_ =	shalt  }
0x63: {  	_ =	shalt  }
0x64: {  	_ =	shalt  }
0x65: {  	_ =	shalt  }
0x66: {  	_ =	shalt  }
0x67: {  	_ =	shalt  }
0x68: {  	_ =	shalt  }
0x69: {  	_ =	shalt  }
0x6a: {  	_ =	shalt  }
0x6b: {  	_ =	shalt  }
0x6c: {  	_ =	shalt  }
0x6d: {  	_ =	shalt  }
0x6e: {  	_ =	shalt  }
0x6f: {  	_ =	shalt  }
0x70: {  	_ =	shalt  }
0x71: {  	_ =	shalt  }
0x72: {  	_ =	shalt  }
0x73: {  	_ =	shalt  }
0x74: {  	_ =	shalt  }
0x75: {  	_ =	shalt  }
0x76: {  	_ =	shalt  }
0x77: {  	_ =	shalt  }
0x78: {  	_ =	shalt  }
0x79: {  	_ =	shalt  }
0x7a: {  	_ =	shalt  }
0x7b: {  	_ =	shalt  }
0x7c: {  	_ =	shalt  }
0x7d: {  	_ =	shalt  }
0x7e: {  	_ =	shalt  }
0x7f: {  	_ =	shalt  }
0x80: {  	_ =	shalt  }
0x81: {  	_ =	shalt  }
0x82: {  	_ =	shalt  }
0x83: {  	_ =	shalt  }
0x84: {  	_ =	shalt  }
0x85: {  	_ =	shalt  }
0x86: {  	_ =	shalt  }
0x87: {  	_ =	shalt  }
.Lfunc_end0:
.L_simem_size_0:
called_computation.2_lowered:
.L_overlay_start_0:
0x88: {  	s2 =	sld [smem:$0x3FD9]  }
0x89: {  	s3 =	sld [smem:$0x3FFE];
	_ =	sdelay $0x1  }
0x8a: {  	s1 =	srdreg.scid  }
0x8b: {  	s0 =	sand.u32 $0x1, s1  }
0x8c: {  	s17 =	sshll.u32 s0, $0xA;
	s2 =	sadd.s32 s3, s2  }
0x8d: {  	s2 =	sadd.s32 s2, s17  }
0x8e: {  	[smem:$0x3FBD] =	sst s2  }
0x8f: {  	_ = 	snop  }
0x90: {  	s2 =	sld [smem:$0x3FD0];
	(tm) =	ssettm $0x1  }
0x91: {  	s18 =	sld [smem:$0x3FFB];
	_ =	sdelay $0x3  }
0x92: {  	_ =	strace s18  }
0x93: {  	s3 =	sld [smem:$0x3FFC];
	_ =	sdelay $0x3  }
0x94: {  	_ =	strace s3  }
0x95: {  	s3 =	sld [smem:$0x3FFD];
	_ =	sdelay $0x3  }
0x96: {  	_ =	strace s3  }
0x97: {  	_ =	strace $0x8FFFFFFF  }
0x98: {  	s19 =	sld [smem:$0x3FDB];
	_ =	sdelay $0x1  }
0x99: {  	s4 =	simm.s32 $_scs_section_size  }
0x9a: {  	s5 =	simm.s32 $_size__tile_overlayer_lowered;
	s6 =	simm.s32 $_tile_overlayer_lowered  }
0x9b: {  	s22 =	simm.s32 $0x1BFF;
	s21 =	sshll.u32 s6, $0x1;
	s3 =	sadd.s32 s4, s19  }
0x9c: {  	s7 =	simm.s32 $0x0;
	s20 =	sshll.u32 s5, $0x1;
	s5 =	sadd.s32 s21, s3  }
0x9d: {  	[timem:s7], [sflag:s22] =	dma.local [hbm:s5], s20  }
0x9e: {  	_ =	swait.ge [sflag:s22], s20  }
0x9f: {  	s4 =	ssub.s32 $0x0, s20;
	[sflag:s22] =	ssyncset.done $0x0  }
0xa0: {  	[sflag:s22] =	ssyncadd.s32 s4;
	_ =	sdelay $0x1  }
0xa1: {  	s23 =	simm.s32 $0x1B8B  }
0xa2: {  	_ =	swait.ge [sflag:s23], $0x1  }
0xa3: {  	[sflag:s23] =	ssyncset.done $0x0  }
0xa4: {  	s25 =	simm.s32 $0x1B8E;
	s24 =	sld [smem:$0x3FFE];
	[sflag:s23] =	ssyncadd.s32 $0xFFFFFFFF  }
0xa5: {  	s26 =	simm.s32 $execute0_lowered;
	[smem:$0x3FD2] =	sst s25  }
0xa6: {  	s5 =	sshll.u32 s26, $0x1;
	_ =	strace $0x8000004C;
	[dreg:$0x1] =	wrdreg $0xFFFFFFFF  }
0xa7: {  	s28 =	simm.s32 $_size_execute0_lowered;
	s3 =	sadd.s32 s3, s5;
	[dreg:$0x0] =	wrdreg $0x0  }
0xa8: {  	s5 =	sshll.u32 s28, $0x1;
	[dreg:$0x2] =	wrdreg s3  }
0xa9: {  	[dreg:$0x3] =	wrdreg s5  }
0xaa: {  	[dreg:$0x4] =	wrdreg $0xC0  }
0xab: {  	_ =	task [dreg:s7], $0x5FFFF  }
0xac: {  	[dreg:$0x1] =	wrdreg $0xFFFFFFFF  }
0xad: {  	[dreg:$0x0] =	wrdreg $0x60  }
0xae: {  	[dreg:$0x2] =	wrdreg s24  }
0xaf: {  	[dreg:$0x3] =	wrdreg s2  }
0xb0: {  	[dreg:$0x4] =	wrdreg $0xB1000  }
0xb1: {  	[dreg:$0x5] =	wrdreg $0x9  }
0xb2: {  	_ =	task.clear_ibuf [dreg:s7], $0x6FFFF;
	_ =	strace $0x9000004C  }
0xb3: {  	s29 =	simm.s32 $0x9;
	_ =	strace $0x8000004E  }
0xb4: {  	_ =	swait.ge [sflag:s29], $0x1  }
0xb5: {  	[sflag:s29] =	ssyncadd.s32 $0xFFFFFFFF  }
0xb6: {  	_ =	strace $0x9000004E  }
0xb7: {  	_ =	sfence  }
0xb8: {  	s30 =	sld [smem:$0x0];
	_ =	sdelay $0x2  }
0xb9: {  	s31 =	sshll.u32 s1, $0xD;
	s1 =	sshrl.u32 s1, $0x2  }
0xba: {  	s3 =	sand.u32 $0x4000, s31;
	s1 =	sadd.s32 s1, s30  }
0xbb: {  	s0 =	sor.u32 s3, s0;
	s1 =	sshll.u32 s1, $0x11  }
0xbc: {  	s0 =	sor.u32 s1, s0  }
0xbd: {  	s0 =	sadd.s32 $0x8F2B, s0  }
0xbe: {  	[sflag:s0] =	ssyncadd.remote.s32 $0x1  }
0xbf: {  	_ =	sfence.sel $0xFFFF  }
0xc0: {  	[dreg:$0x0] =	wrdreg $0xFFFFFFFF;
	(pc) =	sbr.abs _section_cstart, $3  }
0xc1: {  	[dreg:$0x1] =	wrdreg $0xFFFFFFFF  }
0xc2: {  	_ =	task.clear_ibuf [dreg:s7], $0x2FFFF;
	_ =	strace $0x9FFFFFFF  }
0xc3: {  	(tm) =	ssettm $0x7FFFFFFF  }
tec
execute0_lowered:
.L_overlay_start_1:
0x0: {  	(tag) =	ssettag $0x1  }
0x1: {  	s0 =	rddreg [dreg:$0x0]  }
0x2: {  	s1 =	rddreg [dreg:$0x1]  }
0x3: {  	s2 =	rddreg [dreg:$0x2]  }
0x4: {  	s4 =	srdreg.scid;
	s10 =	stileid.u32  }
0x5: {  	s3 =	simm.s32 $0x0;
	s16 =	simm.s32 $0x1;
	s17 =	simm.s32 $0x2780  }
0x6: {  	s18 =	simm.s32 $0x80;
	s19 =	simm.s32 $0x2;
	s20 =	simm.s32 $0x2800  }
0x7: {  	s21 =	simm.s32 $0x6900;
	s22 =	simm.s32 $0x3;
	s23 =	simm.s32 $0x4  }
0x8: {  	s24 =	simm.s32 $0x5;
	s29 =	simm.s32 $0xA900;
	s6 =	smul.u32 $0x2710, s10  }
0x9: {  	s30 =	simm.s32 $0x7;
	s31 =	simm.s32 $0x0;
	s9 =	smul.u32 $0x7D, s10  }
0xa: {  	s5 =	sand.u32 $0x1, s4;
	[smem:$0x7FF] =	sst s3;
	s15 =	smul.u32 $0x4E2, s10  }
0xb: {  	s4 =	sadd.s32 $0xAE000, s0;
	s11 =	smul.u32 $0x27100, s5;
	s5 =	ssub.s32 $0x2, s5  }
0xc: {  	_ =	strace $0x8000004D;
	s8 =	sshrl.u32 s5, $0x1;
	s13 =	sshrl.u32 s9, $0x4  }
0xd: {  	s25 =	sadd.s32 $0x7D, s9;
	s7 =	sadd.s32 s6, s11;
	s5 =	ssub.s32 s5, s8  }
0xe: {  	s6 =	sshrl.u32 s6, $0x3;
	s12 =	smul.u32 $0xA000, s13;
	s14 =	sshrl.u32 s25, $0x4  }
0xf: {  	s26 =	smul.u32 $0x500, s13;
	s1 =	sadd.s32 s11, s1;
	s25 =	simm.s32 $0x2880  }
0x10: {  	s7 =	sshrl.u32 s7, $0x3;
	s9 =	smax.u32 s5, $0x1;
	s10 =	ssub.s32 s14, s13  }
0x11: {  	p0 =	sle.u32 s14, s13;
	s14 =	simm.s32 $0x2900;
	s5 =	simm.s32 $0x2700  }
.Ltmp0:
0x12: {  	s7 =	sadd.s32 s7, s0;
	s0 =	sadd.s32 $0x2E00, s0;
	(pc) =	sbr.rel .LBB2_1-.Ltmp0, $4  }
0x13: {  	s12 =	sshrl.u32 s12, $0x2;
	s28 =	sadd.s32 s26, s1;
	s26 =	simm.s32 $0x10  }
0x14: {  	s7 =	sadd.s32 $0x7E00, s7;
	s6 =	sadd.s32 s0, s6;
	s11 =	sadd.s32 s12, s2  }
0x15: {  	s12 =	sadd.s32 s15, s0;
	[dreg:$0x5] =	wrdreg s28;
	s15 =	simm.s32 $0x6  }
0x16: {  	v0 =	vimm.f32 $0.0e+00;
	[dreg:$0x4] =	wrdreg s7;
	s7 =	sadd.s32 $0x10, s6;
	s8 =	sadd.s32 $0x4E0, s6  }
.LBB2_16:
0x17: {  	[sflag:s15] =	ssyncadd.s32 $0xFFFFFB00;
	s7 =	smov.u32 s8  }
0x18: {  	s8 =	smov.u32 s9;
	s9 =	smov.u32 s5;
	s5 =	simm.s32 $0x2700  }
.LBB2_17:
0x19: {  	s31 =	sadd.s32 $0x1, s31  }
0x1a: {  	p1 =	sne.s32 s31, s9  }
.Ltmp1:
0x1b: {  	_ = 	snop;
	(pc) =	sbr.rel @!p1 .LBB2_18-.Ltmp1, $1  }
0x1c: {  	_ =	sdelay $0x3  }
.LBB2_1:
0x1d: {  	s0 =	rddreg [dreg:$0x4];
	s28 =	sand.u32 $0xFE00, s3  }
0x1e: {  	[tilespmem:s3], [sflag:$0x1] =	stream.linear.gather [hbm4b:s0+s3], $0x2710, $0x38;
	[tilespmem:$0x1E980] =	vst v63  }
0x1f: {  	s1 =	sand.u32 $0x70, s3;
	s13 =	sshrl.u32 s28, $0x2  }
0x20: {  	s0 =	simm.s32 $0x40;
	s13 =	sor.u32 s1, s13;
	s1 =	simm.s32 $0x0  }
.LBB2_2:
0x21: {  	p1 =	sne.s32 s0, $0xFFC0  }
0x22: {  	[tilespmem:s13+$0x2900] =	vst v0;
	s1 =	sadd.s32 $0x10, s1;
	s13 =	smov.u32 s0;
	s0 =	sadd.s32 $0x40, s0  }
.Ltmp2:
0x23: {  	(pc) =	sbr.rel @p1 .LBB2_2-.Ltmp2, $4  }
0x24: {  	_ = 	snop  }
0x25: {  	s13 =	sand.u32 $0xFE00, s13  }
0x26: {  	s28 =	sand.u32 $0x70, s1;
	s13 =	sshrl.u32 s13, $0x2  }
0x27: {  	s13 =	sor.u32 s28, s13  }
.Ltmp3:
0x28: {  	(pc) =	sbr.rel @p0 .LBB2_9-.Ltmp3, $2  }
0x29: {  	_ =	sdelay $0x2  }
0x2a: {  	[tilespmem:s13+$0x2900] =	vst v0  }
0x2b: {  	p1 =	sne.s32 s10, $0x1  }
.Ltmp4:
0x2c: {  	_ = 	snop;
	(pc) =	sbr.rel @!p1 .LBB2_6-.Ltmp4, $3  }
0x2d: {  	_ =	sdelay $0x1  }
0x2e: {  	[spmem:s11] =	stream.linear.scatter [tilespmem:s14], [sflag:$0x6], $0x2800, $0x38;
	[tilespmem:$0x1E980] =	vst v63  }
0x2f: {  	s0 =	sadd.s32 $0xFFFFFFFF, s10;
	s1 =	smov.u32 s11  }
.LBB2_5:
0x30: {  	p1 =	sne.s32 s0, $0x1  }
.Ltmp5:
0x31: {  	_ = 	snop;
	(pc) =	sbr.rel @p1 .LBB2_5-.Ltmp5, $3  }
0x32: {  	_ = 	snop  }
0x33: {  	s0 =	sadd.s32 $0xFFFFFFFF, s0;
	s1 =	sadd.s32 $0x2800, s1;
	_ =	sdelay $0x1  }
0x34: {  	[spmem:s1] =	stream.linear.scatter [tilespmem:s14], [sflag:$0x6], $0x2800, $0x38;
	[tilespmem:$0x1E980] =	vst v63  }
.LBB2_6:
0x35: {  	p1 =	sne.s32 s10, $0x1  }
.Ltmp6:
0x36: {  	_ = 	snop;
	(pc) =	sbr.rel @!p1 .LBB2_8-.Ltmp6, $3  }
0x37: {  	_ =	sdelay $0x1  }
0x38: {  	_ =	swait.ge [sflag:s15], $0x2800  }
0x39: {  	s0 =	sadd.s32 $0xFFFFFFFF, s10;
	[sflag:s15] =	ssyncset.done $0x0  }
.LBB2_7:
0x3a: {  	p1 =	sne.s32 s0, $0x1;
	s0 =	sadd.s32 $0xFFFFFFFF, s0;
	[sflag:s15] =	ssyncadd.s32 $0xFFFFD800  }
.Ltmp7:
0x3b: {  	(pc) =	sbr.rel @p1 .LBB2_7-.Ltmp7, $3  }
0x3c: {  	_ =	sdelay $0x1  }
0x3d: {  	_ =	swait.ge [sflag:s15], $0x2800  }
0x3e: {  	[sflag:s15] =	ssyncset.done $0x0  }
.LBB2_8:
0x3f: {  	[sflag:s15] =	ssyncadd.s32 $0xFFFFD800  }
.LBB2_9:
0x40: {  	_ =	swait.ge [sflag:s16], $0x2710  }
0x41: {  	[sflag:s16] =	ssyncset.done $0x0  }
0x42: {  	[sflag:s16] =	ssyncadd.s32 $0xFFFFD8F0  }
0x43: {  	[bflag:$0x0] =	sbarrier.arrive $0xFFFF  }
0x44: {  	[tilespmem:s17], [sflag:$0x2] =	stream.linear.gather [hbm4b:s6+s3], $0x80, $0x38;
	[tilespmem:$0x1E980] =	vst v63  }
0x45: {  	_ = 	snop  }
0x46: {  	[tilespmem:s14], [sflag:$0x1] =	stream.indirect.gather [hbm4b:s4+s18], $0x80, s3, s18, $0xb8;
	[tilespmem:$0x1E980] =	vst v63  }
0x47: {  	_ =	swait.ge [sflag:s16], $0x4000  }
0x48: {  	[sflag:s16] =	ssyncset.done $0x0  }
0x49: {  	[sflag:s16] =	ssyncadd.s32 $0xFFFFC000  }
0x4a: {  	_ =	swait.ge [sflag:s19], $0x80  }
0x4b: {  	[sflag:s19] =	ssyncset.done $0x0  }
0x4c: {  	[sflag:s19] =	ssyncadd.s32 $0xFFFFFF80  }
0x4d: {  	[spmem:s2] =	stream.indirect.scatter.add.f32 [tilespmem:s14], [sflag:$0x4], $0x80, s17, s18, $0xb8;
	[tilespmem:$0x1E980] =	vst v63  }
0x4e: {  	_ = 	snop  }
0x4f: {  	[tilespmem:s20], [sflag:$0x3] =	stream.linear.gather [hbm4b:s7+s3], $0x80, $0x38;
	[tilespmem:$0x1E980] =	vst v63  }
0x50: {  	_ = 	snop  }
0x51: {  	[tilespmem:s21], [sflag:$0x1] =	stream.indirect.gather [hbm4b:s4+s18], $0x80, s18, s18, $0xb8;
	[tilespmem:$0x1E980] =	vst v63  }
0x52: {  	_ =	swait.ge [sflag:s16], $0x4000  }
0x53: {  	[sflag:s16] =	ssyncset.done $0x0  }
0x54: {  	[sflag:s16] =	ssyncadd.s32 $0xFFFFC000  }
0x55: {  	_ =	swait.ge [sflag:s22], $0x80  }
0x56: {  	[sflag:s22] =	ssyncset.done $0x0  }
0x57: {  	[sflag:s22] =	ssyncadd.s32 $0xFFFFFF80  }
0x58: {  	[spmem:s2] =	stream.indirect.scatter.add.f32 [tilespmem:s21], [sflag:$0x5], $0x80, s20, s18, $0xb8;
	[tilespmem:$0x1E980] =	vst v63  }
0x59: {  	_ =	swait.ge [sflag:s23], $0x4000  }
0x5a: {  	s0 =	sadd.s32 $0xFFFFFB40, s12;
	[sflag:s23] =	ssyncset.done $0x0  }
0x5b: {  	s1 =	sadd.s32 $0x4E0, s0;
	[sflag:s23] =	ssyncadd.s32 $0xFFFFC000  }
0x5c: {  	[tilespmem:s17], [sflag:$0x2] =	stream.linear.gather [hbm4b:s1+s3], $0x80, $0x38;
	[tilespmem:$0x1E980] =	vst v63  }
0x5d: {  	s28 =	simm.s32 $0x100  }
0x5e: {  	[tilespmem:s14], [sflag:$0x1] =	stream.indirect.gather [hbm4b:s4+s18], $0x80, s28, s18, $0xb8;
	[tilespmem:$0x1E980] =	vst v63  }
0x5f: {  	_ =	swait.ge [sflag:s16], $0x4000  }
0x60: {  	[sflag:s16] =	ssyncset.done $0x0  }
0x61: {  	[sflag:s16] =	ssyncadd.s32 $0xFFFFC000  }
0x62: {  	_ =	swait.ge [sflag:s19], $0x80  }
0x63: {  	[sflag:s19] =	ssyncset.done $0x0  }
0x64: {  	[sflag:s19] =	ssyncadd.s32 $0xFFFFFF80  }
0x65: {  	[spmem:s2] =	stream.indirect.scatter.add.f32 [tilespmem:s14], [sflag:$0x4], $0x80, s17, s18, $0xb8;
	[tilespmem:$0x1E980] =	vst v63  }
0x66: {  	_ =	swait.ge [sflag:s24], $0x4000  }
0x67: {  	[sflag:s24] =	ssyncset.done $0x0  }
0x68: {  	s0 =	sadd.s32 $0x4F0, s0;
	[sflag:s24] =	ssyncadd.s32 $0xFFFFC000  }
0x69: {  	[tilespmem:s20], [sflag:$0x3] =	stream.linear.gather [hbm4b:s0+s3], $0x80, $0x38;
	[tilespmem:$0x1E980] =	vst v63  }
0x6a: {  	s13 =	simm.s32 $0x180;
	s1 =	simm.s32 $0x200;
	s0 =	simm.s32 $0xFFFFFB60  }
.LBB2_10:
0x6b: {  	[tilespmem:s21], [sflag:$0x1] =	stream.indirect.gather [hbm4b:s4+s18], $0x80, s13, s18, $0xb8;
	[tilespmem:$0x1E980] =	vst v63  }
0x6c: {  	s13 =	smov.u32 s0  }
0x6d: {  	p1 =	sne.s32 s0, $0xFFFFFFE0;
	s0 =	sadd.s32 $0x20, s0;
	_ =	swait.ge [sflag:s16], $0x4000  }
0x6e: {  	[sflag:s16] =	ssyncset.done $0x0  }
0x6f: {  	[sflag:s16] =	ssyncadd.s32 $0xFFFFC000  }
0x70: {  	_ =	swait.ge [sflag:s22], $0x80  }
0x71: {  	[sflag:s22] =	ssyncset.done $0x0  }
0x72: {  	[sflag:s22] =	ssyncadd.s32 $0xFFFFFF80  }
0x73: {  	[spmem:s2] =	stream.indirect.scatter.add.f32 [tilespmem:s21], [sflag:$0x5], $0x80, s20, s18, $0xb8;
	[tilespmem:$0x1E980] =	vst v63  }
0x74: {  	_ =	swait.ge [sflag:s23], $0x4000  }
0x75: {  	s13 =	sadd.s32 s13, s12;
	[sflag:s23] =	ssyncset.done $0x0  }
0x76: {  	s28 =	sadd.s32 $0x4E0, s13;
	[sflag:s23] =	ssyncadd.s32 $0xFFFFC000  }
0x77: {  	[tilespmem:s17], [sflag:$0x2] =	stream.linear.gather [hbm4b:s28+s3], $0x80, $0x38;
	[tilespmem:$0x1E980] =	vst v63  }
0x78: {  	_ = 	snop  }
0x79: {  	[tilespmem:s14], [sflag:$0x1] =	stream.indirect.gather [hbm4b:s4+s18], $0x80, s1, s18, $0xb8;
	[tilespmem:$0x1E980] =	vst v63  }
0x7a: {  	_ =	swait.ge [sflag:s16], $0x4000  }
0x7b: {  	[sflag:s16] =	ssyncset.done $0x0  }
0x7c: {  	[sflag:s16] =	ssyncadd.s32 $0xFFFFC000  }
0x7d: {  	_ =	swait.ge [sflag:s19], $0x80  }
0x7e: {  	[sflag:s19] =	ssyncset.done $0x0  }
0x7f: {  	[sflag:s19] =	ssyncadd.s32 $0xFFFFFF80  }
0x80: {  	[spmem:s2] =	stream.indirect.scatter.add.f32 [tilespmem:s14], [sflag:$0x4], $0x80, s17, s18, $0xb8;
	[tilespmem:$0x1E980] =	vst v63  }
.Ltmp8:
0x81: {  	_ =	swait.ge [sflag:s24], $0x4000;
	(pc) =	sbr.rel @p1 .LBB2_10-.Ltmp8, $4  }
0x82: {  	[sflag:s24] =	ssyncset.done $0x0  }
0x83: {  	s13 =	sadd.s32 $0x4F0, s13;
	[sflag:s24] =	ssyncadd.s32 $0xFFFFC000  }
0x84: {  	[tilespmem:s20], [sflag:$0x3] =	stream.linear.gather [hbm4b:s13+s3], $0x80, $0x38;
	[tilespmem:$0x1E980] =	vst v63  }
0x85: {  	s13 =	sadd.s32 $0x80, s1;
	s1 =	sadd.s32 $0x100, s1  }
0x86: {  	[tilespmem:s21], [sflag:$0x1] =	stream.indirect.gather [hbm4b:s4+s18], $0x80, s13, s18, $0xb8;
	[tilespmem:$0x1E980] =	vst v63  }
0x87: {  	_ =	swait.ge [sflag:s16], $0x4000  }
0x88: {  	[sflag:s16] =	ssyncset.done $0x0  }
0x89: {  	[sflag:s16] =	ssyncadd.s32 $0xFFFFC000  }
0x8a: {  	_ =	swait.ge [sflag:s22], $0x80  }
0x8b: {  	[sflag:s22] =	ssyncset.done $0x0  }
0x8c: {  	[sflag:s22] =	ssyncadd.s32 $0xFFFFFF80  }
0x8d: {  	[spmem:s2] =	stream.indirect.scatter.add.f32 [tilespmem:s21], [sflag:$0x5], $0x80, s20, s18, $0xb8;
	[tilespmem:$0x1E980] =	vst v63  }
0x8e: {  	_ =	swait.ge [sflag:s23], $0x4000  }
0x8f: {  	[sflag:s23] =	ssyncset.done $0x0  }
0x90: {  	[sflag:s23] =	ssyncadd.s32 $0xFFFFC000  }
0x91: {  	[tilespmem:s25], [sflag:$0x2] =	stream.linear.gather [hbm4b:s8+s3], $0x10, $0x38;
	[tilespmem:$0x1E980] =	vst v63  }
0x92: {  	_ = 	snop  }
0x93: {  	[tilespmem:s29], [sflag:$0x1] =	stream.indirect.gather [hbm4b:s4+s26], $0x80, s5, s26, $0xb8;
	[tilespmem:$0x1E980] =	vst v63  }
0x94: {  	_ =	swait.ge [sflag:s16], $0x800  }
0x95: {  	[sflag:s16] =	ssyncset.done $0x0  }
0x96: {  	[sflag:s16] =	ssyncadd.s32 $0xFFFFF800  }
0x97: {  	_ =	swait.ge [sflag:s19], $0x10  }
0x98: {  	[sflag:s19] =	ssyncset.done $0x0  }
0x99: {  	[sflag:s19] =	ssyncadd.s32 $0xFFFFFFF0  }
0x9a: {  	[spmem:s2] =	stream.indirect.scatter.add.f32 [tilespmem:s29], [sflag:$0x7], $0x80, s25, s26, $0xb8;
	[tilespmem:$0x1E980] =	vst v63  }
0x9b: {  	_ =	swait.ge [sflag:s30], $0x800  }
0x9c: {  	[sflag:s30] =	ssyncset.done $0x0  }
0x9d: {  	[sflag:s30] =	ssyncadd.s32 $0xFFFFF800  }
.Ltmp9:
0x9e: {  	_ =	swait.ge [sflag:s24], $0x4000;
	(pc) =	sbr.rel @p0 .LBB2_17-.Ltmp9, $3  }
0x9f: {  	[sflag:s24] =	ssyncset.done $0x0  }
0xa0: {  	[sflag:s24] =	ssyncadd.s32 $0xFFFFC000  }
0xa1: {  	[bflag:$0x0] =	sbarrier.arrive $0xFFFF;
	_ =	sdelay $0x1  }
0xa2: {  	p1 =	sne.s32 s10, $0x1  }
.Ltmp10:
0xa3: {  	s0 =	stileid.u32;
	(pc) =	sbr.rel @!p1 .LBB2_14-.Ltmp10, $4  }
0xa4: {  	s5 =	smov.u32 s9;
	s9 =	smov.u32 s8;
	s0 =	sshll.u32 s0, $0x6  }
0xa5: {  	s1 =	sshrl.u32 s11, $0x3;
	s13 =	rddreg [dreg:$0x5];
	s0 =	sor.u32 $0x1C06, s0  }
0xa6: {  	[hbm:s13], [sflag:s0] =	dma.local [spmem:s1], $0x500  }
0xa7: {  	s8 =	smov.u32 s7;
	s28 =	sadd.s32 $0x2800, s11;
	s1 =	sadd.s32 $0xFFFFFFFF, s10  }
.LBB2_13:
0xa8: {  	p1 =	sne.s32 s1, $0x1;
	s1 =	sadd.s32 $0xFFFFFFFF, s1  }
.Ltmp11:
0xa9: {  	s7 =	sshrl.u32 s28, $0x3;
	s13 =	sadd.s32 $0x500, s13;
	(pc) =	sbr.rel @p1 .LBB2_13-.Ltmp11, $3  }
0xaa: {  	[hbm:s13], [sflag:s0] =	dma.local [spmem:s7], $0x500  }
0xab: {  	_ =	sdelay $0x1  }
0xac: {  	s28 =	sadd.s32 $0x2800, s28  }
.LBB2_14:
0xad: {  	p1 =	sne.s32 s10, $0x1  }
.Ltmp12:
0xae: {  	_ = 	snop;
	(pc) =	sbr.rel @!p1 .LBB2_16-.Ltmp12, $3  }
0xaf: {  	_ =	sdelay $0x1  }
0xb0: {  	_ =	swait.ge [sflag:s15], $0x500  }
0xb1: {  	s0 =	sadd.s32 $0xFFFFFFFF, s10;
	[sflag:s15] =	ssyncset.done $0x0  }
.LBB2_15:
0xb2: {  	p1 =	sne.s32 s0, $0x1;
	s0 =	sadd.s32 $0xFFFFFFFF, s0;
	[sflag:s15] =	ssyncadd.s32 $0xFFFFFB00  }
.Ltmp13:
0xb3: {  	(pc) =	sbr.rel @p1 .LBB2_15-.Ltmp13, $3  }
0xb4: {  	_ =	sdelay $0x1  }
0xb5: {  	_ =	swait.ge [sflag:s15], $0x500  }
0xb6: {  	[sflag:s15] =	ssyncset.done $0x0  }
.Ltmp14:
0xb7: {  	_ = 	snop;
	(pc) =	sbr.rel .LBB2_16-.Ltmp14, $1  }
0xb8: {  	_ =	sdelay $0x3  }
.LBB2_18:
0xb9: {  	_ =	sfence.sel $0x180000  }
0xba: {  	[bflag:$0x0] =	sbarrier.arrive $0xFFFF  }
0xbb: {  	_ =	strace $0x9000004D  }
0xbc: {  	s0 =	stileid.u32;
	[bflag:$0x2] =	sbarrier.arrive $0xFFFF  }
0xbd: {  	p0 =	sne.s32 s0, $0x0;
	s0 =	rddreg [dreg:$0x3]  }
0xbe: {  	s0 =	sadd.s32 @!p0 $0x100000, s0  }
0xbf: {  	[sflag:s0] =	ssyncadd.tile.s32 @!p0 $0x1;
	_ =	shalt  }
.Lfunc_end2:
_tile_overlayer_lowered:
.L_overlay_start_2:
0xc0: {  	(tag) =	ssettag $0x2  }
0xc1: {  	s0 =	rddreg [dreg:$0x0];
	s2 =	stileid.u32  }
0xc2: {  	s1 =	rddreg [dreg:$0x1];
	p0 =	sne.s32 s2, $0x0  }
0xc3: {  	s3 =	rddreg [dreg:$0x2];
	[bflag:$0x3] =	sbarrier.arrive $0xFFFF;
	s2 =	simm.s32 @!p0 $0x1C07  }
0xc4: {  	[timem:s3], [sflag:s2] =	dma.local @!p0 [hbm:s0], s1  }
0xc5: {  	s0 =	simm.s32 @!p0 $0x7  }
0xc6: {  	_ =	swait.ge @!p0 [sflag:s0], s1  }
0xc7: {  	s1 =	ssub.s32 @!p0 $0x0, s1;
	[sflag:s0] =	ssyncset.done @!p0 $0x0  }
0xc8: {  	[sflag:s0] =	ssyncadd.s32 @!p0 s1  }
0xc9: {  	[bflag:$0x3] =	sbarrier.arrive $0xFFFF  }
0xca: {  	_ =	shalt  }

// kernel: kernel.19.cloned.1.call-start
scs
__scs_entry_jumppad:
0x0: {  	(pc) =	sbr.rel $0x88, $3  }
0x1: {  	(tag) =	ssettag $0x0;
	lr =	simm.s32 $0x1  }
0x2: {  	[smem:$0x3F96] =	sst lr;
	_ =	strace $0xD0000000  }
0x3: {  	_ = 	snop  }
0x4: {  	_ = 	snop  }
0x5: {  	_ = 	snop  }
0x6: {  	_ = 	snop  }
0x7: {  	_ = 	snop  }
__scs_overlays_trampoline_lowered:
0x8: {  	[smem:$0x3FA5] =	sst s0  }
0x9: {  	[smem:$0x3FA6] =	sst s1  }
0xa: {  	[smem:$0x3FA7] =	sst s2  }
0xb: {  	[smem:$0x3FA8] =	sst s3  }
0xc: {  	[smem:$0x3FA9] =	sst s4  }
0xd: {  	[smem:$0x3FAA] =	sst s5  }
0xe: {  	[smem:$0x3FAB] =	sst s6  }
0xf: {  	[smem:$0x3FAC] =	sst s7  }
0x10: {  	[smem:$0x3FAD] =	sst s8  }
0x11: {  	[smem:$0x3FAE] =	sst s9;
	s0 =	simm.s32 @!p0 $0x0  }
0x12: {  	s1 =	sld [smem:$0x3F94];
	s0 =	simm.s32 @p0 $0x1  }
0x13: {  	[smem:$0x3FAF] =	sst s0;
	s0 =	simm.s32 @!p1 $0x0  }
0x14: {  	s2 =	sld [smem:$0x3F93];
	s0 =	simm.s32 @p1 $0x1  }
0x15: {  	[smem:$0x3FB0] =	sst s0;
	s0 =	simm.s32 @!p2 $0x0  }
0x16: {  	s3 =	sld [smem:$0x3FDB];
	s0 =	simm.s32 @p2 $0x1  }
0x17: {  	s4 =	simm.s32 $0x1BF5;
	[smem:$0x3FB2] =	sst s0  }
0x18: {  	s0 =	sld [smem:$0x3F95];
	_ =	swait.ge [sflag:s4], $0x0  }
0x19: {  	s7 =	sld [smem:$0x3F96]  }
0x1a: {  	s8 =	sadd.s32 $0xFFFFE003, lr  }
0x1b: {  	s9 =	sadd.s32 $0xFFFFFEF7, lr;
	s5 =	simm.s32 $0xFFFFFFFF;
	p2 =	slt.u32 s8, $0xFFFFF086  }
0x1c: {  	p1 =	slt.u32 s9, $0xF7A;
	s5 =	simm.s32 @!p2 $0x0  }
0x1d: {  	s5 =	simm.s32 @p1 $0x1;
	p0 =	seq.s32 s7, s2  }
0x1e: {  	s7 =	smul.u32 @!p0 $0xF7A, s2;
	p2 =	seq.s32 @!p0 s5, $0x0  }
0x1f: {  	s9 =	smul.u32 $0xF7A, s1;
	s8 =	simm.s32 @!p0 $0x1BF5;
	p2 =	por !p2, p0  }
0x20: {  	[sflag:s8] =	ssyncset.s32 @!p0 $0xFFFFF086;
	s6 =	sadd.s32 @!p0 s3, s7;
	s7 =	simm.s32 @!p0 $0x108  }
0x21: {  	s3 =	sadd.s32 s3, s9;
	s6 =	sadd.s32 @!p0 $0x88, s6;
	s7 =	simm.s32 @p2 $0x1082  }
0x22: {  	[simem:s7], [sflag:s8] =	dma.local @!p0 [hbm:s6], $0xF7A  }
0x23: {  	s9 =	sor.u32 $0xD0000000, s2;
	s6 =	simm.s32 $0x108;
	_ =	swait.ge @!p0 [sflag:s8], $0x0  }
0x24: {  	s3 =	sadd.s32 $0x88, s3;
	s6 =	simm.s32 @!p1 $0x1082;
	[sflag:s4] =	ssyncset.s32 $0xFFFFF086  }
0x25: {  	[simem:s6], [sflag:s4] =	dma.local [hbm:s3], $0xF7A  }
0x26: {  	[smem:$0x3F96] =	sst s1;
	(tag) =	ssettag s2;
	_ =	strace s9  }
0x27: {  	s1 =	sld [smem:$0x3FA6]  }
0x28: {  	s2 =	sld [smem:$0x3FA7]  }
0x29: {  	s4 =	sld [smem:$0x3FA9]  }
0x2a: {  	p0 =	seq.s32 s5, $0x0;
	s5 =	sld [smem:$0x3FAA]  }
0x2b: {  	s6 =	sld [smem:$0x3FAB]  }
0x2c: {  	s7 =	sld [smem:$0x3FAC]  }
0x2d: {  	s3 =	simm.s32 $0x108;
	s8 =	sld [smem:$0x3FAD]  }
0x2e: {  	s3 =	simm.s32 @!p0 $0x1082;
	s9 =	sld [smem:$0x3FAE]  }
0x2f: {  	lr =	sadd.s32 s0, s3;
	s0 =	sld [smem:$0x3FA5]  }
0x30: {  	s3 =	sld [smem:$0x3FA8]  }
0x31: {  	[smem:$0x3FB1] =	sst s10  }
0x32: {  	s10 =	sld [smem:$0x3FAF];
	_ =	sdelay $0x3  }
0x33: {  	p0 =	seq.s32 s10, $0x1;
	s10 =	sld [smem:$0x3FB1];
	_ =	sdelay $0x3  }
0x34: {  	[smem:$0x3FB1] =	sst s10  }
0x35: {  	s10 =	sld [smem:$0x3FB0];
	_ =	sdelay $0x3  }
0x36: {  	p1 =	seq.s32 s10, $0x1;
	s10 =	sld [smem:$0x3FB1];
	_ =	sdelay $0x3  }
0x37: {  	[smem:$0x3FB1] =	sst s10  }
0x38: {  	s10 =	sld [smem:$0x3FB2]  }
0x39: {  	_ = 	snop;
	(pc) =	sbr.ind lr, $3  }
0x3a: {  	_ = 	snop  }
0x3b: {  	_ = 	snop  }
0x3c: {  	p2 =	seq.s32 s10, $0x1;
	s10 =	sld [smem:$0x3FB1]  }
0x3d: {  	_ =	shalt  }
0x3e: {  	_ =	shalt  }
0x3f: {  	_ =	shalt  }
0x40: {  	_ =	shalt  }
0x41: {  	_ =	shalt  }
0x42: {  	_ =	shalt  }
0x43: {  	_ =	shalt  }
0x44: {  	_ =	shalt  }
0x45: {  	_ =	shalt  }
0x46: {  	_ =	shalt  }
0x47: {  	_ =	shalt  }
0x48: {  	_ =	shalt  }
0x49: {  	_ =	shalt  }
0x4a: {  	_ =	shalt  }
0x4b: {  	_ =	shalt  }
0x4c: {  	_ =	shalt  }
0x4d: {  	_ =	shalt  }
0x4e: {  	_ =	shalt  }
0x4f: {  	_ =	shalt  }
0x50: {  	_ =	shalt  }
0x51: {  	_ =	shalt  }
0x52: {  	_ =	shalt  }
0x53: {  	_ =	shalt  }
0x54: {  	_ =	shalt  }
0x55: {  	_ =	shalt  }
0x56: {  	_ =	shalt  }
0x57: {  	_ =	shalt  }
0x58: {  	_ =	shalt  }
0x59: {  	_ =	shalt  }
0x5a: {  	_ =	shalt  }
0x5b: {  	_ =	shalt  }
0x5c: {  	_ =	shalt  }
0x5d: {  	_ =	shalt  }
0x5e: {  	_ =	shalt  }
0x5f: {  	_ =	shalt  }
0x60: {  	_ =	shalt  }
0x61: {  	_ =	shalt  }
0x62: {  	_ =	shalt  }
0x63: {  	_ =	shalt  }
0x64: {  	_ =	shalt  }
0x65: {  	_ =	shalt  }
0x66: {  	_ =	shalt  }
0x67: {  	_ =	shalt  }
0x68: {  	_ =	shalt  }
0x69: {  	_ =	shalt  }
0x6a: {  	_ =	shalt  }
0x6b: {  	_ =	shalt  }
0x6c: {  	_ =	shalt  }
0x6d: {  	_ =	shalt  }
0x6e: {  	_ =	shalt  }
0x6f: {  	_ =	shalt  }
0x70: {  	_ =	shalt  }
0x71: {  	_ =	shalt  }
0x72: {  	_ =	shalt  }
0x73: {  	_ =	shalt  }
0x74: {  	_ =	shalt  }
0x75: {  	_ =	shalt  }
0x76: {  	_ =	shalt  }
0x77: {  	_ =	shalt  }
0x78: {  	_ =	shalt  }
0x79: {  	_ =	shalt  }
0x7a: {  	_ =	shalt  }
0x7b: {  	_ =	shalt  }
0x7c: {  	_ =	shalt  }
0x7d: {  	_ =	shalt  }
0x7e: {  	_ =	shalt  }
0x7f: {  	_ =	shalt  }
0x80: {  	_ =	shalt  }
0x81: {  	_ =	shalt  }
0x82: {  	_ =	shalt  }
0x83: {  	_ =	shalt  }
0x84: {  	_ =	shalt  }
0x85: {  	_ =	shalt  }
0x86: {  	_ =	shalt  }
0x87: {  	_ =	shalt  }
.Lfunc_end0:
.L_simem_size_0:
called_computation.3_lowered:
.L_overlay_start_0:
0x88: {  	s2 =	sld [smem:$0x3FD9]  }
0x89: {  	s3 =	sld [smem:$0x3FFE];
	_ =	sdelay $0x1  }
0x8a: {  	s1 =	srdreg.scid  }
0x8b: {  	s0 =	sand.u32 $0x1, s1  }
0x8c: {  	s17 =	sshll.u32 s0, $0xA;
	s2 =	sadd.s32 s3, s2  }
0x8d: {  	s2 =	sadd.s32 s2, s17  }
0x8e: {  	[smem:$0x3FBD] =	sst s2  }
0x8f: {  	_ = 	snop  }
0x90: {  	s2 =	sld [smem:$0x3FD0];
	(tm) =	ssettm $0x1  }
0x91: {  	s18 =	sld [smem:$0x3FFB];
	_ =	sdelay $0x3  }
0x92: {  	_ =	strace s18  }
0x93: {  	s3 =	sld [smem:$0x3FFC];
	_ =	sdelay $0x3  }
0x94: {  	_ =	strace s3  }
0x95: {  	s3 =	sld [smem:$0x3FFD];
	_ =	sdelay $0x3  }
0x96: {  	_ =	strace s3  }
0x97: {  	_ =	strace $0x8FFFFFFF  }
0x98: {  	s19 =	sld [smem:$0x3FDB];
	_ =	sdelay $0x1  }
0x99: {  	s4 =	simm.s32 $_scs_section_size  }
0x9a: {  	s5 =	simm.s32 $_size__tile_overlayer_lowered;
	s6 =	simm.s32 $_tile_overlayer_lowered  }
0x9b: {  	s22 =	simm.s32 $0x1BFF;
	s21 =	sshll.u32 s6, $0x1;
	s3 =	sadd.s32 s4, s19  }
0x9c: {  	s7 =	simm.s32 $0x0;
	s20 =	sshll.u32 s5, $0x1;
	s5 =	sadd.s32 s21, s3  }
0x9d: {  	[timem:s7], [sflag:s22] =	dma.local [hbm:s5], s20  }
0x9e: {  	_ =	swait.ge [sflag:s22], s20  }
0x9f: {  	s4 =	ssub.s32 $0x0, s20;
	[sflag:s22] =	ssyncset.done $0x0  }
0xa0: {  	[sflag:s22] =	ssyncadd.s32 s4;
	_ =	sdelay $0x1  }
0xa1: {  	s23 =	simm.s32 $0x1B8B  }
0xa2: {  	_ =	swait.ge [sflag:s23], $0x1  }
0xa3: {  	[sflag:s23] =	ssyncset.done $0x0  }
0xa4: {  	s25 =	simm.s32 $0x1B8E;
	s24 =	sld [smem:$0x3FFE];
	[sflag:s23] =	ssyncadd.s32 $0xFFFFFFFF  }
0xa5: {  	s26 =	simm.s32 $execute0_lowered;
	[smem:$0x3FD2] =	sst s25  }
0xa6: {  	s5 =	sshll.u32 s26, $0x1;
	_ =	strace $0x8000004F;
	[dreg:$0x1] =	wrdreg $0xFFFFFFFF  }
0xa7: {  	s28 =	simm.s32 $_size_execute0_lowered;
	s3 =	sadd.s32 s3, s5;
	[dreg:$0x0] =	wrdreg $0x0  }
0xa8: {  	s5 =	sshll.u32 s28, $0x1;
	[dreg:$0x2] =	wrdreg s3  }
0xa9: {  	[dreg:$0x3] =	wrdreg s5  }
0xaa: {  	[dreg:$0x4] =	wrdreg $0xC0  }
0xab: {  	_ =	task [dreg:s7], $0x5FFFF  }
0xac: {  	[dreg:$0x1] =	wrdreg $0xFFFFFFFF  }
0xad: {  	[dreg:$0x0] =	wrdreg $0x60  }
0xae: {  	[dreg:$0x2] =	wrdreg s24  }
0xaf: {  	[dreg:$0x3] =	wrdreg s2  }
0xb0: {  	[dreg:$0x4] =	wrdreg $0xB1000  }
0xb1: {  	[dreg:$0x5] =	wrdreg $0x9  }
0xb2: {  	_ =	task.clear_ibuf [dreg:s7], $0x6FFFF;
	_ =	strace $0x9000004F  }
0xb3: {  	s29 =	simm.s32 $0x9;
	_ =	strace $0x80000051  }
0xb4: {  	_ =	swait.ge [sflag:s29], $0x1  }
0xb5: {  	[sflag:s29] =	ssyncadd.s32 $0xFFFFFFFF  }
0xb6: {  	_ =	strace $0x90000051  }
0xb7: {  	_ =	sfence  }
0xb8: {  	s30 =	sld [smem:$0x0];
	_ =	sdelay $0x2  }
0xb9: {  	s31 =	sshll.u32 s1, $0xD;
	s1 =	sshrl.u32 s1, $0x2  }
0xba: {  	s3 =	sand.u32 $0x4000, s31;
	s1 =	sadd.s32 s1, s30  }
0xbb: {  	s0 =	sor.u32 s3, s0;
	s1 =	sshll.u32 s1, $0x11  }
0xbc: {  	s0 =	sor.u32 s1, s0  }
0xbd: {  	s0 =	sadd.s32 $0x8F2B, s0  }
0xbe: {  	[sflag:s0] =	ssyncadd.remote.s32 $0x1  }
0xbf: {  	_ =	sfence.sel $0xFFFF  }
0xc0: {  	[dreg:$0x0] =	wrdreg $0xFFFFFFFF;
	(pc) =	sbr.abs _section_cstart, $3  }
0xc1: {  	[dreg:$0x1] =	wrdreg $0xFFFFFFFF  }
0xc2: {  	_ =	task.clear_ibuf [dreg:s7], $0x2FFFF;
	_ =	strace $0x9FFFFFFF  }
0xc3: {  	(tm) =	ssettm $0x7FFFFFFF  }
tec
execute0_lowered:
.L_overlay_start_1:
0x0: {  	(tag) =	ssettag $0x1  }
0x1: {  	s0 =	rddreg [dreg:$0x0]  }
0x2: {  	s1 =	rddreg [dreg:$0x1]  }
0x3: {  	s2 =	rddreg [dreg:$0x2]  }
0x4: {  	s4 =	srdreg.scid;
	s10 =	stileid.u32  }
0x5: {  	s3 =	simm.s32 $0x0;
	s16 =	simm.s32 $0x1;
	s17 =	simm.s32 $0x2780  }
0x6: {  	s18 =	simm.s32 $0x80;
	s19 =	simm.s32 $0x2;
	s20 =	simm.s32 $0x2800  }
0x7: {  	s21 =	simm.s32 $0x6900;
	s22 =	simm.s32 $0x3;
	s23 =	simm.s32 $0x4  }
0x8: {  	s24 =	simm.s32 $0x5;
	s29 =	simm.s32 $0xA900;
	s6 =	smul.u32 $0x2710, s10  }
0x9: {  	s30 =	simm.s32 $0x7;
	s31 =	simm.s32 $0x0;
	s9 =	smul.u32 $0x7D, s10  }
0xa: {  	s5 =	sand.u32 $0x1, s4;
	[smem:$0x7FF] =	sst s3;
	s15 =	smul.u32 $0x4E2, s10  }
0xb: {  	s4 =	sadd.s32 $0x11C00, s0;
	s11 =	smul.u32 $0x27100, s5;
	s5 =	ssub.s32 $0x2, s5  }
0xc: {  	_ =	strace $0x80000050;
	s8 =	sshrl.u32 s5, $0x1;
	s13 =	sshrl.u32 s9, $0x4  }
0xd: {  	s25 =	sadd.s32 $0x7D, s9;
	s7 =	sadd.s32 s6, s11;
	s5 =	ssub.s32 s5, s8  }
0xe: {  	s6 =	sshrl.u32 s6, $0x3;
	s12 =	smul.u32 $0xA000, s13;
	s14 =	sshrl.u32 s25, $0x4  }
0xf: {  	s26 =	smul.u32 $0x500, s13;
	s1 =	sadd.s32 s11, s1;
	s25 =	simm.s32 $0x2880  }
0x10: {  	s7 =	sshrl.u32 s7, $0x3;
	s9 =	smax.u32 s5, $0x1;
	s10 =	ssub.s32 s14, s13  }
0x11: {  	p0 =	sle.u32 s14, s13;
	s14 =	simm.s32 $0x2900;
	s5 =	simm.s32 $0x2700  }
.Ltmp0:
0x12: {  	s7 =	sadd.s32 s7, s0;
	s0 =	sadd.s32 $0x2E00, s0;
	(pc) =	sbr.rel .LBB2_1-.Ltmp0, $4  }
0x13: {  	s12 =	sshrl.u32 s12, $0x2;
	s28 =	sadd.s32 s26, s1;
	s26 =	simm.s32 $0x10  }
0x14: {  	s7 =	sadd.s32 $0x7E00, s7;
	s6 =	sadd.s32 s0, s6;
	s11 =	sadd.s32 s12, s2  }
0x15: {  	s12 =	sadd.s32 s15, s0;
	[dreg:$0x5] =	wrdreg s28;
	s15 =	simm.s32 $0x6  }
0x16: {  	v0 =	vimm.f32 $0.0e+00;
	[dreg:$0x4] =	wrdreg s7;
	s7 =	sadd.s32 $0x10, s6;
	s8 =	sadd.s32 $0x4E0, s6  }
.LBB2_16:
0x17: {  	[sflag:s15] =	ssyncadd.s32 $0xFFFFFB00;
	s7 =	smov.u32 s8  }
0x18: {  	s8 =	smov.u32 s9;
	s9 =	smov.u32 s5;
	s5 =	simm.s32 $0x2700  }
.LBB2_17:
0x19: {  	s31 =	sadd.s32 $0x1, s31  }
0x1a: {  	p1 =	sne.s32 s31, s9  }
.Ltmp1:
0x1b: {  	_ = 	snop;
	(pc) =	sbr.rel @!p1 .LBB2_18-.Ltmp1, $1  }
0x1c: {  	_ =	sdelay $0x3  }
.LBB2_1:
0x1d: {  	s0 =	rddreg [dreg:$0x4];
	s28 =	sand.u32 $0xFE00, s3  }
0x1e: {  	[tilespmem:s3], [sflag:$0x1] =	stream.linear.gather [hbm4b:s0+s3], $0x2710, $0x38;
	[tilespmem:$0x1E980] =	vst v63  }
0x1f: {  	s1 =	sand.u32 $0x70, s3;
	s13 =	sshrl.u32 s28, $0x2  }
0x20: {  	s0 =	simm.s32 $0x40;
	s13 =	sor.u32 s1, s13;
	s1 =	simm.s32 $0x0  }
.LBB2_2:
0x21: {  	p1 =	sne.s32 s0, $0xFFC0  }
0x22: {  	[tilespmem:s13+$0x2900] =	vst v0;
	s1 =	sadd.s32 $0x10, s1;
	s13 =	smov.u32 s0;
	s0 =	sadd.s32 $0x40, s0  }
.Ltmp2:
0x23: {  	(pc) =	sbr.rel @p1 .LBB2_2-.Ltmp2, $4  }
0x24: {  	_ = 	snop  }
0x25: {  	s13 =	sand.u32 $0xFE00, s13  }
0x26: {  	s28 =	sand.u32 $0x70, s1;
	s13 =	sshrl.u32 s13, $0x2  }
0x27: {  	s13 =	sor.u32 s28, s13  }
.Ltmp3:
0x28: {  	(pc) =	sbr.rel @p0 .LBB2_9-.Ltmp3, $2  }
0x29: {  	_ =	sdelay $0x2  }
0x2a: {  	[tilespmem:s13+$0x2900] =	vst v0  }
0x2b: {  	p1 =	sne.s32 s10, $0x1  }
.Ltmp4:
0x2c: {  	_ = 	snop;
	(pc) =	sbr.rel @!p1 .LBB2_6-.Ltmp4, $3  }
0x2d: {  	_ =	sdelay $0x1  }
0x2e: {  	[spmem:s11] =	stream.linear.scatter [tilespmem:s14], [sflag:$0x6], $0x2800, $0x38;
	[tilespmem:$0x1E980] =	vst v63  }
0x2f: {  	s0 =	sadd.s32 $0xFFFFFFFF, s10;
	s1 =	smov.u32 s11  }
.LBB2_5:
0x30: {  	p1 =	sne.s32 s0, $0x1  }
.Ltmp5:
0x31: {  	_ = 	snop;
	(pc) =	sbr.rel @p1 .LBB2_5-.Ltmp5, $3  }
0x32: {  	_ = 	snop  }
0x33: {  	s0 =	sadd.s32 $0xFFFFFFFF, s0;
	s1 =	sadd.s32 $0x2800, s1;
	_ =	sdelay $0x1  }
0x34: {  	[spmem:s1] =	stream.linear.scatter [tilespmem:s14], [sflag:$0x6], $0x2800, $0x38;
	[tilespmem:$0x1E980] =	vst v63  }
.LBB2_6:
0x35: {  	p1 =	sne.s32 s10, $0x1  }
.Ltmp6:
0x36: {  	_ = 	snop;
	(pc) =	sbr.rel @!p1 .LBB2_8-.Ltmp6, $3  }
0x37: {  	_ =	sdelay $0x1  }
0x38: {  	_ =	swait.ge [sflag:s15], $0x2800  }
0x39: {  	s0 =	sadd.s32 $0xFFFFFFFF, s10;
	[sflag:s15] =	ssyncset.done $0x0  }
.LBB2_7:
0x3a: {  	p1 =	sne.s32 s0, $0x1;
	s0 =	sadd.s32 $0xFFFFFFFF, s0;
	[sflag:s15] =	ssyncadd.s32 $0xFFFFD800  }
.Ltmp7:
0x3b: {  	(pc) =	sbr.rel @p1 .LBB2_7-.Ltmp7, $3  }
0x3c: {  	_ =	sdelay $0x1  }
0x3d: {  	_ =	swait.ge [sflag:s15], $0x2800  }
0x3e: {  	[sflag:s15] =	ssyncset.done $0x0  }
.LBB2_8:
0x3f: {  	[sflag:s15] =	ssyncadd.s32 $0xFFFFD800  }
.LBB2_9:
0x40: {  	_ =	swait.ge [sflag:s16], $0x2710  }
0x41: {  	[sflag:s16] =	ssyncset.done $0x0  }
0x42: {  	[sflag:s16] =	ssyncadd.s32 $0xFFFFD8F0  }
0x43: {  	[bflag:$0x0] =	sbarrier.arrive $0xFFFF  }
0x44: {  	[tilespmem:s17], [sflag:$0x2] =	stream.linear.gather [hbm4b:s6+s3], $0x80, $0x38;
	[tilespmem:$0x1E980] =	vst v63  }
0x45: {  	_ = 	snop  }
0x46: {  	[tilespmem:s14], [sflag:$0x1] =	stream.indirect.gather [hbm4b:s4+s18], $0x80, s3, s18, $0xb8;
	[tilespmem:$0x1E980] =	vst v63  }
0x47: {  	_ =	swait.ge [sflag:s16], $0x4000  }
0x48: {  	[sflag:s16] =	ssyncset.done $0x0  }
0x49: {  	[sflag:s16] =	ssyncadd.s32 $0xFFFFC000  }
0x4a: {  	_ =	swait.ge [sflag:s19], $0x80  }
0x4b: {  	[sflag:s19] =	ssyncset.done $0x0  }
0x4c: {  	[sflag:s19] =	ssyncadd.s32 $0xFFFFFF80  }
0x4d: {  	[spmem:s2] =	stream.indirect.scatter.add.f32 [tilespmem:s14], [sflag:$0x4], $0x80, s17, s18, $0xb8;
	[tilespmem:$0x1E980] =	vst v63  }
0x4e: {  	_ = 	snop  }
0x4f: {  	[tilespmem:s20], [sflag:$0x3] =	stream.linear.gather [hbm4b:s7+s3], $0x80, $0x38;
	[tilespmem:$0x1E980] =	vst v63  }
0x50: {  	_ = 	snop  }
0x51: {  	[tilespmem:s21], [sflag:$0x1] =	stream.indirect.gather [hbm4b:s4+s18], $0x80, s18, s18, $0xb8;
	[tilespmem:$0x1E980] =	vst v63  }
0x52: {  	_ =	swait.ge [sflag:s16], $0x4000  }
0x53: {  	[sflag:s16] =	ssyncset.done $0x0  }
0x54: {  	[sflag:s16] =	ssyncadd.s32 $0xFFFFC000  }
0x55: {  	_ =	swait.ge [sflag:s22], $0x80  }
0x56: {  	[sflag:s22] =	ssyncset.done $0x0  }
0x57: {  	[sflag:s22] =	ssyncadd.s32 $0xFFFFFF80  }
0x58: {  	[spmem:s2] =	stream.indirect.scatter.add.f32 [tilespmem:s21], [sflag:$0x5], $0x80, s20, s18, $0xb8;
	[tilespmem:$0x1E980] =	vst v63  }
0x59: {  	_ =	swait.ge [sflag:s23], $0x4000  }
0x5a: {  	s0 =	sadd.s32 $0xFFFFFB40, s12;
	[sflag:s23] =	ssyncset.done $0x0  }
0x5b: {  	s1 =	sadd.s32 $0x4E0, s0;
	[sflag:s23] =	ssyncadd.s32 $0xFFFFC000  }
0x5c: {  	[tilespmem:s17], [sflag:$0x2] =	stream.linear.gather [hbm4b:s1+s3], $0x80, $0x38;
	[tilespmem:$0x1E980] =	vst v63  }
0x5d: {  	s28 =	simm.s32 $0x100  }
0x5e: {  	[tilespmem:s14], [sflag:$0x1] =	stream.indirect.gather [hbm4b:s4+s18], $0x80, s28, s18, $0xb8;
	[tilespmem:$0x1E980] =	vst v63  }
0x5f: {  	_ =	swait.ge [sflag:s16], $0x4000  }
0x60: {  	[sflag:s16] =	ssyncset.done $0x0  }
0x61: {  	[sflag:s16] =	ssyncadd.s32 $0xFFFFC000  }
0x62: {  	_ =	swait.ge [sflag:s19], $0x80  }
0x63: {  	[sflag:s19] =	ssyncset.done $0x0  }
0x64: {  	[sflag:s19] =	ssyncadd.s32 $0xFFFFFF80  }
0x65: {  	[spmem:s2] =	stream.indirect.scatter.add.f32 [tilespmem:s14], [sflag:$0x4], $0x80, s17, s18, $0xb8;
	[tilespmem:$0x1E980] =	vst v63  }
0x66: {  	_ =	swait.ge [sflag:s24], $0x4000  }
0x67: {  	[sflag:s24] =	ssyncset.done $0x0  }
0x68: {  	s0 =	sadd.s32 $0x4F0, s0;
	[sflag:s24] =	ssyncadd.s32 $0xFFFFC000  }
0x69: {  	[tilespmem:s20], [sflag:$0x3] =	stream.linear.gather [hbm4b:s0+s3], $0x80, $0x38;
	[tilespmem:$0x1E980] =	vst v63  }
0x6a: {  	s13 =	simm.s32 $0x180;
	s1 =	simm.s32 $0x200;
	s0 =	simm.s32 $0xFFFFFB60  }
.LBB2_10:
0x6b: {  	[tilespmem:s21], [sflag:$0x1] =	stream.indirect.gather [hbm4b:s4+s18], $0x80, s13, s18, $0xb8;
	[tilespmem:$0x1E980] =	vst v63  }
0x6c: {  	s13 =	smov.u32 s0  }
0x6d: {  	p1 =	sne.s32 s0, $0xFFFFFFE0;
	s0 =	sadd.s32 $0x20, s0;
	_ =	swait.ge [sflag:s16], $0x4000  }
0x6e: {  	[sflag:s16] =	ssyncset.done $0x0  }
0x6f: {  	[sflag:s16] =	ssyncadd.s32 $0xFFFFC000  }
0x70: {  	_ =	swait.ge [sflag:s22], $0x80  }
0x71: {  	[sflag:s22] =	ssyncset.done $0x0  }
0x72: {  	[sflag:s22] =	ssyncadd.s32 $0xFFFFFF80  }
0x73: {  	[spmem:s2] =	stream.indirect.scatter.add.f32 [tilespmem:s21], [sflag:$0x5], $0x80, s20, s18, $0xb8;
	[tilespmem:$0x1E980] =	vst v63  }
0x74: {  	_ =	swait.ge [sflag:s23], $0x4000  }
0x75: {  	s13 =	sadd.s32 s13, s12;
	[sflag:s23] =	ssyncset.done $0x0  }
0x76: {  	s28 =	sadd.s32 $0x4E0, s13;
	[sflag:s23] =	ssyncadd.s32 $0xFFFFC000  }
0x77: {  	[tilespmem:s17], [sflag:$0x2] =	stream.linear.gather [hbm4b:s28+s3], $0x80, $0x38;
	[tilespmem:$0x1E980] =	vst v63  }
0x78: {  	_ = 	snop  }
0x79: {  	[tilespmem:s14], [sflag:$0x1] =	stream.indirect.gather [hbm4b:s4+s18], $0x80, s1, s18, $0xb8;
	[tilespmem:$0x1E980] =	vst v63  }
0x7a: {  	_ =	swait.ge [sflag:s16], $0x4000  }
0x7b: {  	[sflag:s16] =	ssyncset.done $0x0  }
0x7c: {  	[sflag:s16] =	ssyncadd.s32 $0xFFFFC000  }
0x7d: {  	_ =	swait.ge [sflag:s19], $0x80  }
0x7e: {  	[sflag:s19] =	ssyncset.done $0x0  }
0x7f: {  	[sflag:s19] =	ssyncadd.s32 $0xFFFFFF80  }
0x80: {  	[spmem:s2] =	stream.indirect.scatter.add.f32 [tilespmem:s14], [sflag:$0x4], $0x80, s17, s18, $0xb8;
	[tilespmem:$0x1E980] =	vst v63  }
.Ltmp8:
0x81: {  	_ =	swait.ge [sflag:s24], $0x4000;
	(pc) =	sbr.rel @p1 .LBB2_10-.Ltmp8, $4  }
0x82: {  	[sflag:s24] =	ssyncset.done $0x0  }
0x83: {  	s13 =	sadd.s32 $0x4F0, s13;
	[sflag:s24] =	ssyncadd.s32 $0xFFFFC000  }
0x84: {  	[tilespmem:s20], [sflag:$0x3] =	stream.linear.gather [hbm4b:s13+s3], $0x80, $0x38;
	[tilespmem:$0x1E980] =	vst v63  }
0x85: {  	s13 =	sadd.s32 $0x80, s1;
	s1 =	sadd.s32 $0x100, s1  }
0x86: {  	[tilespmem:s21], [sflag:$0x1] =	stream.indirect.gather [hbm4b:s4+s18], $0x80, s13, s18, $0xb8;
	[tilespmem:$0x1E980] =	vst v63  }
0x87: {  	_ =	swait.ge [sflag:s16], $0x4000  }
0x88: {  	[sflag:s16] =	ssyncset.done $0x0  }
0x89: {  	[sflag:s16] =	ssyncadd.s32 $0xFFFFC000  }
0x8a: {  	_ =	swait.ge [sflag:s22], $0x80  }
0x8b: {  	[sflag:s22] =	ssyncset.done $0x0  }
0x8c: {  	[sflag:s22] =	ssyncadd.s32 $0xFFFFFF80  }
0x8d: {  	[spmem:s2] =	stream.indirect.scatter.add.f32 [tilespmem:s21], [sflag:$0x5], $0x80, s20, s18, $0xb8;
	[tilespmem:$0x1E980] =	vst v63  }
0x8e: {  	_ =	swait.ge [sflag:s23], $0x4000  }
0x8f: {  	[sflag:s23] =	ssyncset.done $0x0  }
0x90: {  	[sflag:s23] =	ssyncadd.s32 $0xFFFFC000  }
0x91: {  	[tilespmem:s25], [sflag:$0x2] =	stream.linear.gather [hbm4b:s8+s3], $0x10, $0x38;
	[tilespmem:$0x1E980] =	vst v63  }
0x92: {  	_ = 	snop  }
0x93: {  	[tilespmem:s29], [sflag:$0x1] =	stream.indirect.gather [hbm4b:s4+s26], $0x80, s5, s26, $0xb8;
	[tilespmem:$0x1E980] =	vst v63  }
0x94: {  	_ =	swait.ge [sflag:s16], $0x800  }
0x95: {  	[sflag:s16] =	ssyncset.done $0x0  }
0x96: {  	[sflag:s16] =	ssyncadd.s32 $0xFFFFF800  }
0x97: {  	_ =	swait.ge [sflag:s19], $0x10  }
0x98: {  	[sflag:s19] =	ssyncset.done $0x0  }
0x99: {  	[sflag:s19] =	ssyncadd.s32 $0xFFFFFFF0  }
0x9a: {  	[spmem:s2] =	stream.indirect.scatter.add.f32 [tilespmem:s29], [sflag:$0x7], $0x80, s25, s26, $0xb8;
	[tilespmem:$0x1E980] =	vst v63  }
0x9b: {  	_ =	swait.ge [sflag:s30], $0x800  }
0x9c: {  	[sflag:s30] =	ssyncset.done $0x0  }
0x9d: {  	[sflag:s30] =	ssyncadd.s32 $0xFFFFF800  }
.Ltmp9:
0x9e: {  	_ =	swait.ge [sflag:s24], $0x4000;
	(pc) =	sbr.rel @p0 .LBB2_17-.Ltmp9, $3  }
0x9f: {  	[sflag:s24] =	ssyncset.done $0x0  }
0xa0: {  	[sflag:s24] =	ssyncadd.s32 $0xFFFFC000  }
0xa1: {  	[bflag:$0x0] =	sbarrier.arrive $0xFFFF;
	_ =	sdelay $0x1  }
0xa2: {  	p1 =	sne.s32 s10, $0x1  }
.Ltmp10:
0xa3: {  	s0 =	stileid.u32;
	(pc) =	sbr.rel @!p1 .LBB2_14-.Ltmp10, $4  }
0xa4: {  	s5 =	smov.u32 s9;
	s9 =	smov.u32 s8;
	s0 =	sshll.u32 s0, $0x6  }
0xa5: {  	s1 =	sshrl.u32 s11, $0x3;
	s13 =	rddreg [dreg:$0x5];
	s0 =	sor.u32 $0x1C06, s0  }
0xa6: {  	[hbm:s13], [sflag:s0] =	dma.local [spmem:s1], $0x500  }
0xa7: {  	s8 =	smov.u32 s7;
	s28 =	sadd.s32 $0x2800, s11;
	s1 =	sadd.s32 $0xFFFFFFFF, s10  }
.LBB2_13:
0xa8: {  	p1 =	sne.s32 s1, $0x1;
	s1 =	sadd.s32 $0xFFFFFFFF, s1  }
.Ltmp11:
0xa9: {  	s7 =	sshrl.u32 s28, $0x3;
	s13 =	sadd.s32 $0x500, s13;
	(pc) =	sbr.rel @p1 .LBB2_13-.Ltmp11, $3  }
0xaa: {  	[hbm:s13], [sflag:s0] =	dma.local [spmem:s7], $0x500  }
0xab: {  	_ =	sdelay $0x1  }
0xac: {  	s28 =	sadd.s32 $0x2800, s28  }
.LBB2_14:
0xad: {  	p1 =	sne.s32 s10, $0x1  }
.Ltmp12:
0xae: {  	_ = 	snop;
	(pc) =	sbr.rel @!p1 .LBB2_16-.Ltmp12, $3  }
0xaf: {  	_ =	sdelay $0x1  }
0xb0: {  	_ =	swait.ge [sflag:s15], $0x500  }
0xb1: {  	s0 =	sadd.s32 $0xFFFFFFFF, s10;
	[sflag:s15] =	ssyncset.done $0x0  }
.LBB2_15:
0xb2: {  	p1 =	sne.s32 s0, $0x1;
	s0 =	sadd.s32 $0xFFFFFFFF, s0;
	[sflag:s15] =	ssyncadd.s32 $0xFFFFFB00  }
.Ltmp13:
0xb3: {  	(pc) =	sbr.rel @p1 .LBB2_15-.Ltmp13, $3  }
0xb4: {  	_ =	sdelay $0x1  }
0xb5: {  	_ =	swait.ge [sflag:s15], $0x500  }
0xb6: {  	[sflag:s15] =	ssyncset.done $0x0  }
.Ltmp14:
0xb7: {  	_ = 	snop;
	(pc) =	sbr.rel .LBB2_16-.Ltmp14, $1  }
0xb8: {  	_ =	sdelay $0x3  }
.LBB2_18:
0xb9: {  	_ =	sfence.sel $0x180000  }
0xba: {  	[bflag:$0x0] =	sbarrier.arrive $0xFFFF  }
0xbb: {  	_ =	strace $0x90000050  }
0xbc: {  	s0 =	stileid.u32;
	[bflag:$0x2] =	sbarrier.arrive $0xFFFF  }
0xbd: {  	p0 =	sne.s32 s0, $0x0;
	s0 =	rddreg [dreg:$0x3]  }
0xbe: {  	s0 =	sadd.s32 @!p0 $0x100000, s0  }
0xbf: {  	[sflag:s0] =	ssyncadd.tile.s32 @!p0 $0x1;
	_ =	shalt  }
.Lfunc_end2:
_tile_overlayer_lowered:
.L_overlay_start_2:
0xc0: {  	(tag) =	ssettag $0x2  }
0xc1: {  	s0 =	rddreg [dreg:$0x0];
	s2 =	stileid.u32  }
0xc2: {  	s1 =	rddreg [dreg:$0x1];
	p0 =	sne.s32 s2, $0x0  }
0xc3: {  	s3 =	rddreg [dreg:$0x2];
	[bflag:$0x3] =	sbarrier.arrive $0xFFFF;
	s2 =	simm.s32 @!p0 $0x1C07  }
0xc4: {  	[timem:s3], [sflag:s2] =	dma.local @!p0 [hbm:s0], s1  }
0xc5: {  	s0 =	simm.s32 @!p0 $0x7  }
0xc6: {  	_ =	swait.ge @!p0 [sflag:s0], s1  }
0xc7: {  	s1 =	ssub.s32 @!p0 $0x0, s1;
	[sflag:s0] =	ssyncset.done @!p0 $0x0  }
0xc8: {  	[sflag:s0] =	ssyncadd.s32 @!p0 s1  }
0xc9: {  	[bflag:$0x3] =	sbarrier.arrive $0xFFFF  }
0xca: {  	_ =	shalt  }

</sc_bundles>
